<compile_context>
chip_gen: v7x
topology: tpu7x:2x2x1
jax: 0.10.2.dev20260603
libtpu: 0.0.44.dev20260713+nightly
codegen_flags: <defaults>
</compile_context>

<pallas_src>
import functools

import jax
import jax.numpy as jnp
from jax.experimental import pallas as pl
from jax.experimental.pallas import tpu as pltpu
from jax.experimental.pallas import tpu_sc as plsc

D = 768
NH = 12
DH = D // NH
E = 8
TK = 2
FF = 4 * D
S = 2048
V = 32000

BM = 256
NB = (TK * S) // BM + E
P = NB * BM
FFB = 1536
NFF = FF // FFB

_NC = 2
_NS = 16
_NW = _NC * _NS


def _sc_mesh():
    return plsc.VectorSubcoreMesh(core_axis_name="c", subcore_axis_name="s")


def _sc_gather_rows(table, idx):
    B = idx.shape[0]
    d = table.shape[1]
    bw = B // _NW

    @functools.partial(
        pl.kernel,
        mesh=_sc_mesh(),
        out_type=jax.ShapeDtypeStruct((B, d), table.dtype),
        scratch_types=[
            pltpu.VMEM((bw,), jnp.int32),
            pltpu.VMEM((bw, d), table.dtype),
            pltpu.SemaphoreType.DMA,
        ],
    )
    def k(table_hbm, idx_hbm, out_hbm, idx_v, rows_v, sem):
        wid = jax.lax.axis_index("s") * _NC + jax.lax.axis_index("c")
        base = wid * bw
        pltpu.sync_copy(idx_hbm.at[pl.ds(base, bw)], idx_v)
        pltpu.async_copy(table_hbm.at[idx_v], rows_v, sem).wait()
        pltpu.sync_copy(rows_v, out_hbm.at[pl.ds(base, bw)])

    return k(table, idx)


def _sc_scatter_rows(rows, idx2d, n_out):
    nrows, d = rows.shape
    nw, bw = idx2d.shape
    nsrc = nrows // bw

    @functools.partial(
        pl.kernel,
        mesh=_sc_mesh(),
        out_type=jax.ShapeDtypeStruct((n_out, d), rows.dtype),
        scratch_types=[
            pltpu.VMEM((bw,), jnp.int32),
            pltpu.VMEM((bw, d), rows.dtype),
            pltpu.SemaphoreType.DMA,
        ],
    )
    def k(x_hbm, i_hbm, o_hbm, idx_v, rows_v, sem):
        wid = jax.lax.axis_index("s") * _NC + jax.lax.axis_index("c")
        src = jax.lax.rem(wid, nsrc) * bw
        pltpu.sync_copy(i_hbm.at[wid], idx_v)
        pltpu.sync_copy(x_hbm.at[pl.ds(src, bw)], rows_v)
        pltpu.async_copy(rows_v, o_hbm.at[idx_v], sem).wait()

    return k(rows, idx2d)


def _add(a, b):
    def body(a_ref, b_ref, o_ref):
        o_ref[...] = a_ref[...] + b_ref[...]

    return pl.pallas_call(
        body, out_shape=jax.ShapeDtypeStruct(a.shape, a.dtype)
    )(a, b)



def _ln_body(x, g, b):
    m = jnp.mean(x, axis=-1, keepdims=True)
    v = jnp.mean((x - m) * (x - m), axis=-1, keepdims=True)
    return (x - m) * jax.lax.rsqrt(v + 1e-5) * g + b


DHP = 128
QKVP = 3 * NH * DHP
CTXP = NH * DHP


def _ln_qkv(x, g, b, wqkv_pad, bqkv_pad):
    CB = QKVP // 4

    def body(x_ref, g_ref, b_ref, w_ref, bias_ref, o_ref):
        h = _ln_body(x_ref[...], g_ref[...], b_ref[...])
        o_ref[...] = (
            jax.lax.dot_general(
                h, w_ref[...], (((1,), (1,)), ((), ())),
                preferred_element_type=jnp.float32,
            )
            + bias_ref[...]
        )

    return pl.pallas_call(
        body,
        grid=(QKVP // CB,),
        in_specs=[
            pl.BlockSpec((S, D), lambda c: (0, 0)),
            pl.BlockSpec((1, D), lambda c: (0, 0)),
            pl.BlockSpec((1, D), lambda c: (0, 0)),
            pl.BlockSpec((CB, D), lambda c: (c, 0)),
            pl.BlockSpec((1, CB), lambda c: (0, c)),
        ],
        out_specs=pl.BlockSpec((S, CB), lambda c: (0, c)),
        out_shape=jax.ShapeDtypeStruct((S, QKVP), jnp.float32),
    )(x, g, b, wqkv_pad, bqkv_pad)


def _attention(qkv):
    BQ = 512
    scale = 0.125

    def body(q_ref, k_ref, v_ref, o_ref):
        s = jax.lax.dot_general(
            q_ref[...], k_ref[...], (((1,), (1,)), ((), ())),
            preferred_element_type=jnp.float32,
        ) * scale
        s = s - jnp.max(s, axis=-1, keepdims=True)
        e = jnp.exp(s)
        p = e / jnp.sum(e, axis=-1, keepdims=True)
        o_ref[...] = jnp.dot(p, v_ref[...], preferred_element_type=jnp.float32)

    return pl.pallas_call(
        body,
        grid=(NH, S // BQ),
        in_specs=[
            pl.BlockSpec((BQ, DHP), lambda h, i: (i, h)),
            pl.BlockSpec((S, DHP), lambda h, i: (0, NH + h)),
            pl.BlockSpec((S, DHP), lambda h, i: (0, 2 * NH + h)),
        ],
        out_specs=pl.BlockSpec((BQ, DHP), lambda h, i: (i, h)),
        out_shape=jax.ShapeDtypeStruct((S, CTXP), jnp.float32),
    )(qkv, qkv, qkv)


def _proj_res(ctx, wo_pad, bo, res):

    def body(c_ref, w_ref, b_ref, r_ref, o_ref):
        o_ref[...] = (
            jax.lax.dot_general(
                c_ref[...], w_ref[...], (((1,), (1,)), ((), ())),
                preferred_element_type=jnp.float32,
            )
            + b_ref[...]
            + r_ref[...]
        )

    return pl.pallas_call(
        body, out_shape=jax.ShapeDtypeStruct((S, D), jnp.float32)
    )(ctx, wo_pad, bo, res)


def _ln_router(x, g, b, wr, br):

    def body(x_ref, g_ref, b_ref, wr_ref, br_ref,
             h_ref, pos_ref, gate_ref, be_ref):
        h = _ln_body(x_ref[...], g_ref[...], b_ref[...])
        h_ref[...] = h
        logits = (
            jax.lax.dot_general(
                h, wr_ref[...], (((1,), (1,)), ((), ())),
                preferred_element_type=jnp.float32,
            )
            + br_ref[...]
        )
        mx = jnp.max(logits, axis=-1, keepdims=True)
        ex = jnp.exp(logits - mx)
        probs = ex / jnp.sum(ex, axis=-1, keepdims=True)

        ecols = jax.lax.broadcasted_iota(jnp.int32, (S, E), 1)
        m1 = jnp.max(probs, axis=-1, keepdims=True)
        i1 = jnp.min(jnp.where(probs == m1, ecols, E), axis=-1, keepdims=True)
        probs2 = jnp.where(ecols == i1, -1.0, probs)
        m2 = jnp.max(probs2, axis=-1, keepdims=True)
        i2 = jnp.min(jnp.where(probs2 == m2, ecols, E), axis=-1, keepdims=True)
        ssum = m1 + m2
        gate_ref[...] = jnp.concatenate([m1 / ssum, m2 / ssum], axis=1)

        sel1 = (ecols == i1).astype(jnp.float32)
        sel2 = (ecols == i2).astype(jnp.float32)
        cnt = sel1 + sel2

        rr = jax.lax.broadcasted_iota(jnp.int32, (S, S), 0)
        cc = jax.lax.broadcasted_iota(jnp.int32, (S, S), 1)
        lt = (cc < rr).astype(jnp.float32)
        cnt_before = jnp.dot(lt, cnt, preferred_element_type=jnp.float32)

        counts = jnp.sum(cnt, axis=0, keepdims=True)
        pc = jnp.ceil(counts * (1.0 / BM)) * BM
        er = jax.lax.broadcasted_iota(jnp.int32, (E, E), 0)
        ec = jax.lax.broadcasted_iota(jnp.int32, (E, E), 1)
        off = jnp.dot(pc, (er < ec).astype(jnp.float32),
                      preferred_element_type=jnp.float32)
        cum = jnp.dot(pc, (er <= ec).astype(jnp.float32),
                      preferred_element_type=jnp.float32)

        base = off + cnt_before
        pos1 = jnp.sum(jnp.where(ecols == i1, base, 0.0), axis=-1, keepdims=True)
        pos2 = jnp.sum(jnp.where(ecols == i2, base, 0.0), axis=-1, keepdims=True)
        pos_ref[...] = jnp.concatenate([pos1, pos2], axis=1).astype(jnp.int32)

        blk = jax.lax.broadcasted_iota(jnp.int32, (NB, E), 0) * BM
        be = jnp.sum((blk.astype(jnp.float32) >= cum).astype(jnp.float32),
                     axis=-1, keepdims=True)
        be_ref[...] = be.astype(jnp.int32)

    return pl.pallas_call(
        body,
        out_shape=(
            jax.ShapeDtypeStruct((S, D), jnp.float32),
            jax.ShapeDtypeStruct((S, 2), jnp.int32),
            jax.ShapeDtypeStruct((S, 2), jnp.float32),
            jax.ShapeDtypeStruct((NB, 1), jnp.int32),
        ),
    )(x, g, b, wr, br)

def _grouped_ffn(xb, w1, b1, w2, b2, be):

    def body(be_ref, x_ref, w1_ref, b1_ref, w2_ref, b2_ref, o_ref):
        i = pl.program_id(0)
        j = pl.program_id(1)

        @pl.when(be_ref[i] < E)
        def _():
            a = (
                jnp.dot(x_ref[...], w1_ref[0],
                        preferred_element_type=jnp.float32)
                + b1_ref[0]
            )
            a = jax.nn.gelu(a)
            h2 = jnp.dot(a, w2_ref[0], preferred_element_type=jnp.float32)

            @pl.when(j == 0)
            def _():
                o_ref[...] = h2 + b2_ref[0]

            @pl.when(j != 0)
            def _():
                o_ref[...] += h2

    grid_spec = pltpu.PrefetchScalarGridSpec(
        num_scalar_prefetch=1,
        grid=(NB, NFF),
        in_specs=[
            pl.BlockSpec((BM, D), lambda i, j, be: (i, 0)),
            pl.BlockSpec((1, D, FFB),
                         lambda i, j, be: (jnp.minimum(be[i], E - 1), 0, j)),
            pl.BlockSpec((1, 1, FFB),
                         lambda i, j, be: (jnp.minimum(be[i], E - 1), 0, j)),
            pl.BlockSpec((1, FFB, D),
                         lambda i, j, be: (jnp.minimum(be[i], E - 1), j, 0)),
            pl.BlockSpec((1, 1, D),
                         lambda i, j, be: (jnp.minimum(be[i], E - 1), 0, 0)),
        ],
        out_specs=pl.BlockSpec((BM, D), lambda i, j, be: (i, 0)),
    )
    return pl.pallas_call(
        body,
        grid_spec=grid_spec,
        out_shape=jax.ShapeDtypeStruct((P, D), jnp.float32),
    )(be, xb, w1, b1.reshape(E, 1, FF), w2, b2.reshape(E, 1, D))


def _combine(res, gath, gates):

    def body(r_ref, a_ref, b_ref, w_ref, o_ref):
        o_ref[...] = (
            r_ref[...]
            + w_ref[:, 0:1] * a_ref[...]
            + w_ref[:, 1:2] * b_ref[...]
        )

    return pl.pallas_call(
        body,
        grid=(1,),
        in_specs=[
            pl.BlockSpec((S, D), lambda i: (0, 0)),
            pl.BlockSpec((S, D), lambda i: (0, 0)),
            pl.BlockSpec((S, D), lambda i: (1, 0)),
            pl.BlockSpec((S, TK), lambda i: (0, 0)),
        ],
        out_specs=pl.BlockSpec((S, D), lambda i: (0, 0)),
        out_shape=jax.ShapeDtypeStruct((S, D), jnp.float32),
    )(res, gath, gath, gates)


def _lm_head(x, g, b, wlm, blm):
    BR = 1024
    CB = 1280

    def body(x_ref, g_ref, b_ref, w_ref, bias_ref, o_ref):
        xx = x_ref[...]
        m = jnp.mean(xx, axis=-1, keepdims=True)
        v = jnp.mean((xx - m) * (xx - m), axis=-1, keepdims=True)
        h = (xx - m) * jax.lax.rsqrt(v + 1e-5) * g_ref[...] + b_ref[...]
        o_ref[...] = (
            jax.lax.dot_general(
                h, w_ref[...], (((1,), (1,)), ((), ())),
                preferred_element_type=jnp.float32,
            )
            + bias_ref[...]
        )

    return pl.pallas_call(
        body,
        grid=(V // CB, S // BR),
        in_specs=[
            pl.BlockSpec((BR, D), lambda c, r: (r, 0)),
            pl.BlockSpec((1, D), lambda c, r: (0, 0)),
            pl.BlockSpec((1, D), lambda c, r: (0, 0)),
            pl.BlockSpec((CB, D), lambda c, r: (c, 0)),
            pl.BlockSpec((1, CB), lambda c, r: (0, c)),
        ],
        out_specs=pl.BlockSpec((BR, CB), lambda c, r: (r, c)),
        out_shape=jax.ShapeDtypeStruct((S, V), jnp.float32),
    )(x, g, b, wlm, blm)


def kernel(params, input_ids):
    p = params
    ids = input_ids.reshape(S).astype(jnp.int32)

    emb = _sc_gather_rows(p['tok_emb'], ids)
    x = _add(emb, p['pos_emb'])

    for blk in p['blocks']:
        w_re = blk['Wqkv'].reshape(3 * NH, DH, D)
        wqkv_pad = jnp.concatenate(
            [w_re, jnp.zeros((3 * NH, DHP - DH, D), jnp.float32)], axis=1
        ).reshape(QKVP, D)
        b_re = blk['bqkv'].reshape(3 * NH, DH)
        bqkv_pad = jnp.concatenate(
            [b_re, jnp.zeros((3 * NH, DHP - DH), jnp.float32)], axis=1
        ).reshape(1, QKVP)
        wo_re = blk['Wo'].reshape(D, NH, DH)
        wo_pad = jnp.concatenate(
            [wo_re, jnp.zeros((D, NH, DHP - DH), jnp.float32)], axis=2
        ).reshape(D, CTXP)

        qkv = _ln_qkv(x, blk['ln1_g'].reshape(1, D), blk['ln1_b'].reshape(1, D),
                      wqkv_pad, bqkv_pad)
        ctx = _attention(qkv)
        x = _proj_res(ctx, wo_pad, blk['bo'].reshape(1, D), x)

        h_ln, pos2, gates, be2 = _ln_router(
            x, blk['ln2_g'].reshape(1, D), blk['ln2_b'].reshape(1, D),
            blk['Wr'], blk['br'].reshape(1, E))
        pos_flat = jnp.transpose(pos2).reshape(TK * S)
        be = be2.reshape(NB)

        disp = _sc_scatter_rows(h_ln, pos_flat.reshape(_NW, (TK * S) // _NW), P)
        eout = _grouped_ffn(disp, blk['W1'], blk['b1'], blk['W2'], blk['b2'], be)
        gath = _sc_gather_rows(eout, pos_flat)
        x = _combine(x, gath, gates)

    out = _lm_head(x, p['lnf_g'].reshape(1, D),
                   p['lnf_b'].reshape(1, D), p['Wlm'], p['blm'].reshape(1, V))
    return out.reshape(1, S, V)

# --- scband reference (transcript-rebuilt; emitter-appended) ---
"""Pipeline reference for scband-mo-egpt-56298431316472 (READ-ONLY COPY).

The authoritative reference and input builder live on the scoring server;
editing this copy changes nothing except your own understanding.
"""

import jax, jax.numpy as jnp
import numpy as np

V = 32000; D = 768; NL = 2; NH = 12; E = 8; TK = 2; S = 2048; FF = 4 * D; B = 1


def setup_inputs(seed: int = 0) -> dict:
    key = jax.random.key(seed)
    keys = jax.random.split(key, 32)
    _ki = [0]
    def nrm(shape, scale=0.02):
        k = keys[_ki[0]]; _ki[0] += 1
        return jax.random.normal(k, shape, dtype=jnp.float32) * scale
    blocks = []
    for _ in range(NL):
        blocks.append({
            'ln1_g': jnp.ones((D,), jnp.float32), 'ln1_b': jnp.zeros((D,), jnp.float32),
            'Wqkv': nrm((3 * D, D)), 'bqkv': jnp.zeros((3 * D,), jnp.float32),
            'Wo': nrm((D, D)), 'bo': jnp.zeros((D,), jnp.float32),
            'ln2_g': jnp.ones((D,), jnp.float32), 'ln2_b': jnp.zeros((D,), jnp.float32),
            'Wr': nrm((E, D)), 'br': jnp.zeros((E,), jnp.float32),
            'W1': nrm((E, D, FF)), 'b1': jnp.zeros((E, FF), jnp.float32),
            'W2': nrm((E, FF, D)), 'b2': jnp.zeros((E, D), jnp.float32),
        })
    params = {
        'tok_emb': nrm((V, D)),
        'pos_emb': nrm((S, D)),
        'blocks': blocks,
        'lnf_g': jnp.ones((D,), jnp.float32), 'lnf_b': jnp.zeros((D,), jnp.float32),
        'Wlm': nrm((V, D)), 'blm': jnp.zeros((V,), jnp.float32),
    }
    k = keys[_ki[0]]; _ki[0] += 1
    input_ids = jax.random.randint(k, (B, S), 0, V)
    return {'params': params, 'input_ids': input_ids}


def _ln(x, g, b):
    m = x.mean(-1, keepdims=True)
    v = jnp.var(x, axis=-1, keepdims=True)
    return (x - m) / jnp.sqrt(v + 1e-5) * g + b


def _attn(x, p):
    Bb, Ss, Dd = x.shape
    qkv = x @ p['Wqkv'].T + p['bqkv']
    q, k, v = jnp.split(qkv, 3, axis=-1)
    dh = Dd // NH
    def sp(t):
        return t.reshape(Bb, Ss, NH, dh).transpose(0, 2, 1, 3)
    q, k, v = sp(q), sp(k), sp(v)
    scores = (q @ k.transpose(0, 1, 3, 2)) / jnp.sqrt(jnp.float32(dh))
    a = jax.nn.softmax(scores, axis=-1)
    ctx = (a @ v).transpose(0, 2, 1, 3).reshape(Bb, Ss, Dd)
    return ctx @ p['Wo'].T + p['bo']


def _moe(x, p):
    Bb, Ss, Dd = x.shape
    h = x.reshape(Bb * Ss, Dd)
    logits = h @ p['Wr'].T + p['br']
    probs = jax.nn.softmax(logits, axis=-1)
    topv, topi = jax.lax.top_k(probs, TK)
    gates = topv / topv.sum(-1, keepdims=True)
    # scatter normalized top-k gates into a dense [T, E] combine matrix
    full = (jax.nn.one_hot(topi, E, dtype=h.dtype) * gates[..., None]).sum(axis=1)
    h1 = jax.nn.gelu(jnp.einsum('td,edf->etf', h, p['W1']) + p['b1'][:, None, :])
    h2 = jnp.einsum('etf,efd->etd', h1, p['W2']) + p['b2'][:, None, :]
    out = jnp.einsum('te,etd->td', full, h2)
    return out.reshape(Bb, Ss, Dd)


def reference(params, input_ids):
    x = params['tok_emb'][input_ids] + params['pos_emb'][:input_ids.shape[1]]
    for p in params['blocks']:
        r = x
        h = _ln(x, p['ln1_g'], p['ln1_b'])
        x = _attn(h, p) + r
        r = x
        h = _ln(x, p['ln2_g'], p['ln2_b'])
        x = _moe(h, p) + r
    x = _ln(x, params['lnf_g'], params['lnf_b'])
    return x @ params['Wlm'].T + params['blm']

if __name__ == "__main__":
    import jax
    _d = setup_inputs()
    print(jax.jit(kernel)(*tuple(_d.values())))

</pallas_src>

<mosaic_0001>
#map = affine_map<(d0, d1) -> (0, 0)>
module attributes {stable_mosaic.version = 14 : i64} {
  func.func @k(%arg0: i32, %arg1: i32, %arg2: memref<2048x768xf32, #tpu.memory_space<hbm>>, %arg3: memref<32x128xi32, #tpu.memory_space<hbm>>, %arg4: memref<6144x768xf32, #tpu.memory_space<hbm>>, %arg5: memref<128xi32, #tpu.memory_space<vmem>>, %arg6: memref<128x768xf32, #tpu.memory_space<vmem>>, %arg7: memref<!tpu.dma_semaphore, #tpu.memory_space<semaphore_mem>>) attributes {dimension_semantics = [#tpu.dimension_semantics<core_parallel>, #tpu.dimension_semantics<subcore_parallel>], iteration_bounds = array<i64: 2, 16>, scalar_prefetch = 0 : i64, scratch_operands = 3 : i64, tpu.core_type = #tpu.core_type<sc_vector_subcore>, window_params = [{transform_indices = #map}, {transform_indices = #map}, {transform_indices = #map}]} {
    %mul3A = arith.constant 2 : i32
    %mul3A_0 = arith.muli %arg1, %mul3A : i32
    %add3A = arith.addi %mul3A_0, %arg0 : i32
    %rem3A = arith.constant 16 : i32
    %rem3A_1 = arith.remsi %add3A, %rem3A : i32
    %mul3A_2 = arith.constant 128 : i32
    %mul3A_3 = arith.muli %rem3A_1, %mul3A_2 : i32
    "tpu.region"() ({
      %run_scoped3A = tpu.sem_alloc : memref<!tpu.dma_semaphore, #tpu.memory_space<semaphore_mem>>
      %dma_start3A_8 = arith.constant 0 : i32
      %dma_start3A_9 = tpu.memref_slice %arg3[%add3A, %dma_start3A_8] : memref<32x128xi32, #tpu.memory_space<hbm>> -> memref<1x128xi32, #tpu.memory_space<hbm>>
      %dma_start3A_10 = tpu.memref_squeeze %dma_start3A_9 : memref<1x128xi32, #tpu.memory_space<hbm>> -> memref<128xi32, #tpu.memory_space<hbm>>
      %dma_start3A_11 = arith.constant 0 : i32
      %dma_start3A_12 = tpu.memref_slice %arg3[%add3A, %dma_start3A_11] : memref<32x128xi32, #tpu.memory_space<hbm>> -> memref<1x128xi32, #tpu.memory_space<hbm>>
      %dma_start3A_13 = tpu.memref_squeeze %dma_start3A_12 : memref<1x128xi32, #tpu.memory_space<hbm>> -> memref<128xi32, #tpu.memory_space<hbm>>
      tpu.enqueue_dma source(%dma_start3A_13 : memref<128xi32, #tpu.memory_space<hbm>>) target(%arg5 : memref<128xi32, #tpu.memory_space<vmem>>) target_semaphore(%run_scoped3A : memref<!tpu.dma_semaphore, #tpu.memory_space<semaphore_mem>>)
      %dma_wait3A_14 = arith.constant 0 : i32
      %dma_wait3A_15 = tpu.memref_slice %arg3[%add3A, %dma_wait3A_14] : memref<32x128xi32, #tpu.memory_space<hbm>> -> memref<1x128xi32, #tpu.memory_space<hbm>>
      %dma_wait3A_16 = tpu.memref_squeeze %dma_wait3A_15 : memref<1x128xi32, #tpu.memory_space<hbm>> -> memref<128xi32, #tpu.memory_space<hbm>>
      %dma_wait3A_17 = arith.constant 0 : i32
      %dma_wait3A_18 = tpu.memref_slice %arg3[%add3A, %dma_wait3A_17] : memref<32x128xi32, #tpu.memory_space<hbm>> -> memref<1x128xi32, #tpu.memory_space<hbm>>
      %dma_wait3A_19 = tpu.memref_squeeze %dma_wait3A_18 : memref<1x128xi32, #tpu.memory_space<hbm>> -> memref<128xi32, #tpu.memory_space<hbm>>
      tpu.wait_dma2 semaphore(%run_scoped3A : memref<!tpu.dma_semaphore, #tpu.memory_space<semaphore_mem>>) src(%dma_wait3A_19 : memref<128xi32, #tpu.memory_space<hbm>>) dst(%arg5 : memref<128xi32, #tpu.memory_space<vmem>>)
      tpu.yield
    }) : () -> ()
    "tpu.region"() ({
      %run_scoped3A = tpu.sem_alloc : memref<!tpu.dma_semaphore, #tpu.memory_space<semaphore_mem>>
      %dma_start3A_8 = arith.constant 0 : i32
      %dma_start3A_9 = tpu.memref_slice %arg2[%mul3A_3, %dma_start3A_8] : memref<2048x768xf32, #tpu.memory_space<hbm>> -> memref<128x768xf32, #tpu.memory_space<hbm>>
      %dma_start3A_10 = arith.constant 0 : i32
      %dma_start3A_11 = tpu.memref_slice %arg2[%mul3A_3, %dma_start3A_10] : memref<2048x768xf32, #tpu.memory_space<hbm>> -> memref<128x768xf32, #tpu.memory_space<hbm>>
      tpu.enqueue_dma source(%dma_start3A_11 : memref<128x768xf32, #tpu.memory_space<hbm>>) target(%arg6 : memref<128x768xf32, #tpu.memory_space<vmem>>) target_semaphore(%run_scoped3A : memref<!tpu.dma_semaphore, #tpu.memory_space<semaphore_mem>>)
      %dma_wait3A_12 = arith.constant 0 : i32
      %dma_wait3A_13 = tpu.memref_slice %arg2[%mul3A_3, %dma_wait3A_12] : memref<2048x768xf32, #tpu.memory_space<hbm>> -> memref<128x768xf32, #tpu.memory_space<hbm>>
      %dma_wait3A_14 = arith.constant 0 : i32
      %dma_wait3A_15 = tpu.memref_slice %arg2[%mul3A_3, %dma_wait3A_14] : memref<2048x768xf32, #tpu.memory_space<hbm>> -> memref<128x768xf32, #tpu.memory_space<hbm>>
      tpu.wait_dma2 semaphore(%run_scoped3A : memref<!tpu.dma_semaphore, #tpu.memory_space<semaphore_mem>>) src(%dma_wait3A_15 : memref<128x768xf32, #tpu.memory_space<hbm>>) dst(%arg6 : memref<128x768xf32, #tpu.memory_space<vmem>>)
      tpu.yield
    }) : () -> ()
    %dma_start3A = arith.constant 0 : i32
    %dma_start3A_4 = arith.constant 0 : i32
    %dma_start3A_5 = tpu.memref_slice %arg4[%dma_start3A, %dma_start3A_4] : memref<6144x768xf32, #tpu.memory_space<hbm>> -> memref<6144x768xf32, #tpu.memory_space<hbm>>
    tpu.enqueue_indirect_dma source(%arg6 : memref<128x768xf32, #tpu.memory_space<vmem>>) target(%dma_start3A_5 : memref<6144x768xf32, #tpu.memory_space<hbm>>) offsets(%arg5 : memref<128xi32, #tpu.memory_space<vmem>>) semaphore(%arg7 : memref<!tpu.dma_semaphore, #tpu.memory_space<semaphore_mem>>)
    %dma_wait3A = arith.constant 0 : i32
    %dma_wait3A_6 = arith.constant 0 : i32
    %dma_wait3A_7 = tpu.memref_slice %arg4[%dma_wait3A, %dma_wait3A_6] : memref<6144x768xf32, #tpu.memory_space<hbm>> -> memref<6144x768xf32, #tpu.memory_space<hbm>>
    tpu.wait_indirect_dma semaphore(%arg7 : memref<!tpu.dma_semaphore, #tpu.memory_space<semaphore_mem>>) src(%arg6 : memref<128x768xf32, #tpu.memory_space<vmem>>) dst(%dma_wait3A_7 : memref<6144x768xf32, #tpu.memory_space<hbm>>)
    return
  }
}

#map = affine_map<(d0, d1) -> (0, 0)>
#map1 = affine_map<(d0, d1) -> (0)>
module attributes {stable_mosaic.version = 14 : i64} {
  func.func @k(%arg0: i32, %arg1: i32, %arg2: memref<6144x768xf32, #tpu.memory_space<hbm>>, %arg3: memref<4096xi32, #tpu.memory_space<hbm>>, %arg4: memref<4096x768xf32, #tpu.memory_space<hbm>>, %arg5: memref<128xi32, #tpu.memory_space<vmem>>, %arg6: memref<128x768xf32, #tpu.memory_space<vmem>>, %arg7: memref<!tpu.dma_semaphore, #tpu.memory_space<semaphore_mem>>) attributes {dimension_semantics = [#tpu.dimension_semantics<core_parallel>, #tpu.dimension_semantics<subcore_parallel>], iteration_bounds = array<i64: 2, 16>, scalar_prefetch = 0 : i64, scratch_operands = 3 : i64, tpu.core_type = #tpu.core_type<sc_vector_subcore>, window_params = [{transform_indices = #map}, {transform_indices = #map1}, {transform_indices = #map}]} {
    %mul3A = arith.constant 2 : i32
    %mul3A_0 = arith.muli %arg1, %mul3A : i32
    %add3A = arith.addi %mul3A_0, %arg0 : i32
    %mul3A_1 = arith.constant 128 : i32
    %mul3A_2 = arith.muli %add3A, %mul3A_1 : i32
    "tpu.region"() ({
      %run_scoped3A = tpu.sem_alloc : memref<!tpu.dma_semaphore, #tpu.memory_space<semaphore_mem>>
      %dma_start3A_7 = tpu.memref_slice %arg3[%mul3A_2] : memref<4096xi32, #tpu.memory_space<hbm>> -> memref<128xi32, #tpu.memory_space<hbm>>
      %dma_start3A_8 = tpu.memref_slice %arg3[%mul3A_2] : memref<4096xi32, #tpu.memory_space<hbm>> -> memref<128xi32, #tpu.memory_space<hbm>>
      tpu.enqueue_dma source(%dma_start3A_8 : memref<128xi32, #tpu.memory_space<hbm>>) target(%arg5 : memref<128xi32, #tpu.memory_space<vmem>>) target_semaphore(%run_scoped3A : memref<!tpu.dma_semaphore, #tpu.memory_space<semaphore_mem>>)
      %dma_wait3A_9 = tpu.memref_slice %arg3[%mul3A_2] : memref<4096xi32, #tpu.memory_space<hbm>> -> memref<128xi32, #tpu.memory_space<hbm>>
      %dma_wait3A_10 = tpu.memref_slice %arg3[%mul3A_2] : memref<4096xi32, #tpu.memory_space<hbm>> -> memref<128xi32, #tpu.memory_space<hbm>>
      tpu.wait_dma2 semaphore(%run_scoped3A : memref<!tpu.dma_semaphore, #tpu.memory_space<semaphore_mem>>) src(%dma_wait3A_10 : memref<128xi32, #tpu.memory_space<hbm>>) dst(%arg5 : memref<128xi32, #tpu.memory_space<vmem>>)
      tpu.yield
    }) : () -> ()
    %dma_start3A = arith.constant 0 : i32
    %dma_start3A_3 = arith.constant 0 : i32
    %dma_start3A_4 = tpu.memref_slice %arg2[%dma_start3A, %dma_start3A_3] : memref<6144x768xf32, #tpu.memory_space<hbm>> -> memref<6144x768xf32, #tpu.memory_space<hbm>>
    tpu.enqueue_indirect_dma source(%dma_start3A_4 : memref<6144x768xf32, #tpu.memory_space<hbm>>) target(%arg6 : memref<128x768xf32, #tpu.memory_space<vmem>>) offsets(%arg5 : memref<128xi32, #tpu.memory_space<vmem>>) semaphore(%arg7 : memref<!tpu.dma_semaphore, #tpu.memory_space<semaphore_mem>>)
    %dma_wait3A = arith.constant 0 : i32
    %dma_wait3A_5 = arith.constant 0 : i32
    %dma_wait3A_6 = tpu.memref_slice %arg2[%dma_wait3A, %dma_wait3A_5] : memref<6144x768xf32, #tpu.memory_space<hbm>> -> memref<6144x768xf32, #tpu.memory_space<hbm>>
    tpu.wait_indirect_dma semaphore(%arg7 : memref<!tpu.dma_semaphore, #tpu.memory_space<semaphore_mem>>) src(%dma_wait3A_6 : memref<6144x768xf32, #tpu.memory_space<hbm>>) dst(%arg6 : memref<128x768xf32, #tpu.memory_space<vmem>>)
    "tpu.region"() ({
      %run_scoped3A = tpu.sem_alloc : memref<!tpu.dma_semaphore, #tpu.memory_space<semaphore_mem>>
      %dma_start3A_7 = arith.constant 0 : i32
      %dma_start3A_8 = tpu.memref_slice %arg4[%mul3A_2, %dma_start3A_7] : memref<4096x768xf32, #tpu.memory_space<hbm>> -> memref<128x768xf32, #tpu.memory_space<hbm>>
      %dma_start3A_9 = arith.constant 0 : i32
      %dma_start3A_10 = tpu.memref_slice %arg4[%mul3A_2, %dma_start3A_9] : memref<4096x768xf32, #tpu.memory_space<hbm>> -> memref<128x768xf32, #tpu.memory_space<hbm>>
      tpu.enqueue_dma source(%arg6 : memref<128x768xf32, #tpu.memory_space<vmem>>) target(%dma_start3A_10 : memref<128x768xf32, #tpu.memory_space<hbm>>) target_semaphore(%run_scoped3A : memref<!tpu.dma_semaphore, #tpu.memory_space<semaphore_mem>>)
      %dma_wait3A_11 = arith.constant 0 : i32
      %dma_wait3A_12 = tpu.memref_slice %arg4[%mul3A_2, %dma_wait3A_11] : memref<4096x768xf32, #tpu.memory_space<hbm>> -> memref<128x768xf32, #tpu.memory_space<hbm>>
      %dma_wait3A_13 = arith.constant 0 : i32
      %dma_wait3A_14 = tpu.memref_slice %arg4[%mul3A_2, %dma_wait3A_13] : memref<4096x768xf32, #tpu.memory_space<hbm>> -> memref<128x768xf32, #tpu.memory_space<hbm>>
      tpu.wait_dma2 semaphore(%run_scoped3A : memref<!tpu.dma_semaphore, #tpu.memory_space<semaphore_mem>>) src(%arg6 : memref<128x768xf32, #tpu.memory_space<vmem>>) dst(%dma_wait3A_14 : memref<128x768xf32, #tpu.memory_space<hbm>>)
      tpu.yield
    }) : () -> ()
    return
  }
}

#map = affine_map<(d0, d1) -> (0, 0)>
#map1 = affine_map<(d0, d1) -> (0)>
module attributes {stable_mosaic.version = 14 : i64} {
  func.func @k(%arg0: i32, %arg1: i32, %arg2: memref<32000x768xf32, #tpu.memory_space<hbm>>, %arg3: memref<2048xi32, #tpu.memory_space<hbm>>, %arg4: memref<2048x768xf32, #tpu.memory_space<hbm>>, %arg5: memref<64xi32, #tpu.memory_space<vmem>>, %arg6: memref<64x768xf32, #tpu.memory_space<vmem>>, %arg7: memref<!tpu.dma_semaphore, #tpu.memory_space<semaphore_mem>>) attributes {dimension_semantics = [#tpu.dimension_semantics<core_parallel>, #tpu.dimension_semantics<subcore_parallel>], iteration_bounds = array<i64: 2, 16>, scalar_prefetch = 0 : i64, scratch_operands = 3 : i64, tpu.core_type = #tpu.core_type<sc_vector_subcore>, window_params = [{transform_indices = #map}, {transform_indices = #map1}, {transform_indices = #map}]} {
    %mul3A = arith.constant 2 : i32
    %mul3A_0 = arith.muli %arg1, %mul3A : i32
    %add3A = arith.addi %mul3A_0, %arg0 : i32
    %mul3A_1 = arith.constant 64 : i32
    %mul3A_2 = arith.muli %add3A, %mul3A_1 : i32
    "tpu.region"() ({
      %run_scoped3A = tpu.sem_alloc : memref<!tpu.dma_semaphore, #tpu.memory_space<semaphore_mem>>
      %dma_start3A_7 = tpu.memref_slice %arg3[%mul3A_2] : memref<2048xi32, #tpu.memory_space<hbm>> -> memref<64xi32, #tpu.memory_space<hbm>>
      %dma_start3A_8 = tpu.memref_slice %arg3[%mul3A_2] : memref<2048xi32, #tpu.memory_space<hbm>> -> memref<64xi32, #tpu.memory_space<hbm>>
      tpu.enqueue_dma source(%dma_start3A_8 : memref<64xi32, #tpu.memory_space<hbm>>) target(%arg5 : memref<64xi32, #tpu.memory_space<vmem>>) target_semaphore(%run_scoped3A : memref<!tpu.dma_semaphore, #tpu.memory_space<semaphore_mem>>)
      %dma_wait3A_9 = tpu.memref_slice %arg3[%mul3A_2] : memref<2048xi32, #tpu.memory_space<hbm>> -> memref<64xi32, #tpu.memory_space<hbm>>
      %dma_wait3A_10 = tpu.memref_slice %arg3[%mul3A_2] : memref<2048xi32, #tpu.memory_space<hbm>> -> memref<64xi32, #tpu.memory_space<hbm>>
      tpu.wait_dma2 semaphore(%run_scoped3A : memref<!tpu.dma_semaphore, #tpu.memory_space<semaphore_mem>>) src(%dma_wait3A_10 : memref<64xi32, #tpu.memory_space<hbm>>) dst(%arg5 : memref<64xi32, #tpu.memory_space<vmem>>)
      tpu.yield
    }) : () -> ()
    %dma_start3A = arith.constant 0 : i32
    %dma_start3A_3 = arith.constant 0 : i32
    %dma_start3A_4 = tpu.memref_slice %arg2[%dma_start3A, %dma_start3A_3] : memref<32000x768xf32, #tpu.memory_space<hbm>> -> memref<32000x768xf32, #tpu.memory_space<hbm>>
    tpu.enqueue_indirect_dma source(%dma_start3A_4 : memref<32000x768xf32, #tpu.memory_space<hbm>>) target(%arg6 : memref<64x768xf32, #tpu.memory_space<vmem>>) offsets(%arg5 : memref<64xi32, #tpu.memory_space<vmem>>) semaphore(%arg7 : memref<!tpu.dma_semaphore, #tpu.memory_space<semaphore_mem>>)
    %dma_wait3A = arith.constant 0 : i32
    %dma_wait3A_5 = arith.constant 0 : i32
    %dma_wait3A_6 = tpu.memref_slice %arg2[%dma_wait3A, %dma_wait3A_5] : memref<32000x768xf32, #tpu.memory_space<hbm>> -> memref<32000x768xf32, #tpu.memory_space<hbm>>
    tpu.wait_indirect_dma semaphore(%arg7 : memref<!tpu.dma_semaphore, #tpu.memory_space<semaphore_mem>>) src(%dma_wait3A_6 : memref<32000x768xf32, #tpu.memory_space<hbm>>) dst(%arg6 : memref<64x768xf32, #tpu.memory_space<vmem>>)
    "tpu.region"() ({
      %run_scoped3A = tpu.sem_alloc : memref<!tpu.dma_semaphore, #tpu.memory_space<semaphore_mem>>
      %dma_start3A_7 = arith.constant 0 : i32
      %dma_start3A_8 = tpu.memref_slice %arg4[%mul3A_2, %dma_start3A_7] : memref<2048x768xf32, #tpu.memory_space<hbm>> -> memref<64x768xf32, #tpu.memory_space<hbm>>
      %dma_start3A_9 = arith.constant 0 : i32
      %dma_start3A_10 = tpu.memref_slice %arg4[%mul3A_2, %dma_start3A_9] : memref<2048x768xf32, #tpu.memory_space<hbm>> -> memref<64x768xf32, #tpu.memory_space<hbm>>
      tpu.enqueue_dma source(%arg6 : memref<64x768xf32, #tpu.memory_space<vmem>>) target(%dma_start3A_10 : memref<64x768xf32, #tpu.memory_space<hbm>>) target_semaphore(%run_scoped3A : memref<!tpu.dma_semaphore, #tpu.memory_space<semaphore_mem>>)
      %dma_wait3A_11 = arith.constant 0 : i32
      %dma_wait3A_12 = tpu.memref_slice %arg4[%mul3A_2, %dma_wait3A_11] : memref<2048x768xf32, #tpu.memory_space<hbm>> -> memref<64x768xf32, #tpu.memory_space<hbm>>
      %dma_wait3A_13 = arith.constant 0 : i32
      %dma_wait3A_14 = tpu.memref_slice %arg4[%mul3A_2, %dma_wait3A_13] : memref<2048x768xf32, #tpu.memory_space<hbm>> -> memref<64x768xf32, #tpu.memory_space<hbm>>
      tpu.wait_dma2 semaphore(%run_scoped3A : memref<!tpu.dma_semaphore, #tpu.memory_space<semaphore_mem>>) src(%arg6 : memref<64x768xf32, #tpu.memory_space<vmem>>) dst(%dma_wait3A_14 : memref<64x768xf32, #tpu.memory_space<hbm>>)
      tpu.yield
    }) : () -> ()
    return
  }
}

#map = affine_map<(d0, d1) -> (0, 0)>
module attributes {stable_mosaic.version = 14 : i64} {
  func.func @k(%arg0: i32, %arg1: i32, %arg2: memref<2048x768xf32, #tpu.memory_space<hbm>>, %arg3: memref<32x128xi32, #tpu.memory_space<hbm>>, %arg4: memref<6144x768xf32, #tpu.memory_space<hbm>>, %arg5: memref<128xi32, #tpu.memory_space<vmem>>, %arg6: memref<128x768xf32, #tpu.memory_space<vmem>>, %arg7: memref<!tpu.dma_semaphore, #tpu.memory_space<semaphore_mem>>) attributes {dimension_semantics = [#tpu.dimension_semantics<core_parallel>, #tpu.dimension_semantics<subcore_parallel>], iteration_bounds = array<i64: 2, 16>, scalar_prefetch = 0 : i64, scratch_operands = 3 : i64, tpu.core_type = #tpu.core_type<sc_vector_subcore>, window_params = [{transform_indices = #map}, {transform_indices = #map}, {transform_indices = #map}]} {
    %mul3A = arith.constant 2 : i32
    %mul3A_0 = arith.muli %arg1, %mul3A : i32
    %add3A = arith.addi %mul3A_0, %arg0 : i32
    %rem3A = arith.constant 16 : i32
    %rem3A_1 = arith.remsi %add3A, %rem3A : i32
    %mul3A_2 = arith.constant 128 : i32
    %mul3A_3 = arith.muli %rem3A_1, %mul3A_2 : i32
    "tpu.region"() ({
      %run_scoped3A = tpu.sem_alloc : memref<!tpu.dma_semaphore, #tpu.memory_space<semaphore_mem>>
      %dma_start3A_8 = arith.constant 0 : i32
      %dma_start3A_9 = tpu.memref_slice %arg3[%add3A, %dma_start3A_8] : memref<32x128xi32, #tpu.memory_space<hbm>> -> memref<1x128xi32, #tpu.memory_space<hbm>>
      %dma_start3A_10 = tpu.memref_squeeze %dma_start3A_9 : memref<1x128xi32, #tpu.memory_space<hbm>> -> memref<128xi32, #tpu.memory_space<hbm>>
      %dma_start3A_11 = arith.constant 0 : i32
      %dma_start3A_12 = tpu.memref_slice %arg3[%add3A, %dma_start3A_11] : memref<32x128xi32, #tpu.memory_space<hbm>> -> memref<1x128xi32, #tpu.memory_space<hbm>>
      %dma_start3A_13 = tpu.memref_squeeze %dma_start3A_12 : memref<1x128xi32, #tpu.memory_space<hbm>> -> memref<128xi32, #tpu.memory_space<hbm>>
      tpu.enqueue_dma source(%dma_start3A_13 : memref<128xi32, #tpu.memory_space<hbm>>) target(%arg5 : memref<128xi32, #tpu.memory_space<vmem>>) target_semaphore(%run_scoped3A : memref<!tpu.dma_semaphore, #tpu.memory_space<semaphore_mem>>)
      %dma_wait3A_14 = arith.constant 0 : i32
      %dma_wait3A_15 = tpu.memref_slice %arg3[%add3A, %dma_wait3A_14] : memref<32x128xi32, #tpu.memory_space<hbm>> -> memref<1x128xi32, #tpu.memory_space<hbm>>
      %dma_wait3A_16 = tpu.memref_squeeze %dma_wait3A_15 : memref<1x128xi32, #tpu.memory_space<hbm>> -> memref<128xi32, #tpu.memory_space<hbm>>
      %dma_wait3A_17 = arith.constant 0 : i32
      %dma_wait3A_18 = tpu.memref_slice %arg3[%add3A, %dma_wait3A_17] : memref<32x128xi32, #tpu.memory_space<hbm>> -> memref<1x128xi32, #tpu.memory_space<hbm>>
      %dma_wait3A_19 = tpu.memref_squeeze %dma_wait3A_18 : memref<1x128xi32, #tpu.memory_space<hbm>> -> memref<128xi32, #tpu.memory_space<hbm>>
      tpu.wait_dma2 semaphore(%run_scoped3A : memref<!tpu.dma_semaphore, #tpu.memory_space<semaphore_mem>>) src(%dma_wait3A_19 : memref<128xi32, #tpu.memory_space<hbm>>) dst(%arg5 : memref<128xi32, #tpu.memory_space<vmem>>)
      tpu.yield
    }) : () -> ()
    "tpu.region"() ({
      %run_scoped3A = tpu.sem_alloc : memref<!tpu.dma_semaphore, #tpu.memory_space<semaphore_mem>>
      %dma_start3A_8 = arith.constant 0 : i32
      %dma_start3A_9 = tpu.memref_slice %arg2[%mul3A_3, %dma_start3A_8] : memref<2048x768xf32, #tpu.memory_space<hbm>> -> memref<128x768xf32, #tpu.memory_space<hbm>>
      %dma_start3A_10 = arith.constant 0 : i32
      %dma_start3A_11 = tpu.memref_slice %arg2[%mul3A_3, %dma_start3A_10] : memref<2048x768xf32, #tpu.memory_space<hbm>> -> memref<128x768xf32, #tpu.memory_space<hbm>>
      tpu.enqueue_dma source(%dma_start3A_11 : memref<128x768xf32, #tpu.memory_space<hbm>>) target(%arg6 : memref<128x768xf32, #tpu.memory_space<vmem>>) target_semaphore(%run_scoped3A : memref<!tpu.dma_semaphore, #tpu.memory_space<semaphore_mem>>)
      %dma_wait3A_12 = arith.constant 0 : i32
      %dma_wait3A_13 = tpu.memref_slice %arg2[%mul3A_3, %dma_wait3A_12] : memref<2048x768xf32, #tpu.memory_space<hbm>> -> memref<128x768xf32, #tpu.memory_space<hbm>>
      %dma_wait3A_14 = arith.constant 0 : i32
      %dma_wait3A_15 = tpu.memref_slice %arg2[%mul3A_3, %dma_wait3A_14] : memref<2048x768xf32, #tpu.memory_space<hbm>> -> memref<128x768xf32, #tpu.memory_space<hbm>>
      tpu.wait_dma2 semaphore(%run_scoped3A : memref<!tpu.dma_semaphore, #tpu.memory_space<semaphore_mem>>) src(%dma_wait3A_15 : memref<128x768xf32, #tpu.memory_space<hbm>>) dst(%arg6 : memref<128x768xf32, #tpu.memory_space<vmem>>)
      tpu.yield
    }) : () -> ()
    %dma_start3A = arith.constant 0 : i32
    %dma_start3A_4 = arith.constant 0 : i32
    %dma_start3A_5 = tpu.memref_slice %arg4[%dma_start3A, %dma_start3A_4] : memref<6144x768xf32, #tpu.memory_space<hbm>> -> memref<6144x768xf32, #tpu.memory_space<hbm>>
    tpu.enqueue_indirect_dma source(%arg6 : memref<128x768xf32, #tpu.memory_space<vmem>>) target(%dma_start3A_5 : memref<6144x768xf32, #tpu.memory_space<hbm>>) offsets(%arg5 : memref<128xi32, #tpu.memory_space<vmem>>) semaphore(%arg7 : memref<!tpu.dma_semaphore, #tpu.memory_space<semaphore_mem>>)
    %dma_wait3A = arith.constant 0 : i32
    %dma_wait3A_6 = arith.constant 0 : i32
    %dma_wait3A_7 = tpu.memref_slice %arg4[%dma_wait3A, %dma_wait3A_6] : memref<6144x768xf32, #tpu.memory_space<hbm>> -> memref<6144x768xf32, #tpu.memory_space<hbm>>
    tpu.wait_indirect_dma semaphore(%arg7 : memref<!tpu.dma_semaphore, #tpu.memory_space<semaphore_mem>>) src(%arg6 : memref<128x768xf32, #tpu.memory_space<vmem>>) dst(%dma_wait3A_7 : memref<6144x768xf32, #tpu.memory_space<hbm>>)
    return
  }
}

#map = affine_map<(d0, d1) -> (0, 0)>
#map1 = affine_map<(d0, d1) -> (0)>
module attributes {stable_mosaic.version = 14 : i64} {
  func.func @k(%arg0: i32, %arg1: i32, %arg2: memref<6144x768xf32, #tpu.memory_space<hbm>>, %arg3: memref<4096xi32, #tpu.memory_space<hbm>>, %arg4: memref<4096x768xf32, #tpu.memory_space<hbm>>, %arg5: memref<128xi32, #tpu.memory_space<vmem>>, %arg6: memref<128x768xf32, #tpu.memory_space<vmem>>, %arg7: memref<!tpu.dma_semaphore, #tpu.memory_space<semaphore_mem>>) attributes {dimension_semantics = [#tpu.dimension_semantics<core_parallel>, #tpu.dimension_semantics<subcore_parallel>], iteration_bounds = array<i64: 2, 16>, scalar_prefetch = 0 : i64, scratch_operands = 3 : i64, tpu.core_type = #tpu.core_type<sc_vector_subcore>, window_params = [{transform_indices = #map}, {transform_indices = #map1}, {transform_indices = #map}]} {
    %mul3A = arith.constant 2 : i32
    %mul3A_0 = arith.muli %arg1, %mul3A : i32
    %add3A = arith.addi %mul3A_0, %arg0 : i32
    %mul3A_1 = arith.constant 128 : i32
    %mul3A_2 = arith.muli %add3A, %mul3A_1 : i32
    "tpu.region"() ({
      %run_scoped3A = tpu.sem_alloc : memref<!tpu.dma_semaphore, #tpu.memory_space<semaphore_mem>>
      %dma_start3A_7 = tpu.memref_slice %arg3[%mul3A_2] : memref<4096xi32, #tpu.memory_space<hbm>> -> memref<128xi32, #tpu.memory_space<hbm>>
      %dma_start3A_8 = tpu.memref_slice %arg3[%mul3A_2] : memref<4096xi32, #tpu.memory_space<hbm>> -> memref<128xi32, #tpu.memory_space<hbm>>
      tpu.enqueue_dma source(%dma_start3A_8 : memref<128xi32, #tpu.memory_space<hbm>>) target(%arg5 : memref<128xi32, #tpu.memory_space<vmem>>) target_semaphore(%run_scoped3A : memref<!tpu.dma_semaphore, #tpu.memory_space<semaphore_mem>>)
      %dma_wait3A_9 = tpu.memref_slice %arg3[%mul3A_2] : memref<4096xi32, #tpu.memory_space<hbm>> -> memref<128xi32, #tpu.memory_space<hbm>>
      %dma_wait3A_10 = tpu.memref_slice %arg3[%mul3A_2] : memref<4096xi32, #tpu.memory_space<hbm>> -> memref<128xi32, #tpu.memory_space<hbm>>
      tpu.wait_dma2 semaphore(%run_scoped3A : memref<!tpu.dma_semaphore, #tpu.memory_space<semaphore_mem>>) src(%dma_wait3A_10 : memref<128xi32, #tpu.memory_space<hbm>>) dst(%arg5 : memref<128xi32, #tpu.memory_space<vmem>>)
      tpu.yield
    }) : () -> ()
    %dma_start3A = arith.constant 0 : i32
    %dma_start3A_3 = arith.constant 0 : i32
    %dma_start3A_4 = tpu.memref_slice %arg2[%dma_start3A, %dma_start3A_3] : memref<6144x768xf32, #tpu.memory_space<hbm>> -> memref<6144x768xf32, #tpu.memory_space<hbm>>
    tpu.enqueue_indirect_dma source(%dma_start3A_4 : memref<6144x768xf32, #tpu.memory_space<hbm>>) target(%arg6 : memref<128x768xf32, #tpu.memory_space<vmem>>) offsets(%arg5 : memref<128xi32, #tpu.memory_space<vmem>>) semaphore(%arg7 : memref<!tpu.dma_semaphore, #tpu.memory_space<semaphore_mem>>)
    %dma_wait3A = arith.constant 0 : i32
    %dma_wait3A_5 = arith.constant 0 : i32
    %dma_wait3A_6 = tpu.memref_slice %arg2[%dma_wait3A, %dma_wait3A_5] : memref<6144x768xf32, #tpu.memory_space<hbm>> -> memref<6144x768xf32, #tpu.memory_space<hbm>>
    tpu.wait_indirect_dma semaphore(%arg7 : memref<!tpu.dma_semaphore, #tpu.memory_space<semaphore_mem>>) src(%dma_wait3A_6 : memref<6144x768xf32, #tpu.memory_space<hbm>>) dst(%arg6 : memref<128x768xf32, #tpu.memory_space<vmem>>)
    "tpu.region"() ({
      %run_scoped3A = tpu.sem_alloc : memref<!tpu.dma_semaphore, #tpu.memory_space<semaphore_mem>>
      %dma_start3A_7 = arith.constant 0 : i32
      %dma_start3A_8 = tpu.memref_slice %arg4[%mul3A_2, %dma_start3A_7] : memref<4096x768xf32, #tpu.memory_space<hbm>> -> memref<128x768xf32, #tpu.memory_space<hbm>>
      %dma_start3A_9 = arith.constant 0 : i32
      %dma_start3A_10 = tpu.memref_slice %arg4[%mul3A_2, %dma_start3A_9] : memref<4096x768xf32, #tpu.memory_space<hbm>> -> memref<128x768xf32, #tpu.memory_space<hbm>>
      tpu.enqueue_dma source(%arg6 : memref<128x768xf32, #tpu.memory_space<vmem>>) target(%dma_start3A_10 : memref<128x768xf32, #tpu.memory_space<hbm>>) target_semaphore(%run_scoped3A : memref<!tpu.dma_semaphore, #tpu.memory_space<semaphore_mem>>)
      %dma_wait3A_11 = arith.constant 0 : i32
      %dma_wait3A_12 = tpu.memref_slice %arg4[%mul3A_2, %dma_wait3A_11] : memref<4096x768xf32, #tpu.memory_space<hbm>> -> memref<128x768xf32, #tpu.memory_space<hbm>>
      %dma_wait3A_13 = arith.constant 0 : i32
      %dma_wait3A_14 = tpu.memref_slice %arg4[%mul3A_2, %dma_wait3A_13] : memref<4096x768xf32, #tpu.memory_space<hbm>> -> memref<128x768xf32, #tpu.memory_space<hbm>>
      tpu.wait_dma2 semaphore(%run_scoped3A : memref<!tpu.dma_semaphore, #tpu.memory_space<semaphore_mem>>) src(%arg6 : memref<128x768xf32, #tpu.memory_space<vmem>>) dst(%dma_wait3A_14 : memref<128x768xf32, #tpu.memory_space<hbm>>)
      tpu.yield
    }) : () -> ()
    return
  }
}

module attributes {stable_mosaic.version = 14 : i64} {
  func.func @body(%arg0: memref<2048x768xf32, #tpu.memory_space<vmem>>, %arg1: memref<2048x768xf32, #tpu.memory_space<vmem>>, %arg2: memref<2048x768xf32, #tpu.memory_space<vmem>>) attributes {dimension_semantics = [], scalar_prefetch = 0 : i64, scratch_operands = 0 : i64, tpu.core_type = #tpu.core_type<tc>} {
    %get3A = arith.constant 0 : index
    %get3A_0 = arith.constant 0 : index
    %get3A_1 = vector.load %arg0[%get3A, %get3A_0] : memref<2048x768xf32, #tpu.memory_space<vmem>>, vector<2048x768xf32>
    %get3A_2 = arith.constant 0 : index
    %get3A_3 = arith.constant 0 : index
    %get3A_4 = vector.load %arg1[%get3A_2, %get3A_3] : memref<2048x768xf32, #tpu.memory_space<vmem>>, vector<2048x768xf32>
    %add3A = arith.addf %get3A_1, %get3A_4 : vector<2048x768xf32>
    %swap3A = arith.constant 0 : index
    %swap3A_5 = arith.constant 0 : index
    %swap3A_6 = vector.load %arg2[%swap3A, %swap3A_5] : memref<2048x768xf32, #tpu.memory_space<vmem>>, vector<2048x768xf32>
    tpu.vector_store %arg2[%swap3A, %swap3A_5], %add3A {strides = array<i32>} : memref<2048x768xf32, #tpu.memory_space<vmem>>, vector<2048x768xf32>,
    return
  }
}

module attributes {stable_mosaic.version = 14 : i64} {
  func.func @body(%arg0: i32, %arg1: memref<2048x768xf32, #tpu.memory_space<vmem>>, %arg2: memref<1x768xf32, #tpu.memory_space<vmem>>, %arg3: memref<1x768xf32, #tpu.memory_space<vmem>>, %arg4: memref<1152x768xf32, #tpu.memory_space<vmem>>, %arg5: memref<1x1152xf32, #tpu.memory_space<vmem>>, %arg6: memref<2048x1152xf32, #tpu.memory_space<vmem>>) attributes {dimension_semantics = [#tpu.dimension_semantics<arbitrary>], iteration_bounds = array<i64: 4>, scalar_prefetch = 0 : i64, scratch_operands = 0 : i64, tpu.core_type = #tpu.core_type<tc>, window_params = [{pipeline_mode = #tpu.pipeline_mode<synchronous>, transform_indices = @transform_0, window_bounds = array<i64: 2048, 768>}, {pipeline_mode = #tpu.pipeline_mode<synchronous>, transform_indices = @transform_1, window_bounds = array<i64: 1, 768>}, {pipeline_mode = #tpu.pipeline_mode<synchronous>, transform_indices = @transform_2, window_bounds = array<i64: 1, 768>}, {transform_indices = @transform_3, window_bounds = array<i64: 1152, 768>}, {transform_indices = @transform_4, window_bounds = array<i64: 1, 1152>}, {transform_indices = @transform_5, window_bounds = array<i64: 2048, 1152>}]} {
    %get3A = arith.constant 0 : index
    %get3A_0 = arith.constant 0 : index
    %get3A_1 = vector.load %arg1[%get3A, %get3A_0] : memref<2048x768xf32, #tpu.memory_space<vmem>>, vector<2048x768xf32>
    %get3A_2 = arith.constant 0 : index
    %get3A_3 = arith.constant 0 : index
    %get3A_4 = vector.load %arg2[%get3A_2, %get3A_3] : memref<1x768xf32, #tpu.memory_space<vmem>>, vector<1x768xf32>
    %get3A_5 = arith.constant 0 : index
    %get3A_6 = arith.constant 0 : index
    %get3A_7 = vector.load %arg3[%get3A_5, %get3A_6] : memref<1x768xf32, #tpu.memory_space<vmem>>, vector<1x768xf32>
    %reduce_sum3A = arith.constant dense<0.000000e+00> : vector<2048xf32>
    %reduce_sum3A_8 = vector.multi_reduction <add>, %get3A_1, %reduce_sum3A [1] : vector<2048x768xf32> to vector<2048xf32>
    %broadcast_in_dim3A = vector.shape_cast %reduce_sum3A_8 : vector<2048xf32> to vector<2048x1xf32>
    %div3A = arith.constant 7.680000e+02 : f32
    %div3A_9 = vector.broadcast %div3A : f32 to vector<2048x1xf32>
    %div3A_10 = arith.divf %broadcast_in_dim3A, %div3A_9 : vector<2048x1xf32>
    %sub3A = vector.broadcast %div3A_10 : vector<2048x1xf32> to vector<2048x768xf32>
    %sub3A_11 = arith.subf %get3A_1, %sub3A : vector<2048x768xf32>
    %sub3A_12 = vector.broadcast %div3A_10 : vector<2048x1xf32> to vector<2048x768xf32>
    %sub3A_13 = arith.subf %get3A_1, %sub3A_12 : vector<2048x768xf32>
    %mul3A = arith.mulf %sub3A_11, %sub3A_13 : vector<2048x768xf32>
    %reduce_sum3A_14 = arith.constant dense<0.000000e+00> : vector<2048xf32>
    %reduce_sum3A_15 = vector.multi_reduction <add>, %mul3A, %reduce_sum3A_14 [1] : vector<2048x768xf32> to vector<2048xf32>
    %broadcast_in_dim3A_16 = vector.shape_cast %reduce_sum3A_15 : vector<2048xf32> to vector<2048x1xf32>
    %div3A_17 = arith.constant 7.680000e+02 : f32
    %div3A_18 = vector.broadcast %div3A_17 : f32 to vector<2048x1xf32>
    %div3A_19 = arith.divf %broadcast_in_dim3A_16, %div3A_18 : vector<2048x1xf32>
    %sub3A_20 = vector.broadcast %div3A_10 : vector<2048x1xf32> to vector<2048x768xf32>
    %sub3A_21 = arith.subf %get3A_1, %sub3A_20 : vector<2048x768xf32>
    %add3A = arith.constant 9.99999974E-6 : f32
    %add3A_22 = vector.broadcast %add3A : f32 to vector<2048x1xf32>
    %add3A_23 = arith.addf %div3A_19, %add3A_22 : vector<2048x1xf32>
    %rsqrt3A = math.rsqrt %add3A_23 : vector<2048x1xf32>
    %mul3A_24 = vector.broadcast %rsqrt3A : vector<2048x1xf32> to vector<2048x768xf32>
    %mul3A_25 = arith.mulf %sub3A_21, %mul3A_24 : vector<2048x768xf32>
    %mul3A_26 = vector.broadcast %get3A_4 : vector<1x768xf32> to vector<2048x768xf32>
    %mul3A_27 = arith.mulf %mul3A_25, %mul3A_26 : vector<2048x768xf32>
    %add3A_28 = vector.broadcast %get3A_7 : vector<1x768xf32> to vector<2048x768xf32>
    %add3A_29 = arith.addf %mul3A_27, %add3A_28 : vector<2048x768xf32>
    %get3A_30 = arith.constant 0 : index
    %get3A_31 = arith.constant 0 : index
    %get3A_32 = vector.load %arg4[%get3A_30, %get3A_31] : memref<1152x768xf32, #tpu.memory_space<vmem>>, vector<1152x768xf32>
    %dot_general3A = arith.constant dense<0.000000e+00> : vector<2048x1152xf32>
    %dot_general3A_33 = tpu.matmul %add3A_29, %get3A_32, %dot_general3A {dimension_numbers = #tpu.dot_dimension_numbers<[1], [1], [0], [0], [0, 0, 1, 0], [], []>, transpose_lhs_hint = false} : vector<2048x768xf32>, vector<1152x768xf32>, vector<2048x1152xf32> -> vector<2048x1152xf32>
    %get3A_34 = arith.constant 0 : index
    %get3A_35 = arith.constant 0 : index
    %get3A_36 = vector.load %arg5[%get3A_34, %get3A_35] : memref<1x1152xf32, #tpu.memory_space<vmem>>, vector<1x1152xf32>
    %add3A_37 = vector.broadcast %get3A_36 : vector<1x1152xf32> to vector<2048x1152xf32>
    %add3A_38 = arith.addf %dot_general3A_33, %add3A_37 : vector<2048x1152xf32>
    %swap3A = arith.constant 0 : index
    %swap3A_39 = arith.constant 0 : index
    %swap3A_40 = vector.load %arg6[%swap3A, %swap3A_39] : memref<2048x1152xf32, #tpu.memory_space<vmem>>, vector<2048x1152xf32>
    tpu.vector_store %arg6[%swap3A, %swap3A_39], %add3A_38 {strides = array<i32>} : memref<2048x1152xf32, #tpu.memory_space<vmem>>, vector<2048x1152xf32>,
    return
  }
  func.func @transform_0(%arg0: i32) -> (i32, i32) {
    %c0_i32 = arith.constant 0 : i32
    %c0_i32_0 = arith.constant 0 : i32
    %c0_i32_1 = arith.constant 0 : i32
    return %c0_i32, %c0_i32_0 : i32, i32
  }
  func.func @transform_1(%arg0: i32) -> (i32, i32) {
    %c0_i32 = arith.constant 0 : i32
    %c0_i32_0 = arith.constant 0 : i32
    %c0_i32_1 = arith.constant 0 : i32
    return %c0_i32, %c0_i32_0 : i32, i32
  }
  func.func @transform_2(%arg0: i32) -> (i32, i32) {
    %c0_i32 = arith.constant 0 : i32
    %c0_i32_0 = arith.constant 0 : i32
    %c0_i32_1 = arith.constant 0 : i32
    return %c0_i32, %c0_i32_0 : i32, i32
  }
  func.func @transform_3(%arg0: i32) -> (i32, i32) {
    %c0_i32 = arith.constant 0 : i32
    %c0_i32_0 = arith.constant 0 : i32
    return %arg0, %c0_i32 : i32, i32
  }
  func.func @transform_4(%arg0: i32) -> (i32, i32) {
    %c0_i32 = arith.constant 0 : i32
    %c0_i32_0 = arith.constant 0 : i32
    return %c0_i32, %arg0 : i32, i32
  }
  func.func @transform_5(%arg0: i32) -> (i32, i32) {
    %c0_i32 = arith.constant 0 : i32
    %c0_i32_0 = arith.constant 0 : i32
    return %c0_i32, %arg0 : i32, i32
  }
}

module attributes {stable_mosaic.version = 14 : i64} {
  func.func @body(%arg0: i32, %arg1: i32, %arg2: memref<512x128xf32, #tpu.memory_space<vmem>>, %arg3: memref<2048x128xf32, #tpu.memory_space<vmem>>, %arg4: memref<2048x128xf32, #tpu.memory_space<vmem>>, %arg5: memref<512x128xf32, #tpu.memory_space<vmem>>) attributes {dimension_semantics = [#tpu.dimension_semantics<arbitrary>, #tpu.dimension_semantics<arbitrary>], iteration_bounds = array<i64: 12, 4>, scalar_prefetch = 0 : i64, scratch_operands = 0 : i64, tpu.core_type = #tpu.core_type<tc>, window_params = [{transform_indices = @transform_0, window_bounds = array<i64: 512, 128>}, {transform_indices = @transform_1, window_bounds = array<i64: 2048, 128>}, {transform_indices = @transform_2, window_bounds = array<i64: 2048, 128>}, {transform_indices = @transform_3, window_bounds = array<i64: 512, 128>}]} {
    %get3A = arith.constant 0 : index
    %get3A_0 = arith.constant 0 : index
    %get3A_1 = vector.load %arg2[%get3A, %get3A_0] : memref<512x128xf32, #tpu.memory_space<vmem>>, vector<512x128xf32>
    %get3A_2 = arith.constant 0 : index
    %get3A_3 = arith.constant 0 : index
    %get3A_4 = vector.load %arg3[%get3A_2, %get3A_3] : memref<2048x128xf32, #tpu.memory_space<vmem>>, vector<2048x128xf32>
    %dot_general3A = arith.constant dense<0.000000e+00> : vector<512x2048xf32>
    %dot_general3A_5 = tpu.matmul %get3A_1, %get3A_4, %dot_general3A {dimension_numbers = #tpu.dot_dimension_numbers<[1], [1], [0], [0], [0, 0, 1, 0], [], []>, transpose_lhs_hint = false} : vector<512x128xf32>, vector<2048x128xf32>, vector<512x2048xf32> -> vector<512x2048xf32>
    %mul3A = arith.constant 1.250000e-01 : f32
    %mul3A_6 = vector.broadcast %mul3A : f32 to vector<512x2048xf32>
    %mul3A_7 = arith.mulf %dot_general3A_5, %mul3A_6 : vector<512x2048xf32>
    %reduce_max3A = arith.constant dense<0xFF800000> : vector<512xf32>
    %reduce_max3A_8 = vector.multi_reduction <maximumf>, %mul3A_7, %reduce_max3A [1] : vector<512x2048xf32> to vector<512xf32>
    %broadcast_in_dim3A = vector.shape_cast %reduce_max3A_8 : vector<512xf32> to vector<512x1xf32>
    %sub3A = vector.broadcast %broadcast_in_dim3A : vector<512x1xf32> to vector<512x2048xf32>
    %sub3A_9 = arith.subf %mul3A_7, %sub3A : vector<512x2048xf32>
    %exp3A = math.exp %sub3A_9 : vector<512x2048xf32>
    %reduce_sum3A = arith.constant dense<0.000000e+00> : vector<512xf32>
    %reduce_sum3A_10 = vector.multi_reduction <add>, %exp3A, %reduce_sum3A [1] : vector<512x2048xf32> to vector<512xf32>
    %broadcast_in_dim3A_11 = vector.shape_cast %reduce_sum3A_10 : vector<512xf32> to vector<512x1xf32>
    %div3A = vector.broadcast %broadcast_in_dim3A_11 : vector<512x1xf32> to vector<512x2048xf32>
    %div3A_12 = arith.divf %exp3A, %div3A : vector<512x2048xf32>
    %get3A_13 = arith.constant 0 : index
    %get3A_14 = arith.constant 0 : index
    %get3A_15 = vector.load %arg4[%get3A_13, %get3A_14] : memref<2048x128xf32, #tpu.memory_space<vmem>>, vector<2048x128xf32>
    %dot_general3A_16 = arith.constant dense<0.000000e+00> : vector<512x128xf32>
    %dot_general3A_17 = tpu.matmul %div3A_12, %get3A_15, %dot_general3A_16 {dimension_numbers = #tpu.dot_dimension_numbers<[1], [0], [0], [1], [0, 0, 1, 1], [], []>, transpose_lhs_hint = false} : vector<512x2048xf32>, vector<2048x128xf32>, vector<512x128xf32> -> vector<512x128xf32>
    %swap3A = arith.constant 0 : index
    %swap3A_18 = arith.constant 0 : index
    %swap3A_19 = vector.load %arg5[%swap3A, %swap3A_18] : memref<512x128xf32, #tpu.memory_space<vmem>>, vector<512x128xf32>
    tpu.vector_store %arg5[%swap3A, %swap3A_18], %dot_general3A_17 {strides = array<i32>} : memref<512x128xf32, #tpu.memory_space<vmem>>, vector<512x128xf32>,
    return
  }
  func.func @transform_0(%arg0: i32, %arg1: i32) -> (i32, i32) {
    %c0_i32 = arith.constant 0 : i32
    return %arg1, %arg0 : i32, i32
  }
  func.func @transform_1(%arg0: i32, %arg1: i32) -> (i32, i32) {
    %add3A = arith.constant 12 : i32
    %add3A_0 = arith.addi %add3A, %arg0 : i32
    %c0_i32 = arith.constant 0 : i32
    %c0_i32_1 = arith.constant 0 : i32
    return %c0_i32, %add3A_0 : i32, i32
  }
  func.func @transform_2(%arg0: i32, %arg1: i32) -> (i32, i32) {
    %add3A = arith.constant 24 : i32
    %add3A_0 = arith.addi %add3A, %arg0 : i32
    %c0_i32 = arith.constant 0 : i32
    %c0_i32_1 = arith.constant 0 : i32
    return %c0_i32, %add3A_0 : i32, i32
  }
  func.func @transform_3(%arg0: i32, %arg1: i32) -> (i32, i32) {
    %c0_i32 = arith.constant 0 : i32
    return %arg1, %arg0 : i32, i32
  }
}

module attributes {stable_mosaic.version = 14 : i64} {
  func.func @body(%arg0: memref<2048x1536xf32, #tpu.memory_space<vmem>>, %arg1: memref<768x1536xf32, #tpu.memory_space<vmem>>, %arg2: memref<1x768xf32, #tpu.memory_space<vmem>>, %arg3: memref<2048x768xf32, #tpu.memory_space<vmem>>, %arg4: memref<2048x768xf32, #tpu.memory_space<vmem>>) attributes {dimension_semantics = [], scalar_prefetch = 0 : i64, scratch_operands = 0 : i64, tpu.core_type = #tpu.core_type<tc>} {
    %get3A = arith.constant 0 : index
    %get3A_0 = arith.constant 0 : index
    %get3A_1 = vector.load %arg0[%get3A, %get3A_0] : memref<2048x1536xf32, #tpu.memory_space<vmem>>, vector<2048x1536xf32>
    %get3A_2 = arith.constant 0 : index
    %get3A_3 = arith.constant 0 : index
    %get3A_4 = vector.load %arg1[%get3A_2, %get3A_3] : memref<768x1536xf32, #tpu.memory_space<vmem>>, vector<768x1536xf32>
    %dot_general3A = arith.constant dense<0.000000e+00> : vector<2048x768xf32>
    %dot_general3A_5 = tpu.matmul %get3A_1, %get3A_4, %dot_general3A {dimension_numbers = #tpu.dot_dimension_numbers<[1], [1], [0], [0], [0, 0, 1, 0], [], []>, transpose_lhs_hint = false} : vector<2048x1536xf32>, vector<768x1536xf32>, vector<2048x768xf32> -> vector<2048x768xf32>
    %get3A_6 = arith.constant 0 : index
    %get3A_7 = arith.constant 0 : index
    %get3A_8 = vector.load %arg2[%get3A_6, %get3A_7] : memref<1x768xf32, #tpu.memory_space<vmem>>, vector<1x768xf32>
    %add3A = vector.broadcast %get3A_8 : vector<1x768xf32> to vector<2048x768xf32>
    %add3A_9 = arith.addf %dot_general3A_5, %add3A : vector<2048x768xf32>
    %get3A_10 = arith.constant 0 : index
    %get3A_11 = arith.constant 0 : index
    %get3A_12 = vector.load %arg3[%get3A_10, %get3A_11] : memref<2048x768xf32, #tpu.memory_space<vmem>>, vector<2048x768xf32>
    %add3A_13 = arith.addf %add3A_9, %get3A_12 : vector<2048x768xf32>
    %swap3A = arith.constant 0 : index
    %swap3A_14 = arith.constant 0 : index
    %swap3A_15 = vector.load %arg4[%swap3A, %swap3A_14] : memref<2048x768xf32, #tpu.memory_space<vmem>>, vector<2048x768xf32>
    tpu.vector_store %arg4[%swap3A, %swap3A_14], %add3A_13 {strides = array<i32>} : memref<2048x768xf32, #tpu.memory_space<vmem>>, vector<2048x768xf32>,
    return
  }
}

module attributes {stable_mosaic.version = 14 : i64} {
  func.func @body(%arg0: memref<2048x768xf32, #tpu.memory_space<vmem>>, %arg1: memref<1x768xf32, #tpu.memory_space<vmem>>, %arg2: memref<1x768xf32, #tpu.memory_space<vmem>>, %arg3: memref<8x768xf32, #tpu.memory_space<vmem>>, %arg4: memref<1x8xf32, #tpu.memory_space<vmem>>, %arg5: memref<2048x768xf32, #tpu.memory_space<vmem>>, %arg6: memref<2048x2xi32, #tpu.memory_space<vmem>>, %arg7: memref<2048x2xf32, #tpu.memory_space<vmem>>, %arg8: memref<24x1xi32, #tpu.memory_space<vmem>>) attributes {dimension_semantics = [], scalar_prefetch = 0 : i64, scratch_operands = 0 : i64, tpu.core_type = #tpu.core_type<tc>} {
    %get3A = arith.constant 0 : index
    %get3A_0 = arith.constant 0 : index
    %get3A_1 = vector.load %arg0[%get3A, %get3A_0] : memref<2048x768xf32, #tpu.memory_space<vmem>>, vector<2048x768xf32>
    %get3A_2 = arith.constant 0 : index
    %get3A_3 = arith.constant 0 : index
    %get3A_4 = vector.load %arg1[%get3A_2, %get3A_3] : memref<1x768xf32, #tpu.memory_space<vmem>>, vector<1x768xf32>
    %get3A_5 = arith.constant 0 : index
    %get3A_6 = arith.constant 0 : index
    %get3A_7 = vector.load %arg2[%get3A_5, %get3A_6] : memref<1x768xf32, #tpu.memory_space<vmem>>, vector<1x768xf32>
    %reduce_sum3A = arith.constant dense<0.000000e+00> : vector<2048xf32>
    %reduce_sum3A_8 = vector.multi_reduction <add>, %get3A_1, %reduce_sum3A [1] : vector<2048x768xf32> to vector<2048xf32>
    %broadcast_in_dim3A = vector.shape_cast %reduce_sum3A_8 : vector<2048xf32> to vector<2048x1xf32>
    %div3A = arith.constant 7.680000e+02 : f32
    %div3A_9 = vector.broadcast %div3A : f32 to vector<2048x1xf32>
    %div3A_10 = arith.divf %broadcast_in_dim3A, %div3A_9 : vector<2048x1xf32>
    %sub3A = vector.broadcast %div3A_10 : vector<2048x1xf32> to vector<2048x768xf32>
    %sub3A_11 = arith.subf %get3A_1, %sub3A : vector<2048x768xf32>
    %sub3A_12 = vector.broadcast %div3A_10 : vector<2048x1xf32> to vector<2048x768xf32>
    %sub3A_13 = arith.subf %get3A_1, %sub3A_12 : vector<2048x768xf32>
    %mul3A = arith.mulf %sub3A_11, %sub3A_13 : vector<2048x768xf32>
    %reduce_sum3A_14 = arith.constant dense<0.000000e+00> : vector<2048xf32>
    %reduce_sum3A_15 = vector.multi_reduction <add>, %mul3A, %reduce_sum3A_14 [1] : vector<2048x768xf32> to vector<2048xf32>
    %broadcast_in_dim3A_16 = vector.shape_cast %reduce_sum3A_15 : vector<2048xf32> to vector<2048x1xf32>
    %div3A_17 = arith.constant 7.680000e+02 : f32
    %div3A_18 = vector.broadcast %div3A_17 : f32 to vector<2048x1xf32>
    %div3A_19 = arith.divf %broadcast_in_dim3A_16, %div3A_18 : vector<2048x1xf32>
    %sub3A_20 = vector.broadcast %div3A_10 : vector<2048x1xf32> to vector<2048x768xf32>
    %sub3A_21 = arith.subf %get3A_1, %sub3A_20 : vector<2048x768xf32>
    %add3A = arith.constant 9.99999974E-6 : f32
    %add3A_22 = vector.broadcast %add3A : f32 to vector<2048x1xf32>
    %add3A_23 = arith.addf %div3A_19, %add3A_22 : vector<2048x1xf32>
    %rsqrt3A = math.rsqrt %add3A_23 : vector<2048x1xf32>
    %mul3A_24 = vector.broadcast %rsqrt3A : vector<2048x1xf32> to vector<2048x768xf32>
    %mul3A_25 = arith.mulf %sub3A_21, %mul3A_24 : vector<2048x768xf32>
    %mul3A_26 = vector.broadcast %get3A_4 : vector<1x768xf32> to vector<2048x768xf32>
    %mul3A_27 = arith.mulf %mul3A_25, %mul3A_26 : vector<2048x768xf32>
    %add3A_28 = vector.broadcast %get3A_7 : vector<1x768xf32> to vector<2048x768xf32>
    %add3A_29 = arith.addf %mul3A_27, %add3A_28 : vector<2048x768xf32>
    %swap3A = arith.constant 0 : index
    %swap3A_30 = arith.constant 0 : index
    %swap3A_31 = vector.load %arg5[%swap3A, %swap3A_30] : memref<2048x768xf32, #tpu.memory_space<vmem>>, vector<2048x768xf32>
    tpu.vector_store %arg5[%swap3A, %swap3A_30], %add3A_29 {strides = array<i32>} : memref<2048x768xf32, #tpu.memory_space<vmem>>, vector<2048x768xf32>,
    %get3A_32 = arith.constant 0 : index
    %get3A_33 = arith.constant 0 : index
    %get3A_34 = vector.load %arg3[%get3A_32, %get3A_33] : memref<8x768xf32, #tpu.memory_space<vmem>>, vector<8x768xf32>
    %dot_general3A = arith.constant dense<0.000000e+00> : vector<2048x8xf32>
    %dot_general3A_35 = tpu.matmul %add3A_29, %get3A_34, %dot_general3A {dimension_numbers = #tpu.dot_dimension_numbers<[1], [1], [0], [0], [0, 0, 1, 0], [], []>, transpose_lhs_hint = false} : vector<2048x768xf32>, vector<8x768xf32>, vector<2048x8xf32> -> vector<2048x8xf32>
    %get3A_36 = arith.constant 0 : index
    %get3A_37 = arith.constant 0 : index
    %get3A_38 = vector.load %arg4[%get3A_36, %get3A_37] : memref<1x8xf32, #tpu.memory_space<vmem>>, vector<1x8xf32>
    %add3A_39 = vector.broadcast %get3A_38 : vector<1x8xf32> to vector<2048x8xf32>
    %add3A_40 = arith.addf %dot_general3A_35, %add3A_39 : vector<2048x8xf32>
    %reduce_max3A = arith.constant dense<0xFF800000> : vector<2048xf32>
    %reduce_max3A_41 = vector.multi_reduction <maximumf>, %add3A_40, %reduce_max3A [1] : vector<2048x8xf32> to vector<2048xf32>
    %broadcast_in_dim3A_42 = vector.shape_cast %reduce_max3A_41 : vector<2048xf32> to vector<2048x1xf32>
    %sub3A_43 = vector.broadcast %broadcast_in_dim3A_42 : vector<2048x1xf32> to vector<2048x8xf32>
    %sub3A_44 = arith.subf %add3A_40, %sub3A_43 : vector<2048x8xf32>
    %exp3A = math.exp %sub3A_44 : vector<2048x8xf32>
    %reduce_sum3A_45 = arith.constant dense<0.000000e+00> : vector<2048xf32>
    %reduce_sum3A_46 = vector.multi_reduction <add>, %exp3A, %reduce_sum3A_45 [1] : vector<2048x8xf32> to vector<2048xf32>
    %broadcast_in_dim3A_47 = vector.shape_cast %reduce_sum3A_46 : vector<2048xf32> to vector<2048x1xf32>
    %div3A_48 = vector.broadcast %broadcast_in_dim3A_47 : vector<2048x1xf32> to vector<2048x8xf32>
    %div3A_49 = arith.divf %exp3A, %div3A_48 : vector<2048x8xf32>
    %iota3A = tpu.iota {dimensions = array<i32: 1>} : vector<2048x8xi32>
    %reduce_max3A_50 = arith.constant dense<0xFF800000> : vector<2048xf32>
    %reduce_max3A_51 = vector.multi_reduction <maximumf>, %div3A_49, %reduce_max3A_50 [1] : vector<2048x8xf32> to vector<2048xf32>
    %broadcast_in_dim3A_52 = vector.shape_cast %reduce_max3A_51 : vector<2048xf32> to vector<2048x1xf32>
    %eq3A = vector.broadcast %broadcast_in_dim3A_52 : vector<2048x1xf32> to vector<2048x8xf32>
    %eq3A_53 = arith.cmpf oeq, %div3A_49, %eq3A : vector<2048x8xf32>
    %jit3A = arith.constant 8 : i32
    %broadcast_in_dim3A_54 = vector.broadcast %jit3A : i32 to vector<2048x8xi32>
    %select_n3A = arith.select %eq3A_53, %iota3A, %broadcast_in_dim3A_54 : vector<2048x8xi1>, vector<2048x8xi32>
    %reduce_min3A = arith.constant dense<2147483647> : vector<2048xi32>
    %reduce_min3A_55 = vector.multi_reduction <minsi>, %select_n3A, %reduce_min3A [1] : vector<2048x8xi32> to vector<2048xi32>
    %broadcast_in_dim3A_56 = vector.shape_cast %reduce_min3A_55 : vector<2048xi32> to vector<2048x1xi32>
    %eq3A_57 = vector.broadcast %broadcast_in_dim3A_56 : vector<2048x1xi32> to vector<2048x8xi32>
    %eq3A_58 = arith.cmpi eq, %iota3A, %eq3A_57 : vector<2048x8xi32>
    %jit3A_59 = arith.constant -1.000000e+00 : f32
    %broadcast_in_dim3A_60 = vector.broadcast %jit3A_59 : f32 to vector<2048x8xf32>
    %select_n3A_61 = arith.select %eq3A_58, %broadcast_in_dim3A_60, %div3A_49 : vector<2048x8xi1>, vector<2048x8xf32>
    %reduce_max3A_62 = arith.constant dense<0xFF800000> : vector<2048xf32>
    %reduce_max3A_63 = vector.multi_reduction <maximumf>, %select_n3A_61, %reduce_max3A_62 [1] : vector<2048x8xf32> to vector<2048xf32>
    %broadcast_in_dim3A_64 = vector.shape_cast %reduce_max3A_63 : vector<2048xf32> to vector<2048x1xf32>
    %eq3A_65 = vector.broadcast %broadcast_in_dim3A_64 : vector<2048x1xf32> to vector<2048x8xf32>
    %eq3A_66 = arith.cmpf oeq, %select_n3A_61, %eq3A_65 : vector<2048x8xf32>
    %jit3A_67 = arith.constant 8 : i32
    %broadcast_in_dim3A_68 = vector.broadcast %jit3A_67 : i32 to vector<2048x8xi32>
    %select_n3A_69 = arith.select %eq3A_66, %iota3A, %broadcast_in_dim3A_68 : vector<2048x8xi1>, vector<2048x8xi32>
    %reduce_min3A_70 = arith.constant dense<2147483647> : vector<2048xi32>
    %reduce_min3A_71 = vector.multi_reduction <minsi>, %select_n3A_69, %reduce_min3A_70 [1] : vector<2048x8xi32> to vector<2048xi32>
    %broadcast_in_dim3A_72 = vector.shape_cast %reduce_min3A_71 : vector<2048xi32> to vector<2048x1xi32>
    %add3A_73 = arith.addf %broadcast_in_dim3A_52, %broadcast_in_dim3A_64 : vector<2048x1xf32>
    %div3A_74 = arith.divf %broadcast_in_dim3A_52, %add3A_73 : vector<2048x1xf32>
    %div3A_75 = arith.divf %broadcast_in_dim3A_64, %add3A_73 : vector<2048x1xf32>
    %concatenate3A = tpu.concatenate %div3A_74, %div3A_75 in 1 : vector<2048x1xf32>, vector<2048x1xf32> -> vector<2048x2xf32>
    %swap3A_76 = arith.constant 0 : index
    %swap3A_77 = arith.constant 0 : index
    %swap3A_78 = vector.load %arg7[%swap3A_76, %swap3A_77] : memref<2048x2xf32, #tpu.memory_space<vmem>>, vector<2048x2xf32>
    tpu.vector_store %arg7[%swap3A_76, %swap3A_77], %concatenate3A {strides = array<i32>} : memref<2048x2xf32, #tpu.memory_space<vmem>>, vector<2048x2xf32>,
    %eq3A_79 = vector.broadcast %broadcast_in_dim3A_56 : vector<2048x1xi32> to vector<2048x8xi32>
    %eq3A_80 = arith.cmpi eq, %iota3A, %eq3A_79 : vector<2048x8xi32>
    %convert_element_type3A = arith.extui %eq3A_80 : vector<2048x8xi1> to vector<2048x8xi32>
    %convert_element_type3A_81 = arith.sitofp %convert_element_type3A : vector<2048x8xi32> to vector<2048x8xf32>
    %eq3A_82 = vector.broadcast %broadcast_in_dim3A_72 : vector<2048x1xi32> to vector<2048x8xi32>
    %eq3A_83 = arith.cmpi eq, %iota3A, %eq3A_82 : vector<2048x8xi32>
    %convert_element_type3A_84 = arith.extui %eq3A_83 : vector<2048x8xi1> to vector<2048x8xi32>
    %convert_element_type3A_85 = arith.sitofp %convert_element_type3A_84 : vector<2048x8xi32> to vector<2048x8xf32>
    %add3A_86 = arith.addf %convert_element_type3A_81, %convert_element_type3A_85 : vector<2048x8xf32>
    %iota3A_87 = tpu.iota {dimensions = array<i32: 0>} : vector<2048x2048xi32>
    %iota3A_88 = tpu.iota {dimensions = array<i32: 1>} : vector<2048x2048xi32>
    %lt3A = arith.cmpi slt, %iota3A_88, %iota3A_87 : vector<2048x2048xi32>
    %convert_element_type3A_89 = arith.extui %lt3A : vector<2048x2048xi1> to vector<2048x2048xi32>
    %convert_element_type3A_90 = arith.sitofp %convert_element_type3A_89 : vector<2048x2048xi32> to vector<2048x2048xf32>
    %dot_general3A_91 = arith.constant dense<0.000000e+00> : vector<2048x8xf32>
    %dot_general3A_92 = tpu.matmul %convert_element_type3A_90, %add3A_86, %dot_general3A_91 {dimension_numbers = #tpu.dot_dimension_numbers<[1], [0], [0], [1], [0, 0, 1, 1], [], []>, transpose_lhs_hint = false} : vector<2048x2048xf32>, vector<2048x8xf32>, vector<2048x8xf32> -> vector<2048x8xf32>
    %reduce_sum3A_93 = arith.constant dense<0.000000e+00> : vector<8xf32>
    %reduce_sum3A_94 = vector.multi_reduction <add>, %add3A_86, %reduce_sum3A_93 [0] : vector<2048x8xf32> to vector<8xf32>
    %broadcast_in_dim3A_95 = vector.shape_cast %reduce_sum3A_94 : vector<8xf32> to vector<1x8xf32>
    %mul3A_96 = arith.constant 3.906250e-03 : f32
    %mul3A_97 = vector.broadcast %mul3A_96 : f32 to vector<1x8xf32>
    %mul3A_98 = arith.mulf %broadcast_in_dim3A_95, %mul3A_97 : vector<1x8xf32>
    %ceil3A = math.ceil %mul3A_98 : vector<1x8xf32>
    %mul3A_99 = arith.constant 2.560000e+02 : f32
    %mul3A_100 = vector.broadcast %mul3A_99 : f32 to vector<1x8xf32>
    %mul3A_101 = arith.mulf %ceil3A, %mul3A_100 : vector<1x8xf32>
    %iota3A_102 = tpu.iota {dimensions = array<i32: 0>} : vector<8x8xi32>
    %iota3A_103 = tpu.iota {dimensions = array<i32: 1>} : vector<8x8xi32>
    %lt3A_104 = arith.cmpi slt, %iota3A_102, %iota3A_103 : vector<8x8xi32>
    %convert_element_type3A_105 = arith.extui %lt3A_104 : vector<8x8xi1> to vector<8x8xi32>
    %convert_element_type3A_106 = arith.sitofp %convert_element_type3A_105 : vector<8x8xi32> to vector<8x8xf32>
    %dot_general3A_107 = arith.constant dense<0.000000e+00> : vector<1x8xf32>
    %dot_general3A_108 = tpu.matmul %mul3A_101, %convert_element_type3A_106, %dot_general3A_107 {dimension_numbers = #tpu.dot_dimension_numbers<[1], [0], [0], [1], [0, 0, 1, 1], [], []>, transpose_lhs_hint = false} : vector<1x8xf32>, vector<8x8xf32>, vector<1x8xf32> -> vector<1x8xf32>
    %le3A = arith.cmpi sle, %iota3A_102, %iota3A_103 : vector<8x8xi32>
    %convert_element_type3A_109 = arith.extui %le3A : vector<8x8xi1> to vector<8x8xi32>
    %convert_element_type3A_110 = arith.sitofp %convert_element_type3A_109 : vector<8x8xi32> to vector<8x8xf32>
    %dot_general3A_111 = arith.constant dense<0.000000e+00> : vector<1x8xf32>
    %dot_general3A_112 = tpu.matmul %mul3A_101, %convert_element_type3A_110, %dot_general3A_111 {dimension_numbers = #tpu.dot_dimension_numbers<[1], [0], [0], [1], [0, 0, 1, 1], [], []>, transpose_lhs_hint = false} : vector<1x8xf32>, vector<8x8xf32>, vector<1x8xf32> -> vector<1x8xf32>
    %add3A_113 = vector.broadcast %dot_general3A_108 : vector<1x8xf32> to vector<2048x8xf32>
    %add3A_114 = arith.addf %add3A_113, %dot_general3A_92 : vector<2048x8xf32>
    %eq3A_115 = vector.broadcast %broadcast_in_dim3A_56 : vector<2048x1xi32> to vector<2048x8xi32>
    %eq3A_116 = arith.cmpi eq, %iota3A, %eq3A_115 : vector<2048x8xi32>
    %jit3A_117 = arith.constant 0.000000e+00 : f32
    %broadcast_in_dim3A_118 = vector.broadcast %jit3A_117 : f32 to vector<2048x8xf32>
    %select_n3A_119 = arith.select %eq3A_116, %add3A_114, %broadcast_in_dim3A_118 : vector<2048x8xi1>, vector<2048x8xf32>
    %reduce_sum3A_120 = arith.constant dense<0.000000e+00> : vector<2048xf32>
    %reduce_sum3A_121 = vector.multi_reduction <add>, %select_n3A_119, %reduce_sum3A_120 [1] : vector<2048x8xf32> to vector<2048xf32>
    %broadcast_in_dim3A_122 = vector.shape_cast %reduce_sum3A_121 : vector<2048xf32> to vector<2048x1xf32>
    %eq3A_123 = vector.broadcast %broadcast_in_dim3A_72 : vector<2048x1xi32> to vector<2048x8xi32>
    %eq3A_124 = arith.cmpi eq, %iota3A, %eq3A_123 : vector<2048x8xi32>
    %jit3A_125 = arith.constant 0.000000e+00 : f32
    %broadcast_in_dim3A_126 = vector.broadcast %jit3A_125 : f32 to vector<2048x8xf32>
    %select_n3A_127 = arith.select %eq3A_124, %add3A_114, %broadcast_in_dim3A_126 : vector<2048x8xi1>, vector<2048x8xf32>
    %reduce_sum3A_128 = arith.constant dense<0.000000e+00> : vector<2048xf32>
    %reduce_sum3A_129 = vector.multi_reduction <add>, %select_n3A_127, %reduce_sum3A_128 [1] : vector<2048x8xf32> to vector<2048xf32>
    %broadcast_in_dim3A_130 = vector.shape_cast %reduce_sum3A_129 : vector<2048xf32> to vector<2048x1xf32>
    %concatenate3A_131 = tpu.concatenate %broadcast_in_dim3A_122, %broadcast_in_dim3A_130 in 1 : vector<2048x1xf32>, vector<2048x1xf32> -> vector<2048x2xf32>
    %convert_element_type3A_132 = arith.fptosi %concatenate3A_131 : vector<2048x2xf32> to vector<2048x2xi32>
    %swap3A_133 = arith.constant 0 : index
    %swap3A_134 = arith.constant 0 : index
    %swap3A_135 = vector.load %arg6[%swap3A_133, %swap3A_134] : memref<2048x2xi32, #tpu.memory_space<vmem>>, vector<2048x2xi32>
    tpu.vector_store %arg6[%swap3A_133, %swap3A_134], %convert_element_type3A_132 {strides = array<i32>} : memref<2048x2xi32, #tpu.memory_space<vmem>>, vector<2048x2xi32>,
    %iota3A_136 = tpu.iota {dimensions = array<i32: 0>} : vector<24x8xi32>
    %mul3A_137 = arith.constant 256 : i32
    %mul3A_138 = vector.broadcast %mul3A_137 : i32 to vector<24x8xi32>
    %mul3A_139 = arith.muli %iota3A_136, %mul3A_138 : vector<24x8xi32>
    %convert_element_type3A_140 = arith.sitofp %mul3A_139 : vector<24x8xi32> to vector<24x8xf32>
    %ge3A = vector.broadcast %dot_general3A_112 : vector<1x8xf32> to vector<24x8xf32>
    %ge3A_141 = arith.cmpf oge, %convert_element_type3A_140, %ge3A : vector<24x8xf32>
    %convert_element_type3A_142 = arith.extui %ge3A_141 : vector<24x8xi1> to vector<24x8xi32>
    %convert_element_type3A_143 = arith.sitofp %convert_element_type3A_142 : vector<24x8xi32> to vector<24x8xf32>
    %reduce_sum3A_144 = arith.constant dense<0.000000e+00> : vector<24xf32>
    %reduce_sum3A_145 = vector.multi_reduction <add>, %convert_element_type3A_143, %reduce_sum3A_144 [1] : vector<24x8xf32> to vector<24xf32>
    %broadcast_in_dim3A_146 = vector.shape_cast %reduce_sum3A_145 : vector<24xf32> to vector<24x1xf32>
    %convert_element_type3A_147 = arith.fptosi %broadcast_in_dim3A_146 : vector<24x1xf32> to vector<24x1xi32>
    %swap3A_148 = arith.constant 0 : index
    %swap3A_149 = arith.constant 0 : index
    %swap3A_150 = vector.load %arg8[%swap3A_148, %swap3A_149] : memref<24x1xi32, #tpu.memory_space<vmem>>, vector<24x1xi32>
    tpu.vector_store %arg8[%swap3A_148, %swap3A_149], %convert_element_type3A_147 {strides = array<i32>} : memref<24x1xi32, #tpu.memory_space<vmem>>, vector<24x1xi32>,
    return
  }
}

module attributes {stable_mosaic.version = 14 : i64} {
  func.func @body(%arg0: i32, %arg1: i32, %arg2: memref<24xi32, #tpu.memory_space<smem>>, %arg3: memref<256x768xf32, #tpu.memory_space<vmem>>, %arg4: memref<1x768x1536xf32, #tpu.memory_space<vmem>>, %arg5: memref<1x1x1536xf32, #tpu.memory_space<vmem>>, %arg6: memref<1x1536x768xf32, #tpu.memory_space<vmem>>, %arg7: memref<1x1x768xf32, #tpu.memory_space<vmem>>, %arg8: memref<256x768xf32, #tpu.memory_space<vmem>>) attributes {dimension_semantics = [#tpu.dimension_semantics<arbitrary>, #tpu.dimension_semantics<arbitrary>], iteration_bounds = array<i64: 24, 2>, scalar_prefetch = 1 : i64, scratch_operands = 0 : i64, tpu.core_type = #tpu.core_type<tc>, window_params = [{transform_indices = @transform_0, window_bounds = array<i64: 256, 768>}, {transform_indices = @transform_1, window_bounds = array<i64: 1, 768, 1536>}, {transform_indices = @transform_2, window_bounds = array<i64: 1, 1, 1536>}, {transform_indices = @transform_3, window_bounds = array<i64: 1, 1536, 768>}, {transform_indices = @transform_4, window_bounds = array<i64: 1, 1, 768>}, {transform_indices = @transform_5, window_bounds = array<i64: 256, 768>}]} {
    %get3A = arith.index_cast %arg0 : i32 to index
    %get3A_0 = memref.load %arg2[%get3A] : memref<24xi32, #tpu.memory_space<smem>>
    %lt3A = arith.constant 8 : i32
    %lt3A_1 = arith.cmpi slt, %get3A_0, %lt3A : i32
    %convert_element_type3A = arith.extui %lt3A_1 : i1 to i32
    %cond3A = arith.constant 0 : i32
    %cond3A_2 = arith.cmpi ne, %convert_element_type3A, %cond3A : i32
    scf.if %cond3A_2 {
      %get3A_3 = arith.constant 0 : index
      %get3A_4 = arith.constant 0 : index
      %get3A_5 = vector.load %arg3[%get3A_3, %get3A_4] : memref<256x768xf32, #tpu.memory_space<vmem>>, vector<256x768xf32>
      %get3A_6 = arith.constant 0 : index
      %get3A_7 = arith.constant 0 : index
      %get3A_8 = arith.constant 0 : index
      %get3A_9 = vector.load %arg4[%get3A_6, %get3A_7, %get3A_8] : memref<1x768x1536xf32, #tpu.memory_space<vmem>>, vector<1x768x1536xf32>
      %get3A_10 = vector.shape_cast %get3A_9 : vector<1x768x1536xf32> to vector<768x1536xf32>
      %dot_general3A = arith.constant dense<0.000000e+00> : vector<256x1536xf32>
      %dot_general3A_11 = tpu.matmul %get3A_5, %get3A_10, %dot_general3A {dimension_numbers = #tpu.dot_dimension_numbers<[1], [0], [0], [1], [0, 0, 1, 1], [], []>, transpose_lhs_hint = false} : vector<256x768xf32>, vector<768x1536xf32>, vector<256x1536xf32> -> vector<256x1536xf32>
      %get3A_12 = arith.constant 0 : index
      %get3A_13 = arith.constant 0 : index
      %get3A_14 = arith.constant 0 : index
      %get3A_15 = vector.load %arg5[%get3A_12, %get3A_13, %get3A_14] : memref<1x1x1536xf32, #tpu.memory_space<vmem>>, vector<1x1x1536xf32>
      %get3A_16 = vector.shape_cast %get3A_15 : vector<1x1x1536xf32> to vector<1x1536xf32>
      %add3A = vector.broadcast %get3A_16 : vector<1x1536xf32> to vector<256x1536xf32>
      %add3A_17 = arith.addf %dot_general3A_11, %add3A : vector<256x1536xf32>
      %integer_pow3A = arith.mulf %add3A_17, %add3A_17 : vector<256x1536xf32>
      %integer_pow3A_18 = arith.mulf %add3A_17, %integer_pow3A : vector<256x1536xf32>
      %mul3A = arith.constant 4.471500e-02 : f32
      %mul3A_19 = vector.broadcast %mul3A : f32 to vector<256x1536xf32>
      %mul3A_20 = arith.mulf %mul3A_19, %integer_pow3A_18 : vector<256x1536xf32>
      %add3A_21 = arith.addf %add3A_17, %mul3A_20 : vector<256x1536xf32>
      %mul3A_22 = arith.constant 0.797884583 : f32
      %mul3A_23 = vector.broadcast %mul3A_22 : f32 to vector<256x1536xf32>
      %mul3A_24 = arith.mulf %mul3A_23, %add3A_21 : vector<256x1536xf32>
      %tanh3A = math.tanh %mul3A_24 : vector<256x1536xf32>
      %add3A_25 = arith.constant 1.000000e+00 : f32
      %add3A_26 = vector.broadcast %add3A_25 : f32 to vector<256x1536xf32>
      %add3A_27 = arith.addf %add3A_26, %tanh3A : vector<256x1536xf32>
      %mul3A_28 = arith.constant 5.000000e-01 : f32
      %mul3A_29 = vector.broadcast %mul3A_28 : f32 to vector<256x1536xf32>
      %mul3A_30 = arith.mulf %mul3A_29, %add3A_27 : vector<256x1536xf32>
      %mul3A_31 = arith.mulf %add3A_17, %mul3A_30 : vector<256x1536xf32>
      %get3A_32 = arith.constant 0 : index
      %get3A_33 = arith.constant 0 : index
      %get3A_34 = arith.constant 0 : index
      %get3A_35 = vector.load %arg6[%get3A_32, %get3A_33, %get3A_34] : memref<1x1536x768xf32, #tpu.memory_space<vmem>>, vector<1x1536x768xf32>
      %get3A_36 = vector.shape_cast %get3A_35 : vector<1x1536x768xf32> to vector<1536x768xf32>
      %dot_general3A_37 = arith.constant dense<0.000000e+00> : vector<256x768xf32>
      %dot_general3A_38 = tpu.matmul %mul3A_31, %get3A_36, %dot_general3A_37 {dimension_numbers = #tpu.dot_dimension_numbers<[1], [0], [0], [1], [0, 0, 1, 1], [], []>, transpose_lhs_hint = false} : vector<256x1536xf32>, vector<1536x768xf32>, vector<256x768xf32> -> vector<256x768xf32>
      %eq3A = arith.constant 0 : i32
      %eq3A_39 = arith.cmpi eq, %arg1, %eq3A : i32
      %convert_element_type3A_40 = arith.extui %eq3A_39 : i1 to i32
      %cond3A_41 = arith.constant 0 : i32
      %cond3A_42 = arith.cmpi ne, %convert_element_type3A_40, %cond3A_41 : i32
      scf.if %cond3A_42 {
        %get3A_47 = arith.constant 0 : index
        %get3A_48 = arith.constant 0 : index
        %get3A_49 = arith.constant 0 : index
        %get3A_50 = vector.load %arg7[%get3A_47, %get3A_48, %get3A_49] : memref<1x1x768xf32, #tpu.memory_space<vmem>>, vector<1x1x768xf32>
        %get3A_51 = vector.shape_cast %get3A_50 : vector<1x1x768xf32> to vector<1x768xf32>
        %add3A_52 = vector.broadcast %get3A_51 : vector<1x768xf32> to vector<256x768xf32>
        %add3A_53 = arith.addf %dot_general3A_38, %add3A_52 : vector<256x768xf32>
        %swap3A = arith.constant 0 : index
        %swap3A_54 = arith.constant 0 : index
        %swap3A_55 = vector.load %arg8[%swap3A, %swap3A_54] : memref<256x768xf32, #tpu.memory_space<vmem>>, vector<256x768xf32>
        tpu.vector_store %arg8[%swap3A, %swap3A_54], %add3A_53 {strides = array<i32>} : memref<256x768xf32, #tpu.memory_space<vmem>>, vector<256x768xf32>,
      } else {
      }
      %ne3A = arith.constant 0 : i32
      %ne3A_43 = arith.cmpi ne, %arg1, %ne3A : i32
      %convert_element_type3A_44 = arith.extui %ne3A_43 : i1 to i32
      %cond3A_45 = arith.constant 0 : i32
      %cond3A_46 = arith.cmpi ne, %convert_element_type3A_44, %cond3A_45 : i32
      scf.if %cond3A_46 {
        %get3A_47 = arith.constant 0 : index
        %get3A_48 = arith.constant 0 : index
        %get3A_49 = vector.load %arg8[%get3A_47, %get3A_48] : memref<256x768xf32, #tpu.memory_space<vmem>>, vector<256x768xf32>
        %add3A_50 = arith.addf %get3A_49, %dot_general3A_38 : vector<256x768xf32>
        %swap3A = arith.constant 0 : index
        %swap3A_51 = arith.constant 0 : index
        %swap3A_52 = vector.load %arg8[%swap3A, %swap3A_51] : memref<256x768xf32, #tpu.memory_space<vmem>>, vector<256x768xf32>
        tpu.vector_store %arg8[%swap3A, %swap3A_51], %add3A_50 {strides = array<i32>} : memref<256x768xf32, #tpu.memory_space<vmem>>, vector<256x768xf32>,
      } else {
      }
    } else {
    }
    return
  }
  func.func @transform_0(%arg0: i32, %arg1: i32, %arg2: memref<24xi32, #tpu.memory_space<smem>>) -> (i32, i32) {
    %c0_i32 = arith.constant 0 : i32
    %c0_i32_0 = arith.constant 0 : i32
    return %arg0, %c0_i32 : i32, i32
  }
  func.func @transform_1(%arg0: i32, %arg1: i32, %arg2: memref<24xi32, #tpu.memory_space<smem>>) -> (i32, i32, i32) {
    %get3A = arith.index_cast %arg0 : i32 to index
    %get3A_0 = memref.load %arg2[%get3A] : memref<24xi32, #tpu.memory_space<smem>>
    %min3A = arith.constant 7 : i32
    %min3A_1 = arith.minsi %get3A_0, %min3A : i32
    %c0_i32 = arith.constant 0 : i32
    %c0_i32_2 = arith.constant 0 : i32
    return %min3A_1, %c0_i32, %arg1 : i32, i32, i32
  }
  func.func @transform_2(%arg0: i32, %arg1: i32, %arg2: memref<24xi32, #tpu.memory_space<smem>>) -> (i32, i32, i32) {
    %get3A = arith.index_cast %arg0 : i32 to index
    %get3A_0 = memref.load %arg2[%get3A] : memref<24xi32, #tpu.memory_space<smem>>
    %min3A = arith.constant 7 : i32
    %min3A_1 = arith.minsi %get3A_0, %min3A : i32
    %c0_i32 = arith.constant 0 : i32
    %c0_i32_2 = arith.constant 0 : i32
    return %min3A_1, %c0_i32, %arg1 : i32, i32, i32
  }
  func.func @transform_3(%arg0: i32, %arg1: i32, %arg2: memref<24xi32, #tpu.memory_space<smem>>) -> (i32, i32, i32) {
    %get3A = arith.index_cast %arg0 : i32 to index
    %get3A_0 = memref.load %arg2[%get3A] : memref<24xi32, #tpu.memory_space<smem>>
    %min3A = arith.constant 7 : i32
    %min3A_1 = arith.minsi %get3A_0, %min3A : i32
    %c0_i32 = arith.constant 0 : i32
    %c0_i32_2 = arith.constant 0 : i32
    return %min3A_1, %arg1, %c0_i32 : i32, i32, i32
  }
  func.func @transform_4(%arg0: i32, %arg1: i32, %arg2: memref<24xi32, #tpu.memory_space<smem>>) -> (i32, i32, i32) {
    %get3A = arith.index_cast %arg0 : i32 to index
    %get3A_0 = memref.load %arg2[%get3A] : memref<24xi32, #tpu.memory_space<smem>>
    %min3A = arith.constant 7 : i32
    %min3A_1 = arith.minsi %get3A_0, %min3A : i32
    %c0_i32 = arith.constant 0 : i32
    %c0_i32_2 = arith.constant 0 : i32
    %c0_i32_3 = arith.constant 0 : i32
    return %min3A_1, %c0_i32, %c0_i32_2 : i32, i32, i32
  }
  func.func @transform_5(%arg0: i32, %arg1: i32, %arg2: memref<24xi32, #tpu.memory_space<smem>>) -> (i32, i32) {
    %c0_i32 = arith.constant 0 : i32
    %c0_i32_0 = arith.constant 0 : i32
    return %arg0, %c0_i32 : i32, i32
  }
}

module attributes {stable_mosaic.version = 14 : i64} {
  func.func @body(%arg0: i32, %arg1: memref<2048x768xf32, #tpu.memory_space<vmem>>, %arg2: memref<2048x768xf32, #tpu.memory_space<vmem>>, %arg3: memref<2048x768xf32, #tpu.memory_space<vmem>>, %arg4: memref<2048x2xf32, #tpu.memory_space<vmem>>, %arg5: memref<2048x768xf32, #tpu.memory_space<vmem>>) attributes {dimension_semantics = [#tpu.dimension_semantics<arbitrary>], iteration_bounds = array<i64: 1>, scalar_prefetch = 0 : i64, scratch_operands = 0 : i64, tpu.core_type = #tpu.core_type<tc>, window_params = [{pipeline_mode = #tpu.pipeline_mode<synchronous>, transform_indices = @transform_0, window_bounds = array<i64: 2048, 768>}, {transform_indices = @transform_1, window_bounds = array<i64: 2048, 768>}, {transform_indices = @transform_2, window_bounds = array<i64: 2048, 768>}, {pipeline_mode = #tpu.pipeline_mode<synchronous>, transform_indices = @transform_3, window_bounds = array<i64: 2048, 2>}, {pipeline_mode = #tpu.pipeline_mode<synchronous>, transform_indices = @transform_4, window_bounds = array<i64: 2048, 768>}]} {
    %get3A = arith.constant 0 : index
    %get3A_0 = arith.constant 0 : index
    %get3A_1 = vector.load %arg1[%get3A, %get3A_0] : memref<2048x768xf32, #tpu.memory_space<vmem>>, vector<2048x768xf32>
    %get3A_2 = arith.constant 0 : index
    %get3A_3 = arith.constant 0 : index
    %get3A_4 = vector.load %arg4[%get3A_2, %get3A_3] : memref<2048x2xf32, #tpu.memory_space<vmem>>, vector<2048x1xf32>
    %get3A_5 = arith.constant 0 : index
    %get3A_6 = arith.constant 0 : index
    %get3A_7 = vector.load %arg2[%get3A_5, %get3A_6] : memref<2048x768xf32, #tpu.memory_space<vmem>>, vector<2048x768xf32>
    %mul3A = vector.broadcast %get3A_4 : vector<2048x1xf32> to vector<2048x768xf32>
    %mul3A_8 = arith.mulf %mul3A, %get3A_7 : vector<2048x768xf32>
    %add3A = arith.addf %get3A_1, %mul3A_8 : vector<2048x768xf32>
    %get3A_9 = arith.constant 0 : index
    %get3A_10 = arith.constant 1 : index
    %get3A_11 = vector.load %arg4[%get3A_9, %get3A_10] : memref<2048x2xf32, #tpu.memory_space<vmem>>, vector<2048x1xf32>
    %get3A_12 = arith.constant 0 : index
    %get3A_13 = arith.constant 0 : index
    %get3A_14 = vector.load %arg3[%get3A_12, %get3A_13] : memref<2048x768xf32, #tpu.memory_space<vmem>>, vector<2048x768xf32>
    %mul3A_15 = vector.broadcast %get3A_11 : vector<2048x1xf32> to vector<2048x768xf32>
    %mul3A_16 = arith.mulf %mul3A_15, %get3A_14 : vector<2048x768xf32>
    %add3A_17 = arith.addf %add3A, %mul3A_16 : vector<2048x768xf32>
    %swap3A = arith.constant 0 : index
    %swap3A_18 = arith.constant 0 : index
    %swap3A_19 = vector.load %arg5[%swap3A, %swap3A_18] : memref<2048x768xf32, #tpu.memory_space<vmem>>, vector<2048x768xf32>
    tpu.vector_store %arg5[%swap3A, %swap3A_18], %add3A_17 {strides = array<i32>} : memref<2048x768xf32, #tpu.memory_space<vmem>>, vector<2048x768xf32>,
    return
  }
  func.func @transform_0(%arg0: i32) -> (i32, i32) {
    %c0_i32 = arith.constant 0 : i32
    %c0_i32_0 = arith.constant 0 : i32
    %c0_i32_1 = arith.constant 0 : i32
    return %c0_i32, %c0_i32_0 : i32, i32
  }
  func.func @transform_1(%arg0: i32) -> (i32, i32) {
    %c0_i32 = arith.constant 0 : i32
    %c0_i32_0 = arith.constant 0 : i32
    %c0_i32_1 = arith.constant 0 : i32
    return %c0_i32, %c0_i32_0 : i32, i32
  }
  func.func @transform_2(%arg0: i32) -> (i32, i32) {
    %c1_i32 = arith.constant 1 : i32
    %c0_i32 = arith.constant 0 : i32
    %c0_i32_0 = arith.constant 0 : i32
    return %c1_i32, %c0_i32 : i32, i32
  }
  func.func @transform_3(%arg0: i32) -> (i32, i32) {
    %c0_i32 = arith.constant 0 : i32
    %c0_i32_0 = arith.constant 0 : i32
    %c0_i32_1 = arith.constant 0 : i32
    return %c0_i32, %c0_i32_0 : i32, i32
  }
  func.func @transform_4(%arg0: i32) -> (i32, i32) {
    %c0_i32 = arith.constant 0 : i32
    %c0_i32_0 = arith.constant 0 : i32
    %c0_i32_1 = arith.constant 0 : i32
    return %c0_i32, %c0_i32_0 : i32, i32
  }
}

module attributes {stable_mosaic.version = 14 : i64} {
  func.func @body(%arg0: i32, %arg1: i32, %arg2: memref<1024x768xf32, #tpu.memory_space<vmem>>, %arg3: memref<1x768xf32, #tpu.memory_space<vmem>>, %arg4: memref<1x768xf32, #tpu.memory_space<vmem>>, %arg5: memref<1280x768xf32, #tpu.memory_space<vmem>>, %arg6: memref<1x1280xf32, #tpu.memory_space<vmem>>, %arg7: memref<1024x1280xf32, #tpu.memory_space<vmem>>) attributes {dimension_semantics = [#tpu.dimension_semantics<arbitrary>, #tpu.dimension_semantics<arbitrary>], iteration_bounds = array<i64: 25, 2>, scalar_prefetch = 0 : i64, scratch_operands = 0 : i64, tpu.core_type = #tpu.core_type<tc>, window_params = [{transform_indices = @transform_0, window_bounds = array<i64: 1024, 768>}, {pipeline_mode = #tpu.pipeline_mode<synchronous>, transform_indices = @transform_1, window_bounds = array<i64: 1, 768>}, {pipeline_mode = #tpu.pipeline_mode<synchronous>, transform_indices = @transform_2, window_bounds = array<i64: 1, 768>}, {transform_indices = @transform_3, window_bounds = array<i64: 1280, 768>}, {transform_indices = @transform_4, window_bounds = array<i64: 1, 1280>}, {transform_indices = @transform_5, window_bounds = array<i64: 1024, 1280>}]} {
    %get3A = arith.constant 0 : index
    %get3A_0 = arith.constant 0 : index
    %get3A_1 = vector.load %arg2[%get3A, %get3A_0] : memref<1024x768xf32, #tpu.memory_space<vmem>>, vector<1024x768xf32>
    %reduce_sum3A = arith.constant dense<0.000000e+00> : vector<1024xf32>
    %reduce_sum3A_2 = vector.multi_reduction <add>, %get3A_1, %reduce_sum3A [1] : vector<1024x768xf32> to vector<1024xf32>
    %broadcast_in_dim3A = vector.shape_cast %reduce_sum3A_2 : vector<1024xf32> to vector<1024x1xf32>
    %div3A = arith.constant 7.680000e+02 : f32
    %div3A_3 = vector.broadcast %div3A : f32 to vector<1024x1xf32>
    %div3A_4 = arith.divf %broadcast_in_dim3A, %div3A_3 : vector<1024x1xf32>
    %sub3A = vector.broadcast %div3A_4 : vector<1024x1xf32> to vector<1024x768xf32>
    %sub3A_5 = arith.subf %get3A_1, %sub3A : vector<1024x768xf32>
    %sub3A_6 = vector.broadcast %div3A_4 : vector<1024x1xf32> to vector<1024x768xf32>
    %sub3A_7 = arith.subf %get3A_1, %sub3A_6 : vector<1024x768xf32>
    %mul3A = arith.mulf %sub3A_5, %sub3A_7 : vector<1024x768xf32>
    %reduce_sum3A_8 = arith.constant dense<0.000000e+00> : vector<1024xf32>
    %reduce_sum3A_9 = vector.multi_reduction <add>, %mul3A, %reduce_sum3A_8 [1] : vector<1024x768xf32> to vector<1024xf32>
    %broadcast_in_dim3A_10 = vector.shape_cast %reduce_sum3A_9 : vector<1024xf32> to vector<1024x1xf32>
    %div3A_11 = arith.constant 7.680000e+02 : f32
    %div3A_12 = vector.broadcast %div3A_11 : f32 to vector<1024x1xf32>
    %div3A_13 = arith.divf %broadcast_in_dim3A_10, %div3A_12 : vector<1024x1xf32>
    %sub3A_14 = vector.broadcast %div3A_4 : vector<1024x1xf32> to vector<1024x768xf32>
    %sub3A_15 = arith.subf %get3A_1, %sub3A_14 : vector<1024x768xf32>
    %add3A = arith.constant 9.99999974E-6 : f32
    %add3A_16 = vector.broadcast %add3A : f32 to vector<1024x1xf32>
    %add3A_17 = arith.addf %div3A_13, %add3A_16 : vector<1024x1xf32>
    %rsqrt3A = math.rsqrt %add3A_17 : vector<1024x1xf32>
    %mul3A_18 = vector.broadcast %rsqrt3A : vector<1024x1xf32> to vector<1024x768xf32>
    %mul3A_19 = arith.mulf %sub3A_15, %mul3A_18 : vector<1024x768xf32>
    %get3A_20 = arith.constant 0 : index
    %get3A_21 = arith.constant 0 : index
    %get3A_22 = vector.load %arg3[%get3A_20, %get3A_21] : memref<1x768xf32, #tpu.memory_space<vmem>>, vector<1x768xf32>
    %mul3A_23 = vector.broadcast %get3A_22 : vector<1x768xf32> to vector<1024x768xf32>
    %mul3A_24 = arith.mulf %mul3A_19, %mul3A_23 : vector<1024x768xf32>
    %get3A_25 = arith.constant 0 : index
    %get3A_26 = arith.constant 0 : index
    %get3A_27 = vector.load %arg4[%get3A_25, %get3A_26] : memref<1x768xf32, #tpu.memory_space<vmem>>, vector<1x768xf32>
    %add3A_28 = vector.broadcast %get3A_27 : vector<1x768xf32> to vector<1024x768xf32>
    %add3A_29 = arith.addf %mul3A_24, %add3A_28 : vector<1024x768xf32>
    %get3A_30 = arith.constant 0 : index
    %get3A_31 = arith.constant 0 : index
    %get3A_32 = vector.load %arg5[%get3A_30, %get3A_31] : memref<1280x768xf32, #tpu.memory_space<vmem>>, vector<1280x768xf32>
    %dot_general3A = arith.constant dense<0.000000e+00> : vector<1024x1280xf32>
    %dot_general3A_33 = tpu.matmul %add3A_29, %get3A_32, %dot_general3A {dimension_numbers = #tpu.dot_dimension_numbers<[1], [1], [0], [0], [0, 0, 1, 0], [], []>, transpose_lhs_hint = false} : vector<1024x768xf32>, vector<1280x768xf32>, vector<1024x1280xf32> -> vector<1024x1280xf32>
    %get3A_34 = arith.constant 0 : index
    %get3A_35 = arith.constant 0 : index
    %get3A_36 = vector.load %arg6[%get3A_34, %get3A_35] : memref<1x1280xf32, #tpu.memory_space<vmem>>, vector<1x1280xf32>
    %add3A_37 = vector.broadcast %get3A_36 : vector<1x1280xf32> to vector<1024x1280xf32>
    %add3A_38 = arith.addf %dot_general3A_33, %add3A_37 : vector<1024x1280xf32>
    %swap3A = arith.constant 0 : index
    %swap3A_39 = arith.constant 0 : index
    %swap3A_40 = vector.load %arg7[%swap3A, %swap3A_39] : memref<1024x1280xf32, #tpu.memory_space<vmem>>, vector<1024x1280xf32>
    tpu.vector_store %arg7[%swap3A, %swap3A_39], %add3A_38 {strides = array<i32>} : memref<1024x1280xf32, #tpu.memory_space<vmem>>, vector<1024x1280xf32>,
    return
  }
  func.func @transform_0(%arg0: i32, %arg1: i32) -> (i32, i32) {
    %c0_i32 = arith.constant 0 : i32
    %c0_i32_0 = arith.constant 0 : i32
    return %arg1, %c0_i32 : i32, i32
  }
  func.func @transform_1(%arg0: i32, %arg1: i32) -> (i32, i32) {
    %c0_i32 = arith.constant 0 : i32
    %c0_i32_0 = arith.constant 0 : i32
    %c0_i32_1 = arith.constant 0 : i32
    return %c0_i32, %c0_i32_0 : i32, i32
  }
  func.func @transform_2(%arg0: i32, %arg1: i32) -> (i32, i32) {
    %c0_i32 = arith.constant 0 : i32
    %c0_i32_0 = arith.constant 0 : i32
    %c0_i32_1 = arith.constant 0 : i32
    return %c0_i32, %c0_i32_0 : i32, i32
  }
  func.func @transform_3(%arg0: i32, %arg1: i32) -> (i32, i32) {
    %c0_i32 = arith.constant 0 : i32
    %c0_i32_0 = arith.constant 0 : i32
    return %arg0, %c0_i32 : i32, i32
  }
  func.func @transform_4(%arg0: i32, %arg1: i32) -> (i32, i32) {
    %c0_i32 = arith.constant 0 : i32
    %c0_i32_0 = arith.constant 0 : i32
    return %c0_i32, %arg0 : i32, i32
  }
  func.func @transform_5(%arg0: i32, %arg1: i32) -> (i32, i32) {
    %c0_i32 = arith.constant 0 : i32
    return %arg1, %arg0 : i32, i32
  }
}

</mosaic_0001>

<sc_bundles>
// kernel: kernel.21.cloned.1.call-start
scs
__scs_entry_jumppad:
0x0: {  	(pc) =	sbr.rel $0x88, $3  }
0x1: {  	(tag) =	ssettag $0x0;
	lr =	simm.s32 $0x1  }
0x2: {  	[smem:$0x3F7E] =	sst lr;
	_ =	strace $0xD0000000  }
0x3: {  	_ = 	snop  }
0x4: {  	_ = 	snop  }
0x5: {  	_ = 	snop  }
0x6: {  	_ = 	snop  }
0x7: {  	_ = 	snop  }
__scs_overlays_trampoline_lowered:
0x8: {  	[smem:$0x3F8D] =	sst s0  }
0x9: {  	[smem:$0x3F8E] =	sst s1  }
0xa: {  	[smem:$0x3F8F] =	sst s2  }
0xb: {  	[smem:$0x3F90] =	sst s3  }
0xc: {  	[smem:$0x3F91] =	sst s4  }
0xd: {  	[smem:$0x3F92] =	sst s5  }
0xe: {  	[smem:$0x3F93] =	sst s6  }
0xf: {  	[smem:$0x3F94] =	sst s7  }
0x10: {  	[smem:$0x3F95] =	sst s8  }
0x11: {  	[smem:$0x3F96] =	sst s9;
	s0 =	simm.s32 @!p0 $0x0  }
0x12: {  	s1 =	sld [smem:$0x3F7C];
	s0 =	simm.s32 @p0 $0x1  }
0x13: {  	[smem:$0x3F97] =	sst s0;
	s0 =	simm.s32 @!p1 $0x0  }
0x14: {  	s2 =	sld [smem:$0x3F7B];
	s0 =	simm.s32 @p1 $0x1  }
0x15: {  	[smem:$0x3F98] =	sst s0;
	s0 =	simm.s32 @!p2 $0x0  }
0x16: {  	s3 =	sld [smem:$0x3FDB];
	s0 =	simm.s32 @p2 $0x1  }
0x17: {  	s4 =	simm.s32 $0x1BF5;
	[smem:$0x3F9A] =	sst s0  }
0x18: {  	s0 =	sld [smem:$0x3F7D];
	_ =	swait.ge [sflag:s4], $0x0  }
0x19: {  	s7 =	sld [smem:$0x3F7E]  }
0x1a: {  	s8 =	sadd.s32 $0xFFFFE003, lr  }
0x1b: {  	s9 =	sadd.s32 $0xFFFFFEF7, lr;
	s5 =	simm.s32 $0xFFFFFFFF;
	p2 =	slt.u32 s8, $0xFFFFF086  }
0x1c: {  	p1 =	slt.u32 s9, $0xF7A;
	s5 =	simm.s32 @!p2 $0x0  }
0x1d: {  	s5 =	simm.s32 @p1 $0x1;
	p0 =	seq.s32 s7, s2  }
0x1e: {  	s7 =	smul.u32 @!p0 $0xF7A, s2;
	p2 =	seq.s32 @!p0 s5, $0x0  }
0x1f: {  	s9 =	smul.u32 $0xF7A, s1;
	s8 =	simm.s32 @!p0 $0x1BF5;
	p2 =	por !p2, p0  }
0x20: {  	[sflag:s8] =	ssyncset.s32 @!p0 $0xFFFFF086;
	s6 =	sadd.s32 @!p0 s3, s7;
	s7 =	simm.s32 @!p0 $0x108  }
0x21: {  	s3 =	sadd.s32 s3, s9;
	s6 =	sadd.s32 @!p0 $0x88, s6;
	s7 =	simm.s32 @p2 $0x1082  }
0x22: {  	[simem:s7], [sflag:s8] =	dma.local @!p0 [hbm:s6], $0xF7A  }
0x23: {  	s9 =	sor.u32 $0xD0000000, s2;
	s6 =	simm.s32 $0x108;
	_ =	swait.ge @!p0 [sflag:s8], $0x0  }
0x24: {  	s3 =	sadd.s32 $0x88, s3;
	s6 =	simm.s32 @!p1 $0x1082;
	[sflag:s4] =	ssyncset.s32 $0xFFFFF086  }
0x25: {  	[simem:s6], [sflag:s4] =	dma.local [hbm:s3], $0xF7A  }
0x26: {  	[smem:$0x3F7E] =	sst s1;
	(tag) =	ssettag s2;
	_ =	strace s9  }
0x27: {  	s1 =	sld [smem:$0x3F8E]  }
0x28: {  	s2 =	sld [smem:$0x3F8F]  }
0x29: {  	s4 =	sld [smem:$0x3F91]  }
0x2a: {  	p0 =	seq.s32 s5, $0x0;
	s5 =	sld [smem:$0x3F92]  }
0x2b: {  	s6 =	sld [smem:$0x3F93]  }
0x2c: {  	s7 =	sld [smem:$0x3F94]  }
0x2d: {  	s3 =	simm.s32 $0x108;
	s8 =	sld [smem:$0x3F95]  }
0x2e: {  	s3 =	simm.s32 @!p0 $0x1082;
	s9 =	sld [smem:$0x3F96]  }
0x2f: {  	lr =	sadd.s32 s0, s3;
	s0 =	sld [smem:$0x3F8D]  }
0x30: {  	s3 =	sld [smem:$0x3F90]  }
0x31: {  	[smem:$0x3F99] =	sst s10  }
0x32: {  	s10 =	sld [smem:$0x3F97];
	_ =	sdelay $0x3  }
0x33: {  	p0 =	seq.s32 s10, $0x1;
	s10 =	sld [smem:$0x3F99];
	_ =	sdelay $0x3  }
0x34: {  	[smem:$0x3F99] =	sst s10  }
0x35: {  	s10 =	sld [smem:$0x3F98];
	_ =	sdelay $0x3  }
0x36: {  	p1 =	seq.s32 s10, $0x1;
	s10 =	sld [smem:$0x3F99];
	_ =	sdelay $0x3  }
0x37: {  	[smem:$0x3F99] =	sst s10  }
0x38: {  	s10 =	sld [smem:$0x3F9A]  }
0x39: {  	_ = 	snop;
	(pc) =	sbr.ind lr, $3  }
0x3a: {  	_ = 	snop  }
0x3b: {  	_ = 	snop  }
0x3c: {  	p2 =	seq.s32 s10, $0x1;
	s10 =	sld [smem:$0x3F99]  }
0x3d: {  	_ =	shalt  }
0x3e: {  	_ =	shalt  }
0x3f: {  	_ =	shalt  }
0x40: {  	_ =	shalt  }
0x41: {  	_ =	shalt  }
0x42: {  	_ =	shalt  }
0x43: {  	_ =	shalt  }
0x44: {  	_ =	shalt  }
0x45: {  	_ =	shalt  }
0x46: {  	_ =	shalt  }
0x47: {  	_ =	shalt  }
0x48: {  	_ =	shalt  }
0x49: {  	_ =	shalt  }
0x4a: {  	_ =	shalt  }
0x4b: {  	_ =	shalt  }
0x4c: {  	_ =	shalt  }
0x4d: {  	_ =	shalt  }
0x4e: {  	_ =	shalt  }
0x4f: {  	_ =	shalt  }
0x50: {  	_ =	shalt  }
0x51: {  	_ =	shalt  }
0x52: {  	_ =	shalt  }
0x53: {  	_ =	shalt  }
0x54: {  	_ =	shalt  }
0x55: {  	_ =	shalt  }
0x56: {  	_ =	shalt  }
0x57: {  	_ =	shalt  }
0x58: {  	_ =	shalt  }
0x59: {  	_ =	shalt  }
0x5a: {  	_ =	shalt  }
0x5b: {  	_ =	shalt  }
0x5c: {  	_ =	shalt  }
0x5d: {  	_ =	shalt  }
0x5e: {  	_ =	shalt  }
0x5f: {  	_ =	shalt  }
0x60: {  	_ =	shalt  }
0x61: {  	_ =	shalt  }
0x62: {  	_ =	shalt  }
0x63: {  	_ =	shalt  }
0x64: {  	_ =	shalt  }
0x65: {  	_ =	shalt  }
0x66: {  	_ =	shalt  }
0x67: {  	_ =	shalt  }
0x68: {  	_ =	shalt  }
0x69: {  	_ =	shalt  }
0x6a: {  	_ =	shalt  }
0x6b: {  	_ =	shalt  }
0x6c: {  	_ =	shalt  }
0x6d: {  	_ =	shalt  }
0x6e: {  	_ =	shalt  }
0x6f: {  	_ =	shalt  }
0x70: {  	_ =	shalt  }
0x71: {  	_ =	shalt  }
0x72: {  	_ =	shalt  }
0x73: {  	_ =	shalt  }
0x74: {  	_ =	shalt  }
0x75: {  	_ =	shalt  }
0x76: {  	_ =	shalt  }
0x77: {  	_ =	shalt  }
0x78: {  	_ =	shalt  }
0x79: {  	_ =	shalt  }
0x7a: {  	_ =	shalt  }
0x7b: {  	_ =	shalt  }
0x7c: {  	_ =	shalt  }
0x7d: {  	_ =	shalt  }
0x7e: {  	_ =	shalt  }
0x7f: {  	_ =	shalt  }
0x80: {  	_ =	shalt  }
0x81: {  	_ =	shalt  }
0x82: {  	_ =	shalt  }
0x83: {  	_ =	shalt  }
0x84: {  	_ =	shalt  }
0x85: {  	_ =	shalt  }
0x86: {  	_ =	shalt  }
0x87: {  	_ =	shalt  }
.Lfunc_end0:
.L_simem_size_0:
called_computation_lowered:
.L_overlay_start_0:
0x88: {  	s2 =	sld [smem:$0x3FD9]  }
0x89: {  	s3 =	sld [smem:$0x3FFE];
	_ =	sdelay $0x1  }
0x8a: {  	s1 =	srdreg.scid  }
0x8b: {  	s0 =	sand.u32 $0x1, s1  }
0x8c: {  	s17 =	sshll.u32 s0, $0xA;
	s2 =	sadd.s32 s3, s2  }
0x8d: {  	s2 =	sadd.s32 s2, s17  }
0x8e: {  	[smem:$0x3FA5] =	sst s2  }
0x8f: {  	_ = 	snop  }
0x90: {  	s2 =	sld [smem:$0x3FA8]  }
0x91: {  	s18 =	sld [smem:$0x3FA7];
	(tm) =	ssettm $0x1  }
0x92: {  	s4 =	sld [smem:$0x3FFB];
	_ =	sdelay $0x3  }
0x93: {  	_ =	strace s4  }
0x94: {  	s4 =	sld [smem:$0x3FFC];
	_ =	sdelay $0x3  }
0x95: {  	_ =	strace s4  }
0x96: {  	s4 =	sld [smem:$0x3FFD];
	_ =	sdelay $0x3  }
0x97: {  	_ =	strace s4  }
0x98: {  	_ =	strace $0x8FFFFFFF  }
0x99: {  	s19 =	sld [smem:$0x3FDB];
	_ =	sdelay $0x1  }
0x9a: {  	s5 =	simm.s32 $_scs_section_size  }
0x9b: {  	s6 =	simm.s32 $_size__tile_overlayer_lowered;
	s7 =	simm.s32 $_tile_overlayer_lowered  }
0x9c: {  	s22 =	simm.s32 $0x1BFF;
	s21 =	sshll.u32 s7, $0x1;
	s4 =	sadd.s32 s5, s19  }
0x9d: {  	s8 =	simm.s32 $0x0;
	s20 =	sshll.u32 s6, $0x1;
	s6 =	sadd.s32 s21, s4  }
0x9e: {  	[timem:s8], [sflag:s22] =	dma.local [hbm:s6], s20  }
0x9f: {  	_ =	swait.ge [sflag:s22], s20  }
0xa0: {  	s5 =	ssub.s32 $0x0, s20;
	[sflag:s22] =	ssyncset.done $0x0  }
0xa1: {  	[sflag:s22] =	ssyncadd.s32 s5;
	_ =	sdelay $0x1  }
0xa2: {  	s23 =	simm.s32 $0x1B8B  }
0xa3: {  	_ =	swait.ge [sflag:s23], $0x1  }
0xa4: {  	[sflag:s23] =	ssyncset.done $0x0  }
0xa5: {  	s25 =	simm.s32 $0x1B8E;
	s24 =	sld [smem:$0x3FFE];
	[sflag:s23] =	ssyncadd.s32 $0xFFFFFFFF  }
0xa6: {  	s26 =	simm.s32 $execute0_lowered;
	[smem:$0x3FD2] =	sst s25  }
0xa7: {  	s6 =	sshll.u32 s26, $0x1;
	_ =	strace $0x80000046;
	[dreg:$0x1] =	wrdreg $0xFFFFFFFF  }
0xa8: {  	s28 =	simm.s32 $_size_execute0_lowered;
	s4 =	sadd.s32 s4, s6;
	[dreg:$0x0] =	wrdreg $0x0  }
0xa9: {  	s6 =	sshll.u32 s28, $0x1;
	[dreg:$0x2] =	wrdreg s4  }
0xaa: {  	[dreg:$0x3] =	wrdreg s6  }
0xab: {  	[dreg:$0x4] =	wrdreg $0xC0  }
0xac: {  	_ =	task [dreg:s8], $0x5FFFF  }
0xad: {  	[dreg:$0x1] =	wrdreg $0xFFFFFFFF  }
0xae: {  	[dreg:$0x0] =	wrdreg $0x60  }
0xaf: {  	[dreg:$0x2] =	wrdreg s2  }
0xb0: {  	[dreg:$0x3] =	wrdreg s18  }
0xb1: {  	[dreg:$0x4] =	wrdreg s24  }
0xb2: {  	[dreg:$0x5] =	wrdreg $0x9  }
0xb3: {  	_ =	task.clear_ibuf [dreg:s8], $0x6FFFF;
	_ =	strace $0x90000046  }
0xb4: {  	s29 =	simm.s32 $0x9;
	_ =	strace $0x80000048  }
0xb5: {  	_ =	swait.ge [sflag:s29], $0x1  }
0xb6: {  	[sflag:s29] =	ssyncadd.s32 $0xFFFFFFFF  }
0xb7: {  	_ =	strace $0x90000048  }
0xb8: {  	_ =	sfence  }
0xb9: {  	s30 =	sld [smem:$0x0];
	_ =	sdelay $0x2  }
0xba: {  	s31 =	sshll.u32 s1, $0xD;
	s1 =	sshrl.u32 s1, $0x2  }
0xbb: {  	s3 =	sand.u32 $0x4000, s31;
	s1 =	sadd.s32 s1, s30  }
0xbc: {  	s0 =	sor.u32 s3, s0;
	s1 =	sshll.u32 s1, $0x11  }
0xbd: {  	s0 =	sor.u32 s1, s0  }
0xbe: {  	s0 =	sadd.s32 $0x8F2B, s0  }
0xbf: {  	[sflag:s0] =	ssyncadd.remote.s32 $0x1  }
0xc0: {  	_ =	sfence.sel $0xFFFF  }
0xc1: {  	[dreg:$0x0] =	wrdreg $0xFFFFFFFF;
	(pc) =	sbr.abs _section_cstart, $3  }
0xc2: {  	[dreg:$0x1] =	wrdreg $0xFFFFFFFF  }
0xc3: {  	_ =	task.clear_ibuf [dreg:s8], $0x2FFFF;
	_ =	strace $0x9FFFFFFF  }
0xc4: {  	(tm) =	ssettm $0x7FFFFFFF  }
0xc5: {  	_ =	shalt  }
tec
execute0_lowered:
.L_overlay_start_1:
0x0: {  	(tag) =	ssettag $0x1  }
0x1: {  	s1 =	rddreg [dreg:$0x0]  }
0x2: {  	s2 =	srdreg.scid;
	s4 =	rddreg [dreg:$0x1]  }
0x3: {  	s0 =	stileid.u32;
	s5 =	rddreg [dreg:$0x2];
	s3 =	simm.s32 $0x0  }
0x4: {  	s26 =	simm.s32 $0x880;
	s9 =	simm.s32 $0x1080;
	s10 =	simm.s32 $0x1880  }
0x5: {  	s11 =	simm.s32 $0x2080;
	s12 =	simm.s32 $0x2880;
	s13 =	simm.s32 $0x3080  }
0x6: {  	s14 =	simm.s32 $0x3880;
	s15 =	simm.s32 $0x4080;
	s16 =	simm.s32 $0x4880  }
0x7: {  	s17 =	simm.s32 $0x5080;
	s18 =	simm.s32 $0x5880;
	s19 =	simm.s32 $0x6080  }
0x8: {  	s20 =	simm.s32 $0x6880;
	s21 =	simm.s32 $0x7080;
	s22 =	simm.s32 $0x7880  }
0x9: {  	s23 =	simm.s32 $0x8080;
	s24 =	simm.s32 $0x8880;
	s28 =	simm.s32 $0xA080  }
0xa: {  	s29 =	simm.s32 $0xA880;
	s30 =	simm.s32 $0xB080;
	s31 =	simm.s32 $0xB880  }
0xb: {  	s2 =	sand.u32 $0x1, s2;
	s6 =	sshll.u32 s0, $0x4;
	[smem:$0x7FF] =	sst s3  }
0xc: {  	s7 =	sshll.u32 s2, $0x3;
	s2 =	ssub.s32 $0x2, s2;
	_ =	strace $0x80000047  }
0xd: {  	[dreg:$0x6] =	wrdreg s26;
	s26 =	simm.s32 $0x9880;
	s6 =	sor.u32 s7, s6  }
0xe: {  	s8 =	sshrl.u32 s2, $0x1;
	s7 =	smul.u32 $0x300, s6;
	s4 =	sadd.s32 s4, s6  }
0xf: {  	s2 =	ssub.s32 s2, s8;
	s8 =	simm.s32 $0x80;
	[dreg:$0x4] =	wrdreg s4  }
0x10: {  	v2 =	vlaneseq.u32;
	s4 =	sadd.s32 $0x100, s1;
	s6 =	smax.u32 s2, $0x1;
	s5 =	sadd.s32 s7, s5  }
0x11: {  	vm0 =	vmmov $0xffff;
	v1 =	vshrl.u32 v2, $0x3;
	s2 =	simm.s32 $0x1;
	s7 =	simm.s32 $0x2;
	s25 =	sadd.s32 $0x6E00, s5  }
0x12: {  	v0 =	vand.u32 $0x7, v2;
	v2 =	vor.u32 $0x8, v2;
	v1 =	vmul.u32 $0x8, v1;
	s5 =	sadd.s32 $0x200, s1;
	[dreg:$0x5] =	wrdreg s25;
	s25 =	simm.s32 $0x9080  }
.LBB2_1:
0x13: {  	s0 =	rddreg [dreg:$0x4]  }
0x14: {  	[tilespmem:s3], [sflag:$0x2] =	stream.linear.gather [hbm4b:s0+s3], $0x40, $0x38;
	[tilespmem:$0xC080] =	vst v63  }
0x15: {  	_ =	swait.ge [sflag:s7], $0x40  }
0x16: {  	[sflag:s7] =	ssyncset.done $0x0  }
0x17: {  	[sflag:s7] =	ssyncadd.s32 $0xFFFFFFC0  }
0x18: {  	v3 =	vld [tilespmem:$0x0];
	_ =	sdelay $0x4  }
0x19: {  	v4 =	vshrl.u32 v3, $0x3  }
0x1a: {  	v4 =	vmul.u32 $0x30, v4  }
0x1b: {  	v3 =	vand.u32 $0x7, v3  }
0x1c: {  	v3 =	vor.u32 v3, v4  }
0x1d: {  	v4 =	vperm.xlane v3, v0;
	_ =	sdelay $0x1  }
0x1e: {  	v4 =	vadd.s32 v1, v4;
	_ =	sdelay $0x3  }
0x1f: {  	v3 =	vperm.xlane v3, v2  }
0x20: {  	[tilespmem:s8], [sflag:$0x1] =	stream.indirect_vreg.gather [hbm4b:s1+s3], $0x80, v4, vm0, $0xb8;
	[tilespmem:$0xC080] =	vst v63  }
0x21: {  	s0 =	rddreg [dreg:$0x6];
	v3 =	vadd.s32 v1, v3  }
0x22: {  	[tilespmem:s0], [sflag:$0x1] =	stream.indirect_vreg.gather [hbm4b:s4+s3], $0x80, v4, vm0, $0xb8;
	[tilespmem:$0xC080] =	vst v63  }
0x23: {  	_ = 	snop  }
0x24: {  	[tilespmem:s9], [sflag:$0x1] =	stream.indirect_vreg.gather [hbm4b:s5+s3], $0x80, v4, vm0, $0xb8;
	[tilespmem:$0xC080] =	vst v63  }
0x25: {  	_ = 	snop  }
0x26: {  	[tilespmem:s10], [sflag:$0x1] =	stream.indirect_vreg.gather [hbm4b:s1+s3], $0x80, v3, vm0, $0xb8;
	[tilespmem:$0xC080] =	vst v63  }
0x27: {  	_ = 	snop  }
0x28: {  	[tilespmem:s11], [sflag:$0x1] =	stream.indirect_vreg.gather [hbm4b:s4+s3], $0x80, v3, vm0, $0xb8;
	[tilespmem:$0xC080] =	vst v63  }
0x29: {  	_ = 	snop  }
0x2a: {  	[tilespmem:s12], [sflag:$0x1] =	stream.indirect_vreg.gather [hbm4b:s5+s3], $0x80, v3, vm0, $0xb8;
	[tilespmem:$0xC080] =	vst v63  }
0x2b: {  	v3 =	vld [tilespmem:$0x10];
	_ =	sdelay $0x4  }
0x2c: {  	v61 =	vshrl.u32 v3, $0x3  }
0x2d: {  	v4 =	vmul.u32 $0x30, v61  }
0x2e: {  	v3 =	vand.u32 $0x7, v3  }
0x2f: {  	v3 =	vor.u32 v3, v4  }
0x30: {  	v4 =	vperm.xlane v3, v0;
	_ =	sdelay $0x1  }
0x31: {  	v4 =	vadd.s32 v1, v4;
	_ =	sdelay $0x3  }
0x32: {  	v3 =	vperm.xlane v3, v2  }
0x33: {  	[tilespmem:s13], [sflag:$0x1] =	stream.indirect_vreg.gather [hbm4b:s1+s3], $0x80, v4, vm0, $0xb8;
	[tilespmem:$0xC080] =	vst v63  }
0x34: {  	v3 =	vadd.s32 v1, v3  }
0x35: {  	[tilespmem:s14], [sflag:$0x1] =	stream.indirect_vreg.gather [hbm4b:s4+s3], $0x80, v4, vm0, $0xb8;
	[tilespmem:$0xC080] =	vst v63  }
0x36: {  	_ = 	snop  }
0x37: {  	[tilespmem:s15], [sflag:$0x1] =	stream.indirect_vreg.gather [hbm4b:s5+s3], $0x80, v4, vm0, $0xb8;
	[tilespmem:$0xC080] =	vst v63  }
0x38: {  	_ = 	snop  }
0x39: {  	[tilespmem:s16], [sflag:$0x1] =	stream.indirect_vreg.gather [hbm4b:s1+s3], $0x80, v3, vm0, $0xb8;
	[tilespmem:$0xC080] =	vst v63  }
0x3a: {  	_ = 	snop  }
0x3b: {  	[tilespmem:s17], [sflag:$0x1] =	stream.indirect_vreg.gather [hbm4b:s4+s3], $0x80, v3, vm0, $0xb8;
	[tilespmem:$0xC080] =	vst v63  }
0x3c: {  	_ = 	snop  }
0x3d: {  	[tilespmem:s18], [sflag:$0x1] =	stream.indirect_vreg.gather [hbm4b:s5+s3], $0x80, v3, vm0, $0xb8;
	[tilespmem:$0xC080] =	vst v63  }
0x3e: {  	v3 =	vld [tilespmem:$0x20];
	_ =	sdelay $0x4  }
0x3f: {  	v62 =	vshrl.u32 v3, $0x3  }
0x40: {  	v4 =	vmul.u32 $0x30, v62  }
0x41: {  	v3 =	vand.u32 $0x7, v3  }
0x42: {  	v3 =	vor.u32 v3, v4  }
0x43: {  	v4 =	vperm.xlane v3, v0;
	_ =	sdelay $0x1  }
0x44: {  	v4 =	vadd.s32 v1, v4;
	_ =	sdelay $0x3  }
0x45: {  	v3 =	vperm.xlane v3, v2  }
0x46: {  	[tilespmem:s19], [sflag:$0x1] =	stream.indirect_vreg.gather [hbm4b:s1+s3], $0x80, v4, vm0, $0xb8;
	[tilespmem:$0xC080] =	vst v63  }
0x47: {  	v3 =	vadd.s32 v1, v3  }
0x48: {  	[tilespmem:s20], [sflag:$0x1] =	stream.indirect_vreg.gather [hbm4b:s4+s3], $0x80, v4, vm0, $0xb8;
	[tilespmem:$0xC080] =	vst v63  }
0x49: {  	_ = 	snop  }
0x4a: {  	[tilespmem:s21], [sflag:$0x1] =	stream.indirect_vreg.gather [hbm4b:s5+s3], $0x80, v4, vm0, $0xb8;
	[tilespmem:$0xC080] =	vst v63  }
0x4b: {  	_ = 	snop  }
0x4c: {  	[tilespmem:s22], [sflag:$0x1] =	stream.indirect_vreg.gather [hbm4b:s1+s3], $0x80, v3, vm0, $0xb8;
	[tilespmem:$0xC080] =	vst v63  }
0x4d: {  	_ = 	snop  }
0x4e: {  	[tilespmem:s23], [sflag:$0x1] =	stream.indirect_vreg.gather [hbm4b:s4+s3], $0x80, v3, vm0, $0xb8;
	[tilespmem:$0xC080] =	vst v63  }
0x4f: {  	_ = 	snop  }
0x50: {  	[tilespmem:s24], [sflag:$0x1] =	stream.indirect_vreg.gather [hbm4b:s5+s3], $0x80, v3, vm0, $0xb8;
	[tilespmem:$0xC080] =	vst v63  }
0x51: {  	v3 =	vld [tilespmem:$0x30];
	_ =	sdelay $0x4  }
0x52: {  	v63 =	vshrl.u32 v3, $0x3  }
0x53: {  	v4 =	vmul.u32 $0x30, v63  }
0x54: {  	v3 =	vand.u32 $0x7, v3  }
0x55: {  	v3 =	vor.u32 v3, v4  }
0x56: {  	v4 =	vperm.xlane v3, v0;
	_ =	sdelay $0x1  }
0x57: {  	v4 =	vadd.s32 v1, v4;
	_ =	sdelay $0x3  }
0x58: {  	v3 =	vperm.xlane v3, v2  }
0x59: {  	[tilespmem:s25], [sflag:$0x1] =	stream.indirect_vreg.gather [hbm4b:s1+s3], $0x80, v4, vm0, $0xb8;
	[tilespmem:$0xC080] =	vst v63  }
0x5a: {  	v3 =	vadd.s32 v1, v3  }
0x5b: {  	[tilespmem:s26], [sflag:$0x1] =	stream.indirect_vreg.gather [hbm4b:s4+s3], $0x80, v4, vm0, $0xb8;
	[tilespmem:$0xC080] =	vst v63  }
0x5c: {  	_ = 	snop  }
0x5d: {  	[tilespmem:s28], [sflag:$0x1] =	stream.indirect_vreg.gather [hbm4b:s5+s3], $0x80, v4, vm0, $0xb8;
	[tilespmem:$0xC080] =	vst v63  }
0x5e: {  	_ = 	snop  }
0x5f: {  	[tilespmem:s29], [sflag:$0x1] =	stream.indirect_vreg.gather [hbm4b:s1+s3], $0x80, v3, vm0, $0xb8;
	[tilespmem:$0xC080] =	vst v63  }
0x60: {  	_ = 	snop  }
0x61: {  	[tilespmem:s30], [sflag:$0x1] =	stream.indirect_vreg.gather [hbm4b:s4+s3], $0x80, v3, vm0, $0xb8;
	[tilespmem:$0xC080] =	vst v63  }
0x62: {  	_ = 	snop  }
0x63: {  	[tilespmem:s31], [sflag:$0x1] =	stream.indirect_vreg.gather [hbm4b:s5+s3], $0x80, v3, vm0, $0xb8;
	[tilespmem:$0xC080] =	vst v63  }
0x64: {  	_ =	swait.ge [sflag:s2], $0xC000  }
0x65: {  	p0 =	sne.s32 s6, $0x1;
	[sflag:s2] =	ssyncset.done $0x0  }
.Ltmp0:
0x66: {  	s0 =	rddreg [dreg:$0x5];
	[sflag:s2] =	ssyncadd.s32 $0xFFFF4000;
	(pc) =	sbr.rel @p0 .LBB2_1-.Ltmp0, $4  }
0x67: {  	[hbm4b:s0+s3] =	stream.linear.scatter [tilespmem:s8], [sflag:$0x2], $0xC000, $0x38;
	[tilespmem:$0xC080] =	vst v63  }
0x68: {  	_ =	swait.ge [sflag:s7], $0xC000  }
0x69: {  	[sflag:s7] =	ssyncset.done $0x0  }
0x6a: {  	s6 =	sadd.s32 $0xFFFFFFFF, s6;
	[sflag:s7] =	ssyncadd.s32 $0xFFFF4000  }
0x6b: {  	_ =	sfence.sel $0x180000  }
0x6c: {  	[bflag:$0x0] =	sbarrier.arrive $0xFFFF  }
0x6d: {  	_ =	strace $0x90000047  }
0x6e: {  	s0 =	stileid.u32;
	[bflag:$0x2] =	sbarrier.arrive $0xFFFF  }
0x6f: {  	p0 =	sne.s32 s0, $0x0;
	s0 =	rddreg [dreg:$0x3]  }
0x70: {  	s0 =	sadd.s32 @!p0 $0x100000, s0  }
0x71: {  	[sflag:s0] =	ssyncadd.tile.s32 @!p0 $0x1;
	_ =	shalt  }
.Lfunc_end2:
_tile_overlayer_lowered:
.L_overlay_start_2:
0x72: {  	(tag) =	ssettag $0x2  }
0x73: {  	s0 =	rddreg [dreg:$0x0];
	s2 =	stileid.u32  }
0x74: {  	s1 =	rddreg [dreg:$0x1];
	p0 =	sne.s32 s2, $0x0  }
0x75: {  	s3 =	rddreg [dreg:$0x2];
	[bflag:$0x3] =	sbarrier.arrive $0xFFFF;
	s2 =	simm.s32 @!p0 $0x1C02  }
0x76: {  	[timem:s3], [sflag:s2] =	dma.local @!p0 [hbm:s0], s1  }
0x77: {  	s0 =	simm.s32 @!p0 $0x2  }
0x78: {  	_ =	swait.ge @!p0 [sflag:s0], s1  }
0x79: {  	s1 =	ssub.s32 @!p0 $0x0, s1;
	[sflag:s0] =	ssyncset.done @!p0 $0x0  }
0x7a: {  	[sflag:s0] =	ssyncadd.s32 @!p0 s1  }
0x7b: {  	[bflag:$0x3] =	sbarrier.arrive $0xFFFF  }
0x7c: {  	_ =	shalt  }

// kernel: kernel.24.cloned.1.call-start
scs
__scs_entry_jumppad:
0x0: {  	(pc) =	sbr.rel $0x88, $3  }
0x1: {  	(tag) =	ssettag $0x0;
	lr =	simm.s32 $0x1  }
0x2: {  	[smem:$0x3F7E] =	sst lr;
	_ =	strace $0xD0000000  }
0x3: {  	_ = 	snop  }
0x4: {  	_ = 	snop  }
0x5: {  	_ = 	snop  }
0x6: {  	_ = 	snop  }
0x7: {  	_ = 	snop  }
__scs_overlays_trampoline_lowered:
0x8: {  	[smem:$0x3F8D] =	sst s0  }
0x9: {  	[smem:$0x3F8E] =	sst s1  }
0xa: {  	[smem:$0x3F8F] =	sst s2  }
0xb: {  	[smem:$0x3F90] =	sst s3  }
0xc: {  	[smem:$0x3F91] =	sst s4  }
0xd: {  	[smem:$0x3F92] =	sst s5  }
0xe: {  	[smem:$0x3F93] =	sst s6  }
0xf: {  	[smem:$0x3F94] =	sst s7  }
0x10: {  	[smem:$0x3F95] =	sst s8  }
0x11: {  	[smem:$0x3F96] =	sst s9;
	s0 =	simm.s32 @!p0 $0x0  }
0x12: {  	s1 =	sld [smem:$0x3F7C];
	s0 =	simm.s32 @p0 $0x1  }
0x13: {  	[smem:$0x3F97] =	sst s0;
	s0 =	simm.s32 @!p1 $0x0  }
0x14: {  	s2 =	sld [smem:$0x3F7B];
	s0 =	simm.s32 @p1 $0x1  }
0x15: {  	[smem:$0x3F98] =	sst s0;
	s0 =	simm.s32 @!p2 $0x0  }
0x16: {  	s3 =	sld [smem:$0x3FDB];
	s0 =	simm.s32 @p2 $0x1  }
0x17: {  	s4 =	simm.s32 $0x1BF5;
	[smem:$0x3F9A] =	sst s0  }
0x18: {  	s0 =	sld [smem:$0x3F7D];
	_ =	swait.ge [sflag:s4], $0x0  }
0x19: {  	s7 =	sld [smem:$0x3F7E]  }
0x1a: {  	s8 =	sadd.s32 $0xFFFFE003, lr  }
0x1b: {  	s9 =	sadd.s32 $0xFFFFFEF7, lr;
	s5 =	simm.s32 $0xFFFFFFFF;
	p2 =	slt.u32 s8, $0xFFFFF086  }
0x1c: {  	p1 =	slt.u32 s9, $0xF7A;
	s5 =	simm.s32 @!p2 $0x0  }
0x1d: {  	s5 =	simm.s32 @p1 $0x1;
	p0 =	seq.s32 s7, s2  }
0x1e: {  	s7 =	smul.u32 @!p0 $0xF7A, s2;
	p2 =	seq.s32 @!p0 s5, $0x0  }
0x1f: {  	s9 =	smul.u32 $0xF7A, s1;
	s8 =	simm.s32 @!p0 $0x1BF5;
	p2 =	por !p2, p0  }
0x20: {  	[sflag:s8] =	ssyncset.s32 @!p0 $0xFFFFF086;
	s6 =	sadd.s32 @!p0 s3, s7;
	s7 =	simm.s32 @!p0 $0x108  }
0x21: {  	s3 =	sadd.s32 s3, s9;
	s6 =	sadd.s32 @!p0 $0x88, s6;
	s7 =	simm.s32 @p2 $0x1082  }
0x22: {  	[simem:s7], [sflag:s8] =	dma.local @!p0 [hbm:s6], $0xF7A  }
0x23: {  	s9 =	sor.u32 $0xD0000000, s2;
	s6 =	simm.s32 $0x108;
	_ =	swait.ge @!p0 [sflag:s8], $0x0  }
0x24: {  	s3 =	sadd.s32 $0x88, s3;
	s6 =	simm.s32 @!p1 $0x1082;
	[sflag:s4] =	ssyncset.s32 $0xFFFFF086  }
0x25: {  	[simem:s6], [sflag:s4] =	dma.local [hbm:s3], $0xF7A  }
0x26: {  	[smem:$0x3F7E] =	sst s1;
	(tag) =	ssettag s2;
	_ =	strace s9  }
0x27: {  	s1 =	sld [smem:$0x3F8E]  }
0x28: {  	s2 =	sld [smem:$0x3F8F]  }
0x29: {  	s4 =	sld [smem:$0x3F91]  }
0x2a: {  	p0 =	seq.s32 s5, $0x0;
	s5 =	sld [smem:$0x3F92]  }
0x2b: {  	s6 =	sld [smem:$0x3F93]  }
0x2c: {  	s7 =	sld [smem:$0x3F94]  }
0x2d: {  	s3 =	simm.s32 $0x108;
	s8 =	sld [smem:$0x3F95]  }
0x2e: {  	s3 =	simm.s32 @!p0 $0x1082;
	s9 =	sld [smem:$0x3F96]  }
0x2f: {  	lr =	sadd.s32 s0, s3;
	s0 =	sld [smem:$0x3F8D]  }
0x30: {  	s3 =	sld [smem:$0x3F90]  }
0x31: {  	[smem:$0x3F99] =	sst s10  }
0x32: {  	s10 =	sld [smem:$0x3F97];
	_ =	sdelay $0x3  }
0x33: {  	p0 =	seq.s32 s10, $0x1;
	s10 =	sld [smem:$0x3F99];
	_ =	sdelay $0x3  }
0x34: {  	[smem:$0x3F99] =	sst s10  }
0x35: {  	s10 =	sld [smem:$0x3F98];
	_ =	sdelay $0x3  }
0x36: {  	p1 =	seq.s32 s10, $0x1;
	s10 =	sld [smem:$0x3F99];
	_ =	sdelay $0x3  }
0x37: {  	[smem:$0x3F99] =	sst s10  }
0x38: {  	s10 =	sld [smem:$0x3F9A]  }
0x39: {  	_ = 	snop;
	(pc) =	sbr.ind lr, $3  }
0x3a: {  	_ = 	snop  }
0x3b: {  	_ = 	snop  }
0x3c: {  	p2 =	seq.s32 s10, $0x1;
	s10 =	sld [smem:$0x3F99]  }
0x3d: {  	_ =	shalt  }
0x3e: {  	_ =	shalt  }
0x3f: {  	_ =	shalt  }
0x40: {  	_ =	shalt  }
0x41: {  	_ =	shalt  }
0x42: {  	_ =	shalt  }
0x43: {  	_ =	shalt  }
0x44: {  	_ =	shalt  }
0x45: {  	_ =	shalt  }
0x46: {  	_ =	shalt  }
0x47: {  	_ =	shalt  }
0x48: {  	_ =	shalt  }
0x49: {  	_ =	shalt  }
0x4a: {  	_ =	shalt  }
0x4b: {  	_ =	shalt  }
0x4c: {  	_ =	shalt  }
0x4d: {  	_ =	shalt  }
0x4e: {  	_ =	shalt  }
0x4f: {  	_ =	shalt  }
0x50: {  	_ =	shalt  }
0x51: {  	_ =	shalt  }
0x52: {  	_ =	shalt  }
0x53: {  	_ =	shalt  }
0x54: {  	_ =	shalt  }
0x55: {  	_ =	shalt  }
0x56: {  	_ =	shalt  }
0x57: {  	_ =	shalt  }
0x58: {  	_ =	shalt  }
0x59: {  	_ =	shalt  }
0x5a: {  	_ =	shalt  }
0x5b: {  	_ =	shalt  }
0x5c: {  	_ =	shalt  }
0x5d: {  	_ =	shalt  }
0x5e: {  	_ =	shalt  }
0x5f: {  	_ =	shalt  }
0x60: {  	_ =	shalt  }
0x61: {  	_ =	shalt  }
0x62: {  	_ =	shalt  }
0x63: {  	_ =	shalt  }
0x64: {  	_ =	shalt  }
0x65: {  	_ =	shalt  }
0x66: {  	_ =	shalt  }
0x67: {  	_ =	shalt  }
0x68: {  	_ =	shalt  }
0x69: {  	_ =	shalt  }
0x6a: {  	_ =	shalt  }
0x6b: {  	_ =	shalt  }
0x6c: {  	_ =	shalt  }
0x6d: {  	_ =	shalt  }
0x6e: {  	_ =	shalt  }
0x6f: {  	_ =	shalt  }
0x70: {  	_ =	shalt  }
0x71: {  	_ =	shalt  }
0x72: {  	_ =	shalt  }
0x73: {  	_ =	shalt  }
0x74: {  	_ =	shalt  }
0x75: {  	_ =	shalt  }
0x76: {  	_ =	shalt  }
0x77: {  	_ =	shalt  }
0x78: {  	_ =	shalt  }
0x79: {  	_ =	shalt  }
0x7a: {  	_ =	shalt  }
0x7b: {  	_ =	shalt  }
0x7c: {  	_ =	shalt  }
0x7d: {  	_ =	shalt  }
0x7e: {  	_ =	shalt  }
0x7f: {  	_ =	shalt  }
0x80: {  	_ =	shalt  }
0x81: {  	_ =	shalt  }
0x82: {  	_ =	shalt  }
0x83: {  	_ =	shalt  }
0x84: {  	_ =	shalt  }
0x85: {  	_ =	shalt  }
0x86: {  	_ =	shalt  }
0x87: {  	_ =	shalt  }
.Lfunc_end0:
.L_simem_size_0:
called_computation.1_lowered:
.L_overlay_start_0:
0x88: {  	s2 =	sld [smem:$0x3FD9]  }
0x89: {  	s3 =	sld [smem:$0x3FFE];
	_ =	sdelay $0x1  }
0x8a: {  	s1 =	srdreg.scid  }
0x8b: {  	s0 =	sand.u32 $0x1, s1  }
0x8c: {  	s17 =	sshll.u32 s0, $0xA;
	s2 =	sadd.s32 s3, s2  }
0x8d: {  	s2 =	sadd.s32 s2, s17  }
0x8e: {  	[smem:$0x3FA5] =	sst s2  }
0x8f: {  	_ = 	snop  }
0x90: {  	s2 =	sld [smem:$0x3FD0];
	(tm) =	ssettm $0x1  }
0x91: {  	s18 =	sld [smem:$0x3FFB];
	_ =	sdelay $0x3  }
0x92: {  	_ =	strace s18  }
0x93: {  	s3 =	sld [smem:$0x3FFC];
	_ =	sdelay $0x3  }
0x94: {  	_ =	strace s3  }
0x95: {  	s3 =	sld [smem:$0x3FFD];
	_ =	sdelay $0x3  }
0x96: {  	_ =	strace s3  }
0x97: {  	_ =	strace $0x8FFFFFFF  }
0x98: {  	s19 =	sld [smem:$0x3FDB];
	_ =	sdelay $0x1  }
0x99: {  	s4 =	simm.s32 $_scs_section_size  }
0x9a: {  	s5 =	simm.s32 $_size__tile_overlayer_lowered;
	s6 =	simm.s32 $_tile_overlayer_lowered  }
0x9b: {  	s22 =	simm.s32 $0x1BFF;
	s21 =	sshll.u32 s6, $0x1;
	s3 =	sadd.s32 s4, s19  }
0x9c: {  	s7 =	simm.s32 $0x0;
	s20 =	sshll.u32 s5, $0x1;
	s5 =	sadd.s32 s21, s3  }
0x9d: {  	[timem:s7], [sflag:s22] =	dma.local [hbm:s5], s20  }
0x9e: {  	_ =	swait.ge [sflag:s22], s20  }
0x9f: {  	s4 =	ssub.s32 $0x0, s20;
	[sflag:s22] =	ssyncset.done $0x0  }
0xa0: {  	[sflag:s22] =	ssyncadd.s32 s4;
	_ =	sdelay $0x1  }
0xa1: {  	s23 =	simm.s32 $0x1B8B  }
0xa2: {  	_ =	swait.ge [sflag:s23], $0x1  }
0xa3: {  	[sflag:s23] =	ssyncset.done $0x0  }
0xa4: {  	s25 =	simm.s32 $0x1B8E;
	s24 =	sld [smem:$0x3FFE];
	[sflag:s23] =	ssyncadd.s32 $0xFFFFFFFF  }
0xa5: {  	s26 =	simm.s32 $execute0_lowered;
	[smem:$0x3FD2] =	sst s25  }
0xa6: {  	s5 =	sshll.u32 s26, $0x1;
	_ =	strace $0x80000049;
	[dreg:$0x1] =	wrdreg $0xFFFFFFFF  }
0xa7: {  	s28 =	simm.s32 $_size_execute0_lowered;
	s3 =	sadd.s32 s3, s5;
	[dreg:$0x0] =	wrdreg $0x0  }
0xa8: {  	s5 =	sshll.u32 s28, $0x1;
	[dreg:$0x2] =	wrdreg s3  }
0xa9: {  	[dreg:$0x3] =	wrdreg s5  }
0xaa: {  	[dreg:$0x4] =	wrdreg $0xC0  }
0xab: {  	_ =	task [dreg:s7], $0x5FFFF  }
0xac: {  	[dreg:$0x1] =	wrdreg $0xFFFFFFFF  }
0xad: {  	[dreg:$0x0] =	wrdreg $0x60  }
0xae: {  	[dreg:$0x2] =	wrdreg s24  }
0xaf: {  	[dreg:$0x3] =	wrdreg s2  }
0xb0: {  	[dreg:$0x4] =	wrdreg $0x9  }
0xb1: {  	_ =	task.clear_ibuf [dreg:s7], $0x5FFFF;
	_ =	strace $0x90000049  }
0xb2: {  	s29 =	simm.s32 $0x9;
	_ =	strace $0x8000004B  }
0xb3: {  	_ =	swait.ge [sflag:s29], $0x1  }
0xb4: {  	[sflag:s29] =	ssyncadd.s32 $0xFFFFFFFF  }
0xb5: {  	_ =	strace $0x9000004B  }
0xb6: {  	_ =	sfence  }
0xb7: {  	s30 =	sld [smem:$0x0];
	_ =	sdelay $0x2  }
0xb8: {  	s31 =	sshll.u32 s1, $0xD;
	s1 =	sshrl.u32 s1, $0x2  }
0xb9: {  	s3 =	sand.u32 $0x4000, s31;
	s1 =	sadd.s32 s1, s30  }
0xba: {  	s0 =	sor.u32 s3, s0;
	s1 =	sshll.u32 s1, $0x11  }
0xbb: {  	s0 =	sor.u32 s1, s0  }
0xbc: {  	s0 =	sadd.s32 $0x8F2B, s0  }
0xbd: {  	[sflag:s0] =	ssyncadd.remote.s32 $0x1  }
0xbe: {  	_ =	sfence.sel $0xFFFF  }
0xbf: {  	[dreg:$0x0] =	wrdreg $0xFFFFFFFF;
	(pc) =	sbr.abs _section_cstart, $3  }
0xc0: {  	[dreg:$0x1] =	wrdreg $0xFFFFFFFF  }
0xc1: {  	_ =	task.clear_ibuf [dreg:s7], $0x2FFFF;
	_ =	strace $0x9FFFFFFF  }
0xc2: {  	(tm) =	ssettm $0x7FFFFFFF  }
0xc3: {  	_ =	shalt  }
tec
execute0_lowered:
.L_overlay_start_1:
0x0: {  	(tag) =	ssettag $0x1  }
0x1: {  	s1 =	srdreg.scid  }
0x2: {  	s0 =	stileid.u32;
	s1 =	sand.u32 $0x1, s1  }
0x3: {  	s4 =	rddreg [dreg:$0x0];
	s2 =	sshll.u32 s0, $0x5;
	s3 =	sshll.u32 s1, $0x4  }
0x4: {  	s5 =	sor.u32 s3, s2;
	s2 =	rddreg [dreg:$0x1];
	s3 =	simm.s32 $0x0  }
0x5: {  	s25 =	simm.s32 $0x880;
	[smem:$0x7FF] =	sst s3  }
0x6: {  	s26 =	simm.s32 $0x1080;
	_ =	strace $0x8000004A;
	[dreg:$0x5] =	wrdreg s25  }
0x7: {  	s0 =	simm.s32 $0x1880;
	[dreg:$0x6] =	wrdreg s26  }
0x8: {  	s7 =	simm.s32 $0x3080;
	[dreg:$0x7] =	wrdreg s0  }
0x9: {  	s8 =	simm.s32 $0x3880;
	[dreg:$0xa] =	wrdreg s7  }
0xa: {  	s9 =	simm.s32 $0x4080;
	[dreg:$0xb] =	wrdreg s8  }
0xb: {  	s10 =	simm.s32 $0x4880;
	[dreg:$0xc] =	wrdreg s9  }
0xc: {  	s11 =	simm.s32 $0x5080;
	s12 =	simm.s32 $0x5880;
	[dreg:$0xd] =	wrdreg s10  }
0xd: {  	s13 =	simm.s32 $0x6080;
	s14 =	simm.s32 $0x6880;
	[dreg:$0xe] =	wrdreg s11  }
0xe: {  	s15 =	simm.s32 $0x7080;
	s16 =	simm.s32 $0x7880;
	[dreg:$0xf] =	wrdreg s12  }
0xf: {  	s17 =	simm.s32 $0x8080;
	s18 =	simm.s32 $0x8880;
	[dreg:$0x10] =	wrdreg s13  }
0x10: {  	s19 =	simm.s32 $0x9080;
	s21 =	simm.s32 $0x9880;
	[dreg:$0x11] =	wrdreg s14  }
0x11: {  	s22 =	simm.s32 $0xA080;
	s23 =	simm.s32 $0xA880;
	[dreg:$0x12] =	wrdreg s15  }
0x12: {  	s24 =	simm.s32 $0xB880;
	s28 =	simm.s32 $0x16080;
	[dreg:$0x13] =	wrdreg s16  }
0x13: {  	s29 =	simm.s32 $0x16880;
	s30 =	simm.s32 $0x17080;
	[dreg:$0x14] =	wrdreg s17  }
0x14: {  	s31 =	simm.s32 $0x17880;
	s1 =	ssub.s32 $0x2, s1;
	[dreg:$0x15] =	wrdreg s18  }
0x15: {  	s20 =	sshrl.u32 s1, $0x1;
	s6 =	sand.u32 $0xF0, s5;
	[dreg:$0x16] =	wrdreg s19  }
0x16: {  	s5 =	sadd.s32 s5, s4;
	s1 =	ssub.s32 s1, s20;
	[dreg:$0x17] =	wrdreg s21  }
0x17: {  	s20 =	simm.s32 $0x12880;
	s6 =	smul.u32 $0x300, s6;
	[dreg:$0x18] =	wrdreg s22  }
0x18: {  	s5 =	sadd.s32 $0x36E00, s5;
	[dreg:$0x19] =	wrdreg s23;
	s7 =	simm.s32 $0xB080  }
0x19: {  	[dreg:$0x1b] =	wrdreg s24;
	s25 =	simm.s32 $0xC080;
	s8 =	simm.s32 $0x80  }
0x1a: {  	s26 =	simm.s32 $0xC880;
	s10 =	simm.s32 $0xD880;
	s11 =	simm.s32 $0xE080  }
0x1b: {  	s12 =	simm.s32 $0xE880;
	s13 =	simm.s32 $0xF080;
	s14 =	simm.s32 $0xF880  }
0x1c: {  	s15 =	simm.s32 $0x10080;
	s16 =	simm.s32 $0x10880;
	s17 =	simm.s32 $0x11080  }
0x1d: {  	s18 =	simm.s32 $0x11880;
	s19 =	simm.s32 $0x12080;
	[dreg:$0x3] =	wrdreg s5  }
0x1e: {  	s21 =	simm.s32 $0x13080;
	s22 =	simm.s32 $0x13880;
	[dreg:$0x1a] =	wrdreg s7  }
0x1f: {  	s23 =	simm.s32 $0x14080;
	s24 =	simm.s32 $0x14880;
	[dreg:$0x1c] =	wrdreg s25  }
0x20: {  	s5 =	simm.s32 $0x2080;
	s7 =	simm.s32 $0x2;
	[dreg:$0x1d] =	wrdreg s26  }
0x21: {  	s25 =	simm.s32 $0x15080;
	s26 =	simm.s32 $0x15880;
	s4 =	sadd.s32 s6, s4  }
0x22: {  	v2 =	vlaneseq.u32;
	[dreg:$0x8] =	wrdreg s5;
	s6 =	simm.s32 $0x2880;
	s5 =	sadd.s32 $0x200, s2  }
0x23: {  	vm0 =	vmmov $0xffff;
	v1 =	vshrl.u32 v2, $0x3;
	s4 =	sadd.s32 $0x6E00, s4;
	[dreg:$0x9] =	wrdreg s6;
	s6 =	smax.u32 s1, $0x1  }
0x24: {  	v0 =	vand.u32 $0x7, v2;
	v2 =	vor.u32 $0x8, v2;
	v1 =	vmul.u32 $0x8, v1;
	s1 =	simm.s32 $0x1;
	[dreg:$0x4] =	wrdreg s4;
	s4 =	sadd.s32 $0x100, s2  }
.LBB2_1:
0x25: {  	s0 =	rddreg [dreg:$0x3]  }
0x26: {  	[tilespmem:s3], [sflag:$0x2] =	stream.linear.gather [hbm4b:s0+s3], $0x80, $0x38;
	[tilespmem:$0x18080] =	vst v63  }
0x27: {  	_ =	swait.ge [sflag:s7], $0x80  }
0x28: {  	[sflag:s7] =	ssyncset.done $0x0  }
0x29: {  	s9 =	rddreg [dreg:$0x4];
	[sflag:s7] =	ssyncadd.s32 $0xFFFFFF80  }
0x2a: {  	[tilespmem:s8], [sflag:$0x2] =	stream.linear.gather [hbm4b:s9+s3], $0x18000, $0x38;
	[tilespmem:$0x18080] =	vst v63  }
0x2b: {  	_ =	swait.ge [sflag:s7], $0x18000  }
0x2c: {  	[sflag:s7] =	ssyncset.done $0x0  }
0x2d: {  	[sflag:s7] =	ssyncadd.s32 $0xFFFE8000  }
0x2e: {  	v3 =	vld [tilespmem:$0x0];
	_ =	sdelay $0x4  }
0x2f: {  	v4 =	vshrl.u32 v3, $0x3  }
0x30: {  	v4 =	vmul.u32 $0x30, v4  }
0x31: {  	v3 =	vand.u32 $0x7, v3  }
0x32: {  	v3 =	vor.u32 v3, v4  }
0x33: {  	v4 =	vperm.xlane v3, v0;
	_ =	sdelay $0x1  }
0x34: {  	v4 =	vadd.s32 v1, v4;
	_ =	sdelay $0x3  }
0x35: {  	v3 =	vperm.xlane v3, v2  }
0x36: {  	[hbm4b:s2+s3] =	stream.indirect_vreg.scatter [tilespmem:s8], [sflag:$0x1], $0x80, v4, vm0, $0xb8;
	[tilespmem:$0x18080] =	vst v63  }
0x37: {  	s0 =	rddreg [dreg:$0x5];
	v3 =	vadd.s32 v1, v3  }
0x38: {  	[hbm4b:s4+s3] =	stream.indirect_vreg.scatter [tilespmem:s0], [sflag:$0x1], $0x80, v4, vm0, $0xb8;
	[tilespmem:$0x18080] =	vst v63  }
0x39: {  	s9 =	rddreg [dreg:$0x6]  }
0x3a: {  	[hbm4b:s5+s3] =	stream.indirect_vreg.scatter [tilespmem:s9], [sflag:$0x1], $0x80, v4, vm0, $0xb8;
	[tilespmem:$0x18080] =	vst v63  }
0x3b: {  	s0 =	rddreg [dreg:$0x7]  }
0x3c: {  	[hbm4b:s2+s3] =	stream.indirect_vreg.scatter [tilespmem:s0], [sflag:$0x1], $0x80, v3, vm0, $0xb8;
	[tilespmem:$0x18080] =	vst v63  }
0x3d: {  	s9 =	rddreg [dreg:$0x8]  }
0x3e: {  	[hbm4b:s4+s3] =	stream.indirect_vreg.scatter [tilespmem:s9], [sflag:$0x1], $0x80, v3, vm0, $0xb8;
	[tilespmem:$0x18080] =	vst v63  }
0x3f: {  	s0 =	rddreg [dreg:$0x9]  }
0x40: {  	[hbm4b:s5+s3] =	stream.indirect_vreg.scatter [tilespmem:s0], [sflag:$0x1], $0x80, v3, vm0, $0xb8;
	[tilespmem:$0x18080] =	vst v63  }
0x41: {  	v3 =	vld [tilespmem:$0x10];
	_ =	sdelay $0x4  }
0x42: {  	v57 =	vshrl.u32 v3, $0x3  }
0x43: {  	v4 =	vmul.u32 $0x30, v57  }
0x44: {  	v3 =	vand.u32 $0x7, v3  }
0x45: {  	v3 =	vor.u32 v3, v4  }
0x46: {  	v4 =	vperm.xlane v3, v0;
	_ =	sdelay $0x1  }
0x47: {  	v4 =	vadd.s32 v1, v4;
	_ =	sdelay $0x3  }
0x48: {  	s0 =	rddreg [dreg:$0xa];
	v3 =	vperm.xlane v3, v2  }
0x49: {  	[hbm4b:s2+s3] =	stream.indirect_vreg.scatter [tilespmem:s0], [sflag:$0x1], $0x80, v4, vm0, $0xb8;
	[tilespmem:$0x18080] =	vst v63  }
0x4a: {  	s9 =	rddreg [dreg:$0xb];
	v3 =	vadd.s32 v1, v3  }
0x4b: {  	[hbm4b:s4+s3] =	stream.indirect_vreg.scatter [tilespmem:s9], [sflag:$0x1], $0x80, v4, vm0, $0xb8;
	[tilespmem:$0x18080] =	vst v63  }
0x4c: {  	s0 =	rddreg [dreg:$0xc]  }
0x4d: {  	[hbm4b:s5+s3] =	stream.indirect_vreg.scatter [tilespmem:s0], [sflag:$0x1], $0x80, v4, vm0, $0xb8;
	[tilespmem:$0x18080] =	vst v63  }
0x4e: {  	s9 =	rddreg [dreg:$0xd]  }
0x4f: {  	[hbm4b:s2+s3] =	stream.indirect_vreg.scatter [tilespmem:s9], [sflag:$0x1], $0x80, v3, vm0, $0xb8;
	[tilespmem:$0x18080] =	vst v63  }
0x50: {  	s0 =	rddreg [dreg:$0xe]  }
0x51: {  	[hbm4b:s4+s3] =	stream.indirect_vreg.scatter [tilespmem:s0], [sflag:$0x1], $0x80, v3, vm0, $0xb8;
	[tilespmem:$0x18080] =	vst v63  }
0x52: {  	s9 =	rddreg [dreg:$0xf]  }
0x53: {  	[hbm4b:s5+s3] =	stream.indirect_vreg.scatter [tilespmem:s9], [sflag:$0x1], $0x80, v3, vm0, $0xb8;
	[tilespmem:$0x18080] =	vst v63  }
0x54: {  	v3 =	vld [tilespmem:$0x20];
	_ =	sdelay $0x4  }
0x55: {  	v58 =	vshrl.u32 v3, $0x3  }
0x56: {  	v4 =	vmul.u32 $0x30, v58  }
0x57: {  	v3 =	vand.u32 $0x7, v3  }
0x58: {  	v3 =	vor.u32 v3, v4  }
0x59: {  	v4 =	vperm.xlane v3, v0;
	_ =	sdelay $0x1  }
0x5a: {  	v4 =	vadd.s32 v1, v4;
	_ =	sdelay $0x3  }
0x5b: {  	s0 =	rddreg [dreg:$0x10];
	v3 =	vperm.xlane v3, v2  }
0x5c: {  	[hbm4b:s2+s3] =	stream.indirect_vreg.scatter [tilespmem:s0], [sflag:$0x1], $0x80, v4, vm0, $0xb8;
	[tilespmem:$0x18080] =	vst v63  }
0x5d: {  	s9 =	rddreg [dreg:$0x11];
	v3 =	vadd.s32 v1, v3  }
0x5e: {  	[hbm4b:s4+s3] =	stream.indirect_vreg.scatter [tilespmem:s9], [sflag:$0x1], $0x80, v4, vm0, $0xb8;
	[tilespmem:$0x18080] =	vst v63  }
0x5f: {  	s0 =	rddreg [dreg:$0x12]  }
0x60: {  	[hbm4b:s5+s3] =	stream.indirect_vreg.scatter [tilespmem:s0], [sflag:$0x1], $0x80, v4, vm0, $0xb8;
	[tilespmem:$0x18080] =	vst v63  }
0x61: {  	s9 =	rddreg [dreg:$0x13]  }
0x62: {  	[hbm4b:s2+s3] =	stream.indirect_vreg.scatter [tilespmem:s9], [sflag:$0x1], $0x80, v3, vm0, $0xb8;
	[tilespmem:$0x18080] =	vst v63  }
0x63: {  	s0 =	rddreg [dreg:$0x14]  }
0x64: {  	[hbm4b:s4+s3] =	stream.indirect_vreg.scatter [tilespmem:s0], [sflag:$0x1], $0x80, v3, vm0, $0xb8;
	[tilespmem:$0x18080] =	vst v63  }
0x65: {  	s9 =	rddreg [dreg:$0x15]  }
0x66: {  	[hbm4b:s5+s3] =	stream.indirect_vreg.scatter [tilespmem:s9], [sflag:$0x1], $0x80, v3, vm0, $0xb8;
	[tilespmem:$0x18080] =	vst v63  }
0x67: {  	v3 =	vld [tilespmem:$0x30];
	_ =	sdelay $0x4  }
0x68: {  	v59 =	vshrl.u32 v3, $0x3  }
0x69: {  	v4 =	vmul.u32 $0x30, v59  }
0x6a: {  	v3 =	vand.u32 $0x7, v3  }
0x6b: {  	v3 =	vor.u32 v3, v4  }
0x6c: {  	v4 =	vperm.xlane v3, v0;
	_ =	sdelay $0x1  }
0x6d: {  	v4 =	vadd.s32 v1, v4;
	_ =	sdelay $0x3  }
0x6e: {  	s0 =	rddreg [dreg:$0x16];
	v3 =	vperm.xlane v3, v2  }
0x6f: {  	[hbm4b:s2+s3] =	stream.indirect_vreg.scatter [tilespmem:s0], [sflag:$0x1], $0x80, v4, vm0, $0xb8;
	[tilespmem:$0x18080] =	vst v63  }
0x70: {  	s9 =	rddreg [dreg:$0x17];
	v3 =	vadd.s32 v1, v3  }
0x71: {  	[hbm4b:s4+s3] =	stream.indirect_vreg.scatter [tilespmem:s9], [sflag:$0x1], $0x80, v4, vm0, $0xb8;
	[tilespmem:$0x18080] =	vst v63  }
0x72: {  	s0 =	rddreg [dreg:$0x18]  }
0x73: {  	[hbm4b:s5+s3] =	stream.indirect_vreg.scatter [tilespmem:s0], [sflag:$0x1], $0x80, v4, vm0, $0xb8;
	[tilespmem:$0x18080] =	vst v63  }
0x74: {  	s9 =	rddreg [dreg:$0x19]  }
0x75: {  	[hbm4b:s2+s3] =	stream.indirect_vreg.scatter [tilespmem:s9], [sflag:$0x1], $0x80, v3, vm0, $0xb8;
	[tilespmem:$0x18080] =	vst v63  }
0x76: {  	s0 =	rddreg [dreg:$0x1a]  }
0x77: {  	[hbm4b:s4+s3] =	stream.indirect_vreg.scatter [tilespmem:s0], [sflag:$0x1], $0x80, v3, vm0, $0xb8;
	[tilespmem:$0x18080] =	vst v63  }
0x78: {  	s9 =	rddreg [dreg:$0x1b]  }
0x79: {  	[hbm4b:s5+s3] =	stream.indirect_vreg.scatter [tilespmem:s9], [sflag:$0x1], $0x80, v3, vm0, $0xb8;
	[tilespmem:$0x18080] =	vst v63  }
0x7a: {  	v3 =	vld [tilespmem:$0x40];
	_ =	sdelay $0x4  }
0x7b: {  	v60 =	vshrl.u32 v3, $0x3  }
0x7c: {  	v4 =	vmul.u32 $0x30, v60  }
0x7d: {  	v3 =	vand.u32 $0x7, v3  }
0x7e: {  	v3 =	vor.u32 v3, v4  }
0x7f: {  	v4 =	vperm.xlane v3, v0;
	_ =	sdelay $0x1  }
0x80: {  	v4 =	vadd.s32 v1, v4;
	_ =	sdelay $0x3  }
0x81: {  	s0 =	rddreg [dreg:$0x1c];
	v3 =	vperm.xlane v3, v2  }
0x82: {  	[hbm4b:s2+s3] =	stream.indirect_vreg.scatter [tilespmem:s0], [sflag:$0x1], $0x80, v4, vm0, $0xb8;
	[tilespmem:$0x18080] =	vst v63  }
0x83: {  	s9 =	rddreg [dreg:$0x1d];
	v3 =	vadd.s32 v1, v3  }
0x84: {  	[hbm4b:s4+s3] =	stream.indirect_vreg.scatter [tilespmem:s9], [sflag:$0x1], $0x80, v4, vm0, $0xb8;
	[tilespmem:$0x18080] =	vst v63  }
0x85: {  	s9 =	simm.s32 $0xD080  }
0x86: {  	[hbm4b:s5+s3] =	stream.indirect_vreg.scatter [tilespmem:s9], [sflag:$0x1], $0x80, v4, vm0, $0xb8;
	[tilespmem:$0x18080] =	vst v63  }
0x87: {  	_ = 	snop  }
0x88: {  	[hbm4b:s2+s3] =	stream.indirect_vreg.scatter [tilespmem:s10], [sflag:$0x1], $0x80, v3, vm0, $0xb8;
	[tilespmem:$0x18080] =	vst v63  }
0x89: {  	_ = 	snop  }
0x8a: {  	[hbm4b:s4+s3] =	stream.indirect_vreg.scatter [tilespmem:s11], [sflag:$0x1], $0x80, v3, vm0, $0xb8;
	[tilespmem:$0x18080] =	vst v63  }
0x8b: {  	_ = 	snop  }
0x8c: {  	[hbm4b:s5+s3] =	stream.indirect_vreg.scatter [tilespmem:s12], [sflag:$0x1], $0x80, v3, vm0, $0xb8;
	[tilespmem:$0x18080] =	vst v63  }
0x8d: {  	v3 =	vld [tilespmem:$0x50];
	_ =	sdelay $0x4  }
0x8e: {  	v61 =	vshrl.u32 v3, $0x3  }
0x8f: {  	v4 =	vmul.u32 $0x30, v61  }
0x90: {  	v3 =	vand.u32 $0x7, v3  }
0x91: {  	v3 =	vor.u32 v3, v4  }
0x92: {  	v4 =	vperm.xlane v3, v0;
	_ =	sdelay $0x1  }
0x93: {  	v4 =	vadd.s32 v1, v4;
	_ =	sdelay $0x3  }
0x94: {  	v3 =	vperm.xlane v3, v2  }
0x95: {  	[hbm4b:s2+s3] =	stream.indirect_vreg.scatter [tilespmem:s13], [sflag:$0x1], $0x80, v4, vm0, $0xb8;
	[tilespmem:$0x18080] =	vst v63  }
0x96: {  	v3 =	vadd.s32 v1, v3  }
0x97: {  	[hbm4b:s4+s3] =	stream.indirect_vreg.scatter [tilespmem:s14], [sflag:$0x1], $0x80, v4, vm0, $0xb8;
	[tilespmem:$0x18080] =	vst v63  }
0x98: {  	_ = 	snop  }
0x99: {  	[hbm4b:s5+s3] =	stream.indirect_vreg.scatter [tilespmem:s15], [sflag:$0x1], $0x80, v4, vm0, $0xb8;
	[tilespmem:$0x18080] =	vst v63  }
0x9a: {  	_ = 	snop  }
0x9b: {  	[hbm4b:s2+s3] =	stream.indirect_vreg.scatter [tilespmem:s16], [sflag:$0x1], $0x80, v3, vm0, $0xb8;
	[tilespmem:$0x18080] =	vst v63  }
0x9c: {  	_ = 	snop  }
0x9d: {  	[hbm4b:s4+s3] =	stream.indirect_vreg.scatter [tilespmem:s17], [sflag:$0x1], $0x80, v3, vm0, $0xb8;
	[tilespmem:$0x18080] =	vst v63  }
0x9e: {  	_ = 	snop  }
0x9f: {  	[hbm4b:s5+s3] =	stream.indirect_vreg.scatter [tilespmem:s18], [sflag:$0x1], $0x80, v3, vm0, $0xb8;
	[tilespmem:$0x18080] =	vst v63  }
0xa0: {  	v3 =	vld [tilespmem:$0x60];
	_ =	sdelay $0x4  }
0xa1: {  	v62 =	vshrl.u32 v3, $0x3  }
0xa2: {  	v4 =	vmul.u32 $0x30, v62  }
0xa3: {  	v3 =	vand.u32 $0x7, v3  }
0xa4: {  	v3 =	vor.u32 v3, v4  }
0xa5: {  	v4 =	vperm.xlane v3, v0;
	_ =	sdelay $0x1  }
0xa6: {  	v4 =	vadd.s32 v1, v4;
	_ =	sdelay $0x3  }
0xa7: {  	v3 =	vperm.xlane v3, v2  }
0xa8: {  	[hbm4b:s2+s3] =	stream.indirect_vreg.scatter [tilespmem:s19], [sflag:$0x1], $0x80, v4, vm0, $0xb8;
	[tilespmem:$0x18080] =	vst v63  }
0xa9: {  	v3 =	vadd.s32 v1, v3  }
0xaa: {  	[hbm4b:s4+s3] =	stream.indirect_vreg.scatter [tilespmem:s20], [sflag:$0x1], $0x80, v4, vm0, $0xb8;
	[tilespmem:$0x18080] =	vst v63  }
0xab: {  	_ = 	snop  }
0xac: {  	[hbm4b:s5+s3] =	stream.indirect_vreg.scatter [tilespmem:s21], [sflag:$0x1], $0x80, v4, vm0, $0xb8;
	[tilespmem:$0x18080] =	vst v63  }
0xad: {  	_ = 	snop  }
0xae: {  	[hbm4b:s2+s3] =	stream.indirect_vreg.scatter [tilespmem:s22], [sflag:$0x1], $0x80, v3, vm0, $0xb8;
	[tilespmem:$0x18080] =	vst v63  }
0xaf: {  	_ = 	snop  }
0xb0: {  	[hbm4b:s4+s3] =	stream.indirect_vreg.scatter [tilespmem:s23], [sflag:$0x1], $0x80, v3, vm0, $0xb8;
	[tilespmem:$0x18080] =	vst v63  }
0xb1: {  	_ = 	snop  }
0xb2: {  	[hbm4b:s5+s3] =	stream.indirect_vreg.scatter [tilespmem:s24], [sflag:$0x1], $0x80, v3, vm0, $0xb8;
	[tilespmem:$0x18080] =	vst v63  }
0xb3: {  	v3 =	vld [tilespmem:$0x70];
	_ =	sdelay $0x4  }
0xb4: {  	v63 =	vshrl.u32 v3, $0x3  }
0xb5: {  	v4 =	vmul.u32 $0x30, v63  }
0xb6: {  	v3 =	vand.u32 $0x7, v3  }
0xb7: {  	v3 =	vor.u32 v3, v4  }
0xb8: {  	v4 =	vperm.xlane v3, v0;
	_ =	sdelay $0x1  }
0xb9: {  	v4 =	vadd.s32 v1, v4;
	_ =	sdelay $0x3  }
0xba: {  	v3 =	vperm.xlane v3, v2  }
0xbb: {  	[hbm4b:s2+s3] =	stream.indirect_vreg.scatter [tilespmem:s25], [sflag:$0x1], $0x80, v4, vm0, $0xb8;
	[tilespmem:$0x18080] =	vst v63  }
0xbc: {  	v3 =	vadd.s32 v1, v3  }
0xbd: {  	[hbm4b:s4+s3] =	stream.indirect_vreg.scatter [tilespmem:s26], [sflag:$0x1], $0x80, v4, vm0, $0xb8;
	[tilespmem:$0x18080] =	vst v63  }
0xbe: {  	_ = 	snop  }
0xbf: {  	[hbm4b:s5+s3] =	stream.indirect_vreg.scatter [tilespmem:s28], [sflag:$0x1], $0x80, v4, vm0, $0xb8;
	[tilespmem:$0x18080] =	vst v63  }
0xc0: {  	_ = 	snop  }
0xc1: {  	[hbm4b:s2+s3] =	stream.indirect_vreg.scatter [tilespmem:s29], [sflag:$0x1], $0x80, v3, vm0, $0xb8;
	[tilespmem:$0x18080] =	vst v63  }
0xc2: {  	p0 =	sne.s32 s6, $0x1  }
0xc3: {  	[hbm4b:s4+s3] =	stream.indirect_vreg.scatter [tilespmem:s30], [sflag:$0x1], $0x80, v3, vm0, $0xb8;
	[tilespmem:$0x18080] =	vst v63  }
.Ltmp0:
0xc4: {  	_ = 	snop;
	(pc) =	sbr.rel @p0 .LBB2_1-.Ltmp0, $4  }
0xc5: {  	[hbm4b:s5+s3] =	stream.indirect_vreg.scatter [tilespmem:s31], [sflag:$0x1], $0x80, v3, vm0, $0xb8;
	[tilespmem:$0x18080] =	vst v63  }
0xc6: {  	_ =	swait.ge [sflag:s1], $0x18000  }
0xc7: {  	[sflag:s1] =	ssyncset.done $0x0  }
0xc8: {  	s6 =	sadd.s32 $0xFFFFFFFF, s6;
	[sflag:s1] =	ssyncadd.s32 $0xFFFE8000  }
0xc9: {  	_ =	sfence.sel $0x180000  }
0xca: {  	[bflag:$0x0] =	sbarrier.arrive $0xFFFF  }
0xcb: {  	_ =	strace $0x9000004A  }
0xcc: {  	s0 =	stileid.u32;
	[bflag:$0x2] =	sbarrier.arrive $0xFFFF  }
0xcd: {  	p0 =	sne.s32 s0, $0x0;
	s0 =	rddreg [dreg:$0x2]  }
0xce: {  	s0 =	sadd.s32 @!p0 $0x100000, s0  }
0xcf: {  	[sflag:s0] =	ssyncadd.tile.s32 @!p0 $0x1;
	_ =	shalt  }
.Lfunc_end2:
_tile_overlayer_lowered:
.L_overlay_start_2:
0xd0: {  	(tag) =	ssettag $0x2  }
0xd1: {  	s0 =	rddreg [dreg:$0x0];
	s2 =	stileid.u32  }
0xd2: {  	s1 =	rddreg [dreg:$0x1];
	p0 =	sne.s32 s2, $0x0  }
0xd3: {  	s3 =	rddreg [dreg:$0x2];
	[bflag:$0x3] =	sbarrier.arrive $0xFFFF;
	s2 =	simm.s32 @!p0 $0x1C02  }
0xd4: {  	[timem:s3], [sflag:s2] =	dma.local @!p0 [hbm:s0], s1  }
0xd5: {  	s0 =	simm.s32 @!p0 $0x2  }
0xd6: {  	_ =	swait.ge @!p0 [sflag:s0], s1  }
0xd7: {  	s1 =	ssub.s32 @!p0 $0x0, s1;
	[sflag:s0] =	ssyncset.done @!p0 $0x0  }
0xd8: {  	[sflag:s0] =	ssyncadd.s32 @!p0 s1  }
0xd9: {  	[bflag:$0x3] =	sbarrier.arrive $0xFFFF  }
0xda: {  	_ =	shalt  }

// kernel: kernel.27.cloned.1.call-start
scs
__scs_entry_jumppad:
0x0: {  	(pc) =	sbr.rel $0x88, $3  }
0x1: {  	(tag) =	ssettag $0x0;
	lr =	simm.s32 $0x1  }
0x2: {  	[smem:$0x3F7E] =	sst lr;
	_ =	strace $0xD0000000  }
0x3: {  	_ = 	snop  }
0x4: {  	_ = 	snop  }
0x5: {  	_ = 	snop  }
0x6: {  	_ = 	snop  }
0x7: {  	_ = 	snop  }
__scs_overlays_trampoline_lowered:
0x8: {  	[smem:$0x3F8D] =	sst s0  }
0x9: {  	[smem:$0x3F8E] =	sst s1  }
0xa: {  	[smem:$0x3F8F] =	sst s2  }
0xb: {  	[smem:$0x3F90] =	sst s3  }
0xc: {  	[smem:$0x3F91] =	sst s4  }
0xd: {  	[smem:$0x3F92] =	sst s5  }
0xe: {  	[smem:$0x3F93] =	sst s6  }
0xf: {  	[smem:$0x3F94] =	sst s7  }
0x10: {  	[smem:$0x3F95] =	sst s8  }
0x11: {  	[smem:$0x3F96] =	sst s9;
	s0 =	simm.s32 @!p0 $0x0  }
0x12: {  	s1 =	sld [smem:$0x3F7C];
	s0 =	simm.s32 @p0 $0x1  }
0x13: {  	[smem:$0x3F97] =	sst s0;
	s0 =	simm.s32 @!p1 $0x0  }
0x14: {  	s2 =	sld [smem:$0x3F7B];
	s0 =	simm.s32 @p1 $0x1  }
0x15: {  	[smem:$0x3F98] =	sst s0;
	s0 =	simm.s32 @!p2 $0x0  }
0x16: {  	s3 =	sld [smem:$0x3FDB];
	s0 =	simm.s32 @p2 $0x1  }
0x17: {  	s4 =	simm.s32 $0x1BF5;
	[smem:$0x3F9A] =	sst s0  }
0x18: {  	s0 =	sld [smem:$0x3F7D];
	_ =	swait.ge [sflag:s4], $0x0  }
0x19: {  	s7 =	sld [smem:$0x3F7E]  }
0x1a: {  	s8 =	sadd.s32 $0xFFFFE003, lr  }
0x1b: {  	s9 =	sadd.s32 $0xFFFFFEF7, lr;
	s5 =	simm.s32 $0xFFFFFFFF;
	p2 =	slt.u32 s8, $0xFFFFF086  }
0x1c: {  	p1 =	slt.u32 s9, $0xF7A;
	s5 =	simm.s32 @!p2 $0x0  }
0x1d: {  	s5 =	simm.s32 @p1 $0x1;
	p0 =	seq.s32 s7, s2  }
0x1e: {  	s7 =	smul.u32 @!p0 $0xF7A, s2;
	p2 =	seq.s32 @!p0 s5, $0x0  }
0x1f: {  	s9 =	smul.u32 $0xF7A, s1;
	s8 =	simm.s32 @!p0 $0x1BF5;
	p2 =	por !p2, p0  }
0x20: {  	[sflag:s8] =	ssyncset.s32 @!p0 $0xFFFFF086;
	s6 =	sadd.s32 @!p0 s3, s7;
	s7 =	simm.s32 @!p0 $0x108  }
0x21: {  	s3 =	sadd.s32 s3, s9;
	s6 =	sadd.s32 @!p0 $0x88, s6;
	s7 =	simm.s32 @p2 $0x1082  }
0x22: {  	[simem:s7], [sflag:s8] =	dma.local @!p0 [hbm:s6], $0xF7A  }
0x23: {  	s9 =	sor.u32 $0xD0000000, s2;
	s6 =	simm.s32 $0x108;
	_ =	swait.ge @!p0 [sflag:s8], $0x0  }
0x24: {  	s3 =	sadd.s32 $0x88, s3;
	s6 =	simm.s32 @!p1 $0x1082;
	[sflag:s4] =	ssyncset.s32 $0xFFFFF086  }
0x25: {  	[simem:s6], [sflag:s4] =	dma.local [hbm:s3], $0xF7A  }
0x26: {  	[smem:$0x3F7E] =	sst s1;
	(tag) =	ssettag s2;
	_ =	strace s9  }
0x27: {  	s1 =	sld [smem:$0x3F8E]  }
0x28: {  	s2 =	sld [smem:$0x3F8F]  }
0x29: {  	s4 =	sld [smem:$0x3F91]  }
0x2a: {  	p0 =	seq.s32 s5, $0x0;
	s5 =	sld [smem:$0x3F92]  }
0x2b: {  	s6 =	sld [smem:$0x3F93]  }
0x2c: {  	s7 =	sld [smem:$0x3F94]  }
0x2d: {  	s3 =	simm.s32 $0x108;
	s8 =	sld [smem:$0x3F95]  }
0x2e: {  	s3 =	simm.s32 @!p0 $0x1082;
	s9 =	sld [smem:$0x3F96]  }
0x2f: {  	lr =	sadd.s32 s0, s3;
	s0 =	sld [smem:$0x3F8D]  }
0x30: {  	s3 =	sld [smem:$0x3F90]  }
0x31: {  	[smem:$0x3F99] =	sst s10  }
0x32: {  	s10 =	sld [smem:$0x3F97];
	_ =	sdelay $0x3  }
0x33: {  	p0 =	seq.s32 s10, $0x1;
	s10 =	sld [smem:$0x3F99];
	_ =	sdelay $0x3  }
0x34: {  	[smem:$0x3F99] =	sst s10  }
0x35: {  	s10 =	sld [smem:$0x3F98];
	_ =	sdelay $0x3  }
0x36: {  	p1 =	seq.s32 s10, $0x1;
	s10 =	sld [smem:$0x3F99];
	_ =	sdelay $0x3  }
0x37: {  	[smem:$0x3F99] =	sst s10  }
0x38: {  	s10 =	sld [smem:$0x3F9A]  }
0x39: {  	_ = 	snop;
	(pc) =	sbr.ind lr, $3  }
0x3a: {  	_ = 	snop  }
0x3b: {  	_ = 	snop  }
0x3c: {  	p2 =	seq.s32 s10, $0x1;
	s10 =	sld [smem:$0x3F99]  }
0x3d: {  	_ =	shalt  }
0x3e: {  	_ =	shalt  }
0x3f: {  	_ =	shalt  }
0x40: {  	_ =	shalt  }
0x41: {  	_ =	shalt  }
0x42: {  	_ =	shalt  }
0x43: {  	_ =	shalt  }
0x44: {  	_ =	shalt  }
0x45: {  	_ =	shalt  }
0x46: {  	_ =	shalt  }
0x47: {  	_ =	shalt  }
0x48: {  	_ =	shalt  }
0x49: {  	_ =	shalt  }
0x4a: {  	_ =	shalt  }
0x4b: {  	_ =	shalt  }
0x4c: {  	_ =	shalt  }
0x4d: {  	_ =	shalt  }
0x4e: {  	_ =	shalt  }
0x4f: {  	_ =	shalt  }
0x50: {  	_ =	shalt  }
0x51: {  	_ =	shalt  }
0x52: {  	_ =	shalt  }
0x53: {  	_ =	shalt  }
0x54: {  	_ =	shalt  }
0x55: {  	_ =	shalt  }
0x56: {  	_ =	shalt  }
0x57: {  	_ =	shalt  }
0x58: {  	_ =	shalt  }
0x59: {  	_ =	shalt  }
0x5a: {  	_ =	shalt  }
0x5b: {  	_ =	shalt  }
0x5c: {  	_ =	shalt  }
0x5d: {  	_ =	shalt  }
0x5e: {  	_ =	shalt  }
0x5f: {  	_ =	shalt  }
0x60: {  	_ =	shalt  }
0x61: {  	_ =	shalt  }
0x62: {  	_ =	shalt  }
0x63: {  	_ =	shalt  }
0x64: {  	_ =	shalt  }
0x65: {  	_ =	shalt  }
0x66: {  	_ =	shalt  }
0x67: {  	_ =	shalt  }
0x68: {  	_ =	shalt  }
0x69: {  	_ =	shalt  }
0x6a: {  	_ =	shalt  }
0x6b: {  	_ =	shalt  }
0x6c: {  	_ =	shalt  }
0x6d: {  	_ =	shalt  }
0x6e: {  	_ =	shalt  }
0x6f: {  	_ =	shalt  }
0x70: {  	_ =	shalt  }
0x71: {  	_ =	shalt  }
0x72: {  	_ =	shalt  }
0x73: {  	_ =	shalt  }
0x74: {  	_ =	shalt  }
0x75: {  	_ =	shalt  }
0x76: {  	_ =	shalt  }
0x77: {  	_ =	shalt  }
0x78: {  	_ =	shalt  }
0x79: {  	_ =	shalt  }
0x7a: {  	_ =	shalt  }
0x7b: {  	_ =	shalt  }
0x7c: {  	_ =	shalt  }
0x7d: {  	_ =	shalt  }
0x7e: {  	_ =	shalt  }
0x7f: {  	_ =	shalt  }
0x80: {  	_ =	shalt  }
0x81: {  	_ =	shalt  }
0x82: {  	_ =	shalt  }
0x83: {  	_ =	shalt  }
0x84: {  	_ =	shalt  }
0x85: {  	_ =	shalt  }
0x86: {  	_ =	shalt  }
0x87: {  	_ =	shalt  }
.Lfunc_end0:
.L_simem_size_0:
called_computation.2_lowered:
.L_overlay_start_0:
0x88: {  	s2 =	sld [smem:$0x3FD9]  }
0x89: {  	s3 =	sld [smem:$0x3FFE];
	_ =	sdelay $0x1  }
0x8a: {  	s1 =	srdreg.scid  }
0x8b: {  	s0 =	sand.u32 $0x1, s1  }
0x8c: {  	s17 =	sshll.u32 s0, $0xA;
	s2 =	sadd.s32 s3, s2  }
0x8d: {  	s2 =	sadd.s32 s2, s17  }
0x8e: {  	[smem:$0x3FA5] =	sst s2  }
0x8f: {  	_ = 	snop  }
0x90: {  	s2 =	sld [smem:$0x3FD0];
	(tm) =	ssettm $0x1  }
0x91: {  	s18 =	sld [smem:$0x3FFB];
	_ =	sdelay $0x3  }
0x92: {  	_ =	strace s18  }
0x93: {  	s3 =	sld [smem:$0x3FFC];
	_ =	sdelay $0x3  }
0x94: {  	_ =	strace s3  }
0x95: {  	s3 =	sld [smem:$0x3FFD];
	_ =	sdelay $0x3  }
0x96: {  	_ =	strace s3  }
0x97: {  	_ =	strace $0x8FFFFFFF  }
0x98: {  	s19 =	sld [smem:$0x3FDB];
	_ =	sdelay $0x1  }
0x99: {  	s4 =	simm.s32 $_scs_section_size  }
0x9a: {  	s5 =	simm.s32 $_size__tile_overlayer_lowered;
	s6 =	simm.s32 $_tile_overlayer_lowered  }
0x9b: {  	s22 =	simm.s32 $0x1BFF;
	s21 =	sshll.u32 s6, $0x1;
	s3 =	sadd.s32 s4, s19  }
0x9c: {  	s7 =	simm.s32 $0x0;
	s20 =	sshll.u32 s5, $0x1;
	s5 =	sadd.s32 s21, s3  }
0x9d: {  	[timem:s7], [sflag:s22] =	dma.local [hbm:s5], s20  }
0x9e: {  	_ =	swait.ge [sflag:s22], s20  }
0x9f: {  	s4 =	ssub.s32 $0x0, s20;
	[sflag:s22] =	ssyncset.done $0x0  }
0xa0: {  	[sflag:s22] =	ssyncadd.s32 s4;
	_ =	sdelay $0x1  }
0xa1: {  	s23 =	simm.s32 $0x1B8B  }
0xa2: {  	_ =	swait.ge [sflag:s23], $0x1  }
0xa3: {  	[sflag:s23] =	ssyncset.done $0x0  }
0xa4: {  	s25 =	simm.s32 $0x1B8E;
	s24 =	sld [smem:$0x3FFE];
	[sflag:s23] =	ssyncadd.s32 $0xFFFFFFFF  }
0xa5: {  	s26 =	simm.s32 $execute0_lowered;
	[smem:$0x3FD2] =	sst s25  }
0xa6: {  	s5 =	sshll.u32 s26, $0x1;
	_ =	strace $0x8000004C;
	[dreg:$0x1] =	wrdreg $0xFFFFFFFF  }
0xa7: {  	s28 =	simm.s32 $_size_execute0_lowered;
	s3 =	sadd.s32 s3, s5;
	[dreg:$0x0] =	wrdreg $0x0  }
0xa8: {  	s5 =	sshll.u32 s28, $0x1;
	[dreg:$0x2] =	wrdreg s3  }
0xa9: {  	[dreg:$0x3] =	wrdreg s5  }
0xaa: {  	[dreg:$0x4] =	wrdreg $0xC0  }
0xab: {  	_ =	task [dreg:s7], $0x5FFFF  }
0xac: {  	[dreg:$0x1] =	wrdreg $0xFFFFFFFF  }
0xad: {  	[dreg:$0x0] =	wrdreg $0x60  }
0xae: {  	[dreg:$0x2] =	wrdreg s2  }
0xaf: {  	[dreg:$0x3] =	wrdreg s24  }
0xb0: {  	[dreg:$0x4] =	wrdreg $0x9  }
0xb1: {  	_ =	task.clear_ibuf [dreg:s7], $0x5FFFF;
	_ =	strace $0x9000004C  }
0xb2: {  	s29 =	simm.s32 $0x9;
	_ =	strace $0x8000004E  }
0xb3: {  	_ =	swait.ge [sflag:s29], $0x1  }
0xb4: {  	[sflag:s29] =	ssyncadd.s32 $0xFFFFFFFF  }
0xb5: {  	_ =	strace $0x9000004E  }
0xb6: {  	_ =	sfence  }
0xb7: {  	s30 =	sld [smem:$0x0];
	_ =	sdelay $0x2  }
0xb8: {  	s31 =	sshll.u32 s1, $0xD;
	s1 =	sshrl.u32 s1, $0x2  }
0xb9: {  	s3 =	sand.u32 $0x4000, s31;
	s1 =	sadd.s32 s1, s30  }
0xba: {  	s0 =	sor.u32 s3, s0;
	s1 =	sshll.u32 s1, $0x11  }
0xbb: {  	s0 =	sor.u32 s1, s0  }
0xbc: {  	s0 =	sadd.s32 $0x8F2B, s0  }
0xbd: {  	[sflag:s0] =	ssyncadd.remote.s32 $0x1  }
0xbe: {  	_ =	sfence.sel $0xFFFF  }
0xbf: {  	[dreg:$0x0] =	wrdreg $0xFFFFFFFF;
	(pc) =	sbr.abs _section_cstart, $3  }
0xc0: {  	[dreg:$0x1] =	wrdreg $0xFFFFFFFF  }
0xc1: {  	_ =	task.clear_ibuf [dreg:s7], $0x2FFFF;
	_ =	strace $0x9FFFFFFF  }
0xc2: {  	(tm) =	ssettm $0x7FFFFFFF  }
0xc3: {  	_ =	shalt  }
tec
execute0_lowered:
.L_overlay_start_1:
0x0: {  	(tag) =	ssettag $0x1  }
0x1: {  	s1 =	srdreg.scid  }
0x2: {  	s0 =	stileid.u32;
	s1 =	sand.u32 $0x1, s1  }
0x3: {  	s2 =	rddreg [dreg:$0x0];
	s3 =	sshll.u32 s0, $0x5;
	s4 =	sshll.u32 s1, $0x4  }
0x4: {  	s5 =	rddreg [dreg:$0x1];
	s4 =	sor.u32 s4, s3;
	s3 =	simm.s32 $0x0  }
0x5: {  	s25 =	simm.s32 $0x880;
	[smem:$0x7FF] =	sst s3  }
0x6: {  	s26 =	simm.s32 $0x1080;
	_ =	strace $0x8000004D;
	[dreg:$0x5] =	wrdreg s25  }
0x7: {  	s0 =	simm.s32 $0x1880;
	[dreg:$0x6] =	wrdreg s26  }
0x8: {  	s7 =	simm.s32 $0x3080;
	[dreg:$0x7] =	wrdreg s0  }
0x9: {  	s8 =	simm.s32 $0x3880;
	[dreg:$0xa] =	wrdreg s7  }
0xa: {  	s9 =	simm.s32 $0x4080;
	[dreg:$0xb] =	wrdreg s8  }
0xb: {  	s10 =	simm.s32 $0x4880;
	[dreg:$0xc] =	wrdreg s9  }
0xc: {  	s11 =	simm.s32 $0x5080;
	[dreg:$0xd] =	wrdreg s10  }
0xd: {  	s12 =	simm.s32 $0x5880;
	s13 =	simm.s32 $0x6080;
	[dreg:$0xe] =	wrdreg s11  }
0xe: {  	s14 =	simm.s32 $0x6880;
	s15 =	simm.s32 $0x7080;
	[dreg:$0xf] =	wrdreg s12  }
0xf: {  	s16 =	simm.s32 $0x7880;
	s17 =	simm.s32 $0x8080;
	[dreg:$0x10] =	wrdreg s13  }
0x10: {  	s18 =	simm.s32 $0x8880;
	s19 =	simm.s32 $0x9080;
	[dreg:$0x11] =	wrdreg s14  }
0x11: {  	s21 =	simm.s32 $0x9880;
	s22 =	simm.s32 $0xA080;
	[dreg:$0x12] =	wrdreg s15  }
0x12: {  	s23 =	simm.s32 $0xA880;
	s28 =	simm.s32 $0x16080;
	[dreg:$0x13] =	wrdreg s16  }
0x13: {  	s29 =	simm.s32 $0x16880;
	s30 =	simm.s32 $0x17080;
	[dreg:$0x14] =	wrdreg s17  }
0x14: {  	s31 =	simm.s32 $0x17880;
	s1 =	ssub.s32 $0x2, s1;
	[dreg:$0x15] =	wrdreg s18  }
0x15: {  	s20 =	sshrl.u32 s1, $0x1;
	s6 =	smul.u32 $0x300, s4;
	[dreg:$0x16] =	wrdreg s19  }
0x16: {  	s4 =	sadd.s32 s4, s5;
	s1 =	ssub.s32 s1, s20;
	[dreg:$0x17] =	wrdreg s21  }
0x17: {  	s20 =	simm.s32 $0x12880;
	s4 =	sadd.s32 $0x37000, s4;
	[dreg:$0x18] =	wrdreg s22  }
0x18: {  	[dreg:$0x19] =	wrdreg s23;
	s7 =	simm.s32 $0xB080;
	s25 =	simm.s32 $0xC080  }
0x19: {  	s8 =	simm.s32 $0x80;
	s26 =	simm.s32 $0xC880;
	s10 =	simm.s32 $0xD880  }
0x1a: {  	s11 =	simm.s32 $0xE080;
	s12 =	simm.s32 $0xE880;
	s13 =	simm.s32 $0xF080  }
0x1b: {  	s14 =	simm.s32 $0xF880;
	s15 =	simm.s32 $0x10080;
	s16 =	simm.s32 $0x10880  }
0x1c: {  	s17 =	simm.s32 $0x11080;
	s18 =	simm.s32 $0x11880;
	s19 =	simm.s32 $0x12080  }
0x1d: {  	s21 =	simm.s32 $0x13080;
	s22 =	simm.s32 $0x13880;
	[dreg:$0x3] =	wrdreg s4  }
0x1e: {  	s23 =	simm.s32 $0x14080;
	s5 =	sadd.s32 s6, s5;
	[dreg:$0x1a] =	wrdreg s7  }
0x1f: {  	s6 =	simm.s32 $0x2880;
	s4 =	sadd.s32 $0x100, s2;
	[dreg:$0x1c] =	wrdreg s25  }
0x20: {  	s7 =	simm.s32 $0x2;
	[dreg:$0x1d] =	wrdreg s26;
	s25 =	simm.s32 $0x15080  }
0x21: {  	s26 =	simm.s32 $0x15880;
	s24 =	sadd.s32 $0x37200, s5;
	[dreg:$0x9] =	wrdreg s6  }
0x22: {  	v2 =	vlaneseq.u32;
	s5 =	simm.s32 $0x2080;
	s6 =	smax.u32 s1, $0x1;
	[dreg:$0x4] =	wrdreg s24  }
0x23: {  	vm0 =	vmmov $0xffff;
	v1 =	vshrl.u32 v2, $0x3;
	s1 =	simm.s32 $0x1;
	[dreg:$0x8] =	wrdreg s5;
	s24 =	simm.s32 $0xB880  }
0x24: {  	v0 =	vand.u32 $0x7, v2;
	v2 =	vor.u32 $0x8, v2;
	v1 =	vmul.u32 $0x8, v1;
	s5 =	sadd.s32 $0x200, s2;
	[dreg:$0x1b] =	wrdreg s24;
	s24 =	simm.s32 $0x14880  }
.LBB2_1:
0x25: {  	s0 =	rddreg [dreg:$0x3]  }
0x26: {  	[tilespmem:s3], [sflag:$0x2] =	stream.linear.gather [hbm4b:s0+s3], $0x80, $0x38;
	[tilespmem:$0x18080] =	vst v63  }
0x27: {  	_ =	swait.ge [sflag:s7], $0x80  }
0x28: {  	[sflag:s7] =	ssyncset.done $0x0  }
0x29: {  	[sflag:s7] =	ssyncadd.s32 $0xFFFFFF80  }
0x2a: {  	v3 =	vld [tilespmem:$0x0];
	_ =	sdelay $0x4  }
0x2b: {  	v4 =	vshrl.u32 v3, $0x3  }
0x2c: {  	v4 =	vmul.u32 $0x30, v4  }
0x2d: {  	v3 =	vand.u32 $0x7, v3  }
0x2e: {  	v3 =	vor.u32 v3, v4  }
0x2f: {  	v4 =	vperm.xlane v3, v0;
	_ =	sdelay $0x1  }
0x30: {  	v4 =	vadd.s32 v1, v4;
	_ =	sdelay $0x3  }
0x31: {  	v3 =	vperm.xlane v3, v2  }
0x32: {  	[tilespmem:s8], [sflag:$0x1] =	stream.indirect_vreg.gather [hbm4b:s2+s3], $0x80, v4, vm0, $0xb8;
	[tilespmem:$0x18080] =	vst v63  }
0x33: {  	s0 =	rddreg [dreg:$0x5];
	v3 =	vadd.s32 v1, v3  }
0x34: {  	[tilespmem:s0], [sflag:$0x1] =	stream.indirect_vreg.gather [hbm4b:s4+s3], $0x80, v4, vm0, $0xb8;
	[tilespmem:$0x18080] =	vst v63  }
0x35: {  	s9 =	rddreg [dreg:$0x6]  }
0x36: {  	[tilespmem:s9], [sflag:$0x1] =	stream.indirect_vreg.gather [hbm4b:s5+s3], $0x80, v4, vm0, $0xb8;
	[tilespmem:$0x18080] =	vst v63  }
0x37: {  	s0 =	rddreg [dreg:$0x7]  }
0x38: {  	[tilespmem:s0], [sflag:$0x1] =	stream.indirect_vreg.gather [hbm4b:s2+s3], $0x80, v3, vm0, $0xb8;
	[tilespmem:$0x18080] =	vst v63  }
0x39: {  	s9 =	rddreg [dreg:$0x8]  }
0x3a: {  	[tilespmem:s9], [sflag:$0x1] =	stream.indirect_vreg.gather [hbm4b:s4+s3], $0x80, v3, vm0, $0xb8;
	[tilespmem:$0x18080] =	vst v63  }
0x3b: {  	s0 =	rddreg [dreg:$0x9]  }
0x3c: {  	[tilespmem:s0], [sflag:$0x1] =	stream.indirect_vreg.gather [hbm4b:s5+s3], $0x80, v3, vm0, $0xb8;
	[tilespmem:$0x18080] =	vst v63  }
0x3d: {  	v3 =	vld [tilespmem:$0x10];
	_ =	sdelay $0x4  }
0x3e: {  	v57 =	vshrl.u32 v3, $0x3  }
0x3f: {  	v4 =	vmul.u32 $0x30, v57  }
0x40: {  	v3 =	vand.u32 $0x7, v3  }
0x41: {  	v3 =	vor.u32 v3, v4  }
0x42: {  	v4 =	vperm.xlane v3, v0;
	_ =	sdelay $0x1  }
0x43: {  	v4 =	vadd.s32 v1, v4;
	_ =	sdelay $0x3  }
0x44: {  	s0 =	rddreg [dreg:$0xa];
	v3 =	vperm.xlane v3, v2  }
0x45: {  	[tilespmem:s0], [sflag:$0x1] =	stream.indirect_vreg.gather [hbm4b:s2+s3], $0x80, v4, vm0, $0xb8;
	[tilespmem:$0x18080] =	vst v63  }
0x46: {  	s9 =	rddreg [dreg:$0xb];
	v3 =	vadd.s32 v1, v3  }
0x47: {  	[tilespmem:s9], [sflag:$0x1] =	stream.indirect_vreg.gather [hbm4b:s4+s3], $0x80, v4, vm0, $0xb8;
	[tilespmem:$0x18080] =	vst v63  }
0x48: {  	s0 =	rddreg [dreg:$0xc]  }
0x49: {  	[tilespmem:s0], [sflag:$0x1] =	stream.indirect_vreg.gather [hbm4b:s5+s3], $0x80, v4, vm0, $0xb8;
	[tilespmem:$0x18080] =	vst v63  }
0x4a: {  	s9 =	rddreg [dreg:$0xd]  }
0x4b: {  	[tilespmem:s9], [sflag:$0x1] =	stream.indirect_vreg.gather [hbm4b:s2+s3], $0x80, v3, vm0, $0xb8;
	[tilespmem:$0x18080] =	vst v63  }
0x4c: {  	s0 =	rddreg [dreg:$0xe]  }
0x4d: {  	[tilespmem:s0], [sflag:$0x1] =	stream.indirect_vreg.gather [hbm4b:s4+s3], $0x80, v3, vm0, $0xb8;
	[tilespmem:$0x18080] =	vst v63  }
0x4e: {  	s9 =	rddreg [dreg:$0xf]  }
0x4f: {  	[tilespmem:s9], [sflag:$0x1] =	stream.indirect_vreg.gather [hbm4b:s5+s3], $0x80, v3, vm0, $0xb8;
	[tilespmem:$0x18080] =	vst v63  }
0x50: {  	v3 =	vld [tilespmem:$0x20];
	_ =	sdelay $0x4  }
0x51: {  	v58 =	vshrl.u32 v3, $0x3  }
0x52: {  	v4 =	vmul.u32 $0x30, v58  }
0x53: {  	v3 =	vand.u32 $0x7, v3  }
0x54: {  	v3 =	vor.u32 v3, v4  }
0x55: {  	v4 =	vperm.xlane v3, v0;
	_ =	sdelay $0x1  }
0x56: {  	v4 =	vadd.s32 v1, v4;
	_ =	sdelay $0x3  }
0x57: {  	s0 =	rddreg [dreg:$0x10];
	v3 =	vperm.xlane v3, v2  }
0x58: {  	[tilespmem:s0], [sflag:$0x1] =	stream.indirect_vreg.gather [hbm4b:s2+s3], $0x80, v4, vm0, $0xb8;
	[tilespmem:$0x18080] =	vst v63  }
0x59: {  	s9 =	rddreg [dreg:$0x11];
	v3 =	vadd.s32 v1, v3  }
0x5a: {  	[tilespmem:s9], [sflag:$0x1] =	stream.indirect_vreg.gather [hbm4b:s4+s3], $0x80, v4, vm0, $0xb8;
	[tilespmem:$0x18080] =	vst v63  }
0x5b: {  	s0 =	rddreg [dreg:$0x12]  }
0x5c: {  	[tilespmem:s0], [sflag:$0x1] =	stream.indirect_vreg.gather [hbm4b:s5+s3], $0x80, v4, vm0, $0xb8;
	[tilespmem:$0x18080] =	vst v63  }
0x5d: {  	s9 =	rddreg [dreg:$0x13]  }
0x5e: {  	[tilespmem:s9], [sflag:$0x1] =	stream.indirect_vreg.gather [hbm4b:s2+s3], $0x80, v3, vm0, $0xb8;
	[tilespmem:$0x18080] =	vst v63  }
0x5f: {  	s0 =	rddreg [dreg:$0x14]  }
0x60: {  	[tilespmem:s0], [sflag:$0x1] =	stream.indirect_vreg.gather [hbm4b:s4+s3], $0x80, v3, vm0, $0xb8;
	[tilespmem:$0x18080] =	vst v63  }
0x61: {  	s9 =	rddreg [dreg:$0x15]  }
0x62: {  	[tilespmem:s9], [sflag:$0x1] =	stream.indirect_vreg.gather [hbm4b:s5+s3], $0x80, v3, vm0, $0xb8;
	[tilespmem:$0x18080] =	vst v63  }
0x63: {  	v3 =	vld [tilespmem:$0x30];
	_ =	sdelay $0x4  }
0x64: {  	v59 =	vshrl.u32 v3, $0x3  }
0x65: {  	v4 =	vmul.u32 $0x30, v59  }
0x66: {  	v3 =	vand.u32 $0x7, v3  }
0x67: {  	v3 =	vor.u32 v3, v4  }
0x68: {  	v4 =	vperm.xlane v3, v0;
	_ =	sdelay $0x1  }
0x69: {  	v4 =	vadd.s32 v1, v4;
	_ =	sdelay $0x3  }
0x6a: {  	s0 =	rddreg [dreg:$0x16];
	v3 =	vperm.xlane v3, v2  }
0x6b: {  	[tilespmem:s0], [sflag:$0x1] =	stream.indirect_vreg.gather [hbm4b:s2+s3], $0x80, v4, vm0, $0xb8;
	[tilespmem:$0x18080] =	vst v63  }
0x6c: {  	s9 =	rddreg [dreg:$0x17];
	v3 =	vadd.s32 v1, v3  }
0x6d: {  	[tilespmem:s9], [sflag:$0x1] =	stream.indirect_vreg.gather [hbm4b:s4+s3], $0x80, v4, vm0, $0xb8;
	[tilespmem:$0x18080] =	vst v63  }
0x6e: {  	s0 =	rddreg [dreg:$0x18]  }
0x6f: {  	[tilespmem:s0], [sflag:$0x1] =	stream.indirect_vreg.gather [hbm4b:s5+s3], $0x80, v4, vm0, $0xb8;
	[tilespmem:$0x18080] =	vst v63  }
0x70: {  	s9 =	rddreg [dreg:$0x19]  }
0x71: {  	[tilespmem:s9], [sflag:$0x1] =	stream.indirect_vreg.gather [hbm4b:s2+s3], $0x80, v3, vm0, $0xb8;
	[tilespmem:$0x18080] =	vst v63  }
0x72: {  	s0 =	rddreg [dreg:$0x1a]  }
0x73: {  	[tilespmem:s0], [sflag:$0x1] =	stream.indirect_vreg.gather [hbm4b:s4+s3], $0x80, v3, vm0, $0xb8;
	[tilespmem:$0x18080] =	vst v63  }
0x74: {  	s9 =	rddreg [dreg:$0x1b]  }
0x75: {  	[tilespmem:s9], [sflag:$0x1] =	stream.indirect_vreg.gather [hbm4b:s5+s3], $0x80, v3, vm0, $0xb8;
	[tilespmem:$0x18080] =	vst v63  }
0x76: {  	v3 =	vld [tilespmem:$0x40];
	_ =	sdelay $0x4  }
0x77: {  	v60 =	vshrl.u32 v3, $0x3  }
0x78: {  	v4 =	vmul.u32 $0x30, v60  }
0x79: {  	v3 =	vand.u32 $0x7, v3  }
0x7a: {  	v3 =	vor.u32 v3, v4  }
0x7b: {  	v4 =	vperm.xlane v3, v0;
	_ =	sdelay $0x1  }
0x7c: {  	v4 =	vadd.s32 v1, v4;
	_ =	sdelay $0x3  }
0x7d: {  	s0 =	rddreg [dreg:$0x1c];
	v3 =	vperm.xlane v3, v2  }
0x7e: {  	[tilespmem:s0], [sflag:$0x1] =	stream.indirect_vreg.gather [hbm4b:s2+s3], $0x80, v4, vm0, $0xb8;
	[tilespmem:$0x18080] =	vst v63  }
0x7f: {  	s9 =	rddreg [dreg:$0x1d];
	v3 =	vadd.s32 v1, v3  }
0x80: {  	[tilespmem:s9], [sflag:$0x1] =	stream.indirect_vreg.gather [hbm4b:s4+s3], $0x80, v4, vm0, $0xb8;
	[tilespmem:$0x18080] =	vst v63  }
0x81: {  	s9 =	simm.s32 $0xD080  }
0x82: {  	[tilespmem:s9], [sflag:$0x1] =	stream.indirect_vreg.gather [hbm4b:s5+s3], $0x80, v4, vm0, $0xb8;
	[tilespmem:$0x18080] =	vst v63  }
0x83: {  	_ = 	snop  }
0x84: {  	[tilespmem:s10], [sflag:$0x1] =	stream.indirect_vreg.gather [hbm4b:s2+s3], $0x80, v3, vm0, $0xb8;
	[tilespmem:$0x18080] =	vst v63  }
0x85: {  	_ = 	snop  }
0x86: {  	[tilespmem:s11], [sflag:$0x1] =	stream.indirect_vreg.gather [hbm4b:s4+s3], $0x80, v3, vm0, $0xb8;
	[tilespmem:$0x18080] =	vst v63  }
0x87: {  	_ = 	snop  }
0x88: {  	[tilespmem:s12], [sflag:$0x1] =	stream.indirect_vreg.gather [hbm4b:s5+s3], $0x80, v3, vm0, $0xb8;
	[tilespmem:$0x18080] =	vst v63  }
0x89: {  	v3 =	vld [tilespmem:$0x50];
	_ =	sdelay $0x4  }
0x8a: {  	v61 =	vshrl.u32 v3, $0x3  }
0x8b: {  	v4 =	vmul.u32 $0x30, v61  }
0x8c: {  	v3 =	vand.u32 $0x7, v3  }
0x8d: {  	v3 =	vor.u32 v3, v4  }
0x8e: {  	v4 =	vperm.xlane v3, v0;
	_ =	sdelay $0x1  }
0x8f: {  	v4 =	vadd.s32 v1, v4;
	_ =	sdelay $0x3  }
0x90: {  	v3 =	vperm.xlane v3, v2  }
0x91: {  	[tilespmem:s13], [sflag:$0x1] =	stream.indirect_vreg.gather [hbm4b:s2+s3], $0x80, v4, vm0, $0xb8;
	[tilespmem:$0x18080] =	vst v63  }
0x92: {  	v3 =	vadd.s32 v1, v3  }
0x93: {  	[tilespmem:s14], [sflag:$0x1] =	stream.indirect_vreg.gather [hbm4b:s4+s3], $0x80, v4, vm0, $0xb8;
	[tilespmem:$0x18080] =	vst v63  }
0x94: {  	_ = 	snop  }
0x95: {  	[tilespmem:s15], [sflag:$0x1] =	stream.indirect_vreg.gather [hbm4b:s5+s3], $0x80, v4, vm0, $0xb8;
	[tilespmem:$0x18080] =	vst v63  }
0x96: {  	_ = 	snop  }
0x97: {  	[tilespmem:s16], [sflag:$0x1] =	stream.indirect_vreg.gather [hbm4b:s2+s3], $0x80, v3, vm0, $0xb8;
	[tilespmem:$0x18080] =	vst v63  }
0x98: {  	_ = 	snop  }
0x99: {  	[tilespmem:s17], [sflag:$0x1] =	stream.indirect_vreg.gather [hbm4b:s4+s3], $0x80, v3, vm0, $0xb8;
	[tilespmem:$0x18080] =	vst v63  }
0x9a: {  	_ = 	snop  }
0x9b: {  	[tilespmem:s18], [sflag:$0x1] =	stream.indirect_vreg.gather [hbm4b:s5+s3], $0x80, v3, vm0, $0xb8;
	[tilespmem:$0x18080] =	vst v63  }
0x9c: {  	v3 =	vld [tilespmem:$0x60];
	_ =	sdelay $0x4  }
0x9d: {  	v62 =	vshrl.u32 v3, $0x3  }
0x9e: {  	v4 =	vmul.u32 $0x30, v62  }
0x9f: {  	v3 =	vand.u32 $0x7, v3  }
0xa0: {  	v3 =	vor.u32 v3, v4  }
0xa1: {  	v4 =	vperm.xlane v3, v0;
	_ =	sdelay $0x1  }
0xa2: {  	v4 =	vadd.s32 v1, v4;
	_ =	sdelay $0x3  }
0xa3: {  	v3 =	vperm.xlane v3, v2  }
0xa4: {  	[tilespmem:s19], [sflag:$0x1] =	stream.indirect_vreg.gather [hbm4b:s2+s3], $0x80, v4, vm0, $0xb8;
	[tilespmem:$0x18080] =	vst v63  }
0xa5: {  	v3 =	vadd.s32 v1, v3  }
0xa6: {  	[tilespmem:s20], [sflag:$0x1] =	stream.indirect_vreg.gather [hbm4b:s4+s3], $0x80, v4, vm0, $0xb8;
	[tilespmem:$0x18080] =	vst v63  }
0xa7: {  	_ = 	snop  }
0xa8: {  	[tilespmem:s21], [sflag:$0x1] =	stream.indirect_vreg.gather [hbm4b:s5+s3], $0x80, v4, vm0, $0xb8;
	[tilespmem:$0x18080] =	vst v63  }
0xa9: {  	_ = 	snop  }
0xaa: {  	[tilespmem:s22], [sflag:$0x1] =	stream.indirect_vreg.gather [hbm4b:s2+s3], $0x80, v3, vm0, $0xb8;
	[tilespmem:$0x18080] =	vst v63  }
0xab: {  	_ = 	snop  }
0xac: {  	[tilespmem:s23], [sflag:$0x1] =	stream.indirect_vreg.gather [hbm4b:s4+s3], $0x80, v3, vm0, $0xb8;
	[tilespmem:$0x18080] =	vst v63  }
0xad: {  	_ = 	snop  }
0xae: {  	[tilespmem:s24], [sflag:$0x1] =	stream.indirect_vreg.gather [hbm4b:s5+s3], $0x80, v3, vm0, $0xb8;
	[tilespmem:$0x18080] =	vst v63  }
0xaf: {  	v3 =	vld [tilespmem:$0x70];
	_ =	sdelay $0x4  }
0xb0: {  	v63 =	vshrl.u32 v3, $0x3  }
0xb1: {  	v4 =	vmul.u32 $0x30, v63  }
0xb2: {  	v3 =	vand.u32 $0x7, v3  }
0xb3: {  	v3 =	vor.u32 v3, v4  }
0xb4: {  	v4 =	vperm.xlane v3, v0;
	_ =	sdelay $0x1  }
0xb5: {  	v4 =	vadd.s32 v1, v4;
	_ =	sdelay $0x3  }
0xb6: {  	v3 =	vperm.xlane v3, v2  }
0xb7: {  	[tilespmem:s25], [sflag:$0x1] =	stream.indirect_vreg.gather [hbm4b:s2+s3], $0x80, v4, vm0, $0xb8;
	[tilespmem:$0x18080] =	vst v63  }
0xb8: {  	v3 =	vadd.s32 v1, v3  }
0xb9: {  	[tilespmem:s26], [sflag:$0x1] =	stream.indirect_vreg.gather [hbm4b:s4+s3], $0x80, v4, vm0, $0xb8;
	[tilespmem:$0x18080] =	vst v63  }
0xba: {  	_ = 	snop  }
0xbb: {  	[tilespmem:s28], [sflag:$0x1] =	stream.indirect_vreg.gather [hbm4b:s5+s3], $0x80, v4, vm0, $0xb8;
	[tilespmem:$0x18080] =	vst v63  }
0xbc: {  	_ = 	snop  }
0xbd: {  	[tilespmem:s29], [sflag:$0x1] =	stream.indirect_vreg.gather [hbm4b:s2+s3], $0x80, v3, vm0, $0xb8;
	[tilespmem:$0x18080] =	vst v63  }
0xbe: {  	_ = 	snop  }
0xbf: {  	[tilespmem:s30], [sflag:$0x1] =	stream.indirect_vreg.gather [hbm4b:s4+s3], $0x80, v3, vm0, $0xb8;
	[tilespmem:$0x18080] =	vst v63  }
0xc0: {  	_ = 	snop  }
0xc1: {  	[tilespmem:s31], [sflag:$0x1] =	stream.indirect_vreg.gather [hbm4b:s5+s3], $0x80, v3, vm0, $0xb8;
	[tilespmem:$0x18080] =	vst v63  }
0xc2: {  	_ =	swait.ge [sflag:s1], $0x18000  }
0xc3: {  	p0 =	sne.s32 s6, $0x1;
	[sflag:s1] =	ssyncset.done $0x0  }
.Ltmp0:
0xc4: {  	s9 =	rddreg [dreg:$0x4];
	[sflag:s1] =	ssyncadd.s32 $0xFFFE8000;
	(pc) =	sbr.rel @p0 .LBB2_1-.Ltmp0, $4  }
0xc5: {  	[hbm4b:s9+s3] =	stream.linear.scatter [tilespmem:s8], [sflag:$0x2], $0x18000, $0x38;
	[tilespmem:$0x18080] =	vst v63  }
0xc6: {  	_ =	swait.ge [sflag:s7], $0x18000  }
0xc7: {  	[sflag:s7] =	ssyncset.done $0x0  }
0xc8: {  	s6 =	sadd.s32 $0xFFFFFFFF, s6;
	[sflag:s7] =	ssyncadd.s32 $0xFFFE8000  }
0xc9: {  	_ =	sfence.sel $0x180000  }
0xca: {  	[bflag:$0x0] =	sbarrier.arrive $0xFFFF  }
0xcb: {  	_ =	strace $0x9000004D  }
0xcc: {  	s0 =	stileid.u32;
	[bflag:$0x2] =	sbarrier.arrive $0xFFFF  }
0xcd: {  	p0 =	sne.s32 s0, $0x0;
	s0 =	rddreg [dreg:$0x2]  }
0xce: {  	s0 =	sadd.s32 @!p0 $0x100000, s0  }
0xcf: {  	[sflag:s0] =	ssyncadd.tile.s32 @!p0 $0x1;
	_ =	shalt  }
.Lfunc_end2:
_tile_overlayer_lowered:
.L_overlay_start_2:
0xd0: {  	(tag) =	ssettag $0x2  }
0xd1: {  	s0 =	rddreg [dreg:$0x0];
	s2 =	stileid.u32  }
0xd2: {  	s1 =	rddreg [dreg:$0x1];
	p0 =	sne.s32 s2, $0x0  }
0xd3: {  	s3 =	rddreg [dreg:$0x2];
	[bflag:$0x3] =	sbarrier.arrive $0xFFFF;
	s2 =	simm.s32 @!p0 $0x1C02  }
0xd4: {  	[timem:s3], [sflag:s2] =	dma.local @!p0 [hbm:s0], s1  }
0xd5: {  	s0 =	simm.s32 @!p0 $0x2  }
0xd6: {  	_ =	swait.ge @!p0 [sflag:s0], s1  }
0xd7: {  	s1 =	ssub.s32 @!p0 $0x0, s1;
	[sflag:s0] =	ssyncset.done @!p0 $0x0  }
0xd8: {  	[sflag:s0] =	ssyncadd.s32 @!p0 s1  }
0xd9: {  	[bflag:$0x3] =	sbarrier.arrive $0xFFFF  }
0xda: {  	_ =	shalt  }

// kernel: kernel.30.cloned.1.call-start
scs
__scs_entry_jumppad:
0x0: {  	(pc) =	sbr.rel $0x88, $3  }
0x1: {  	(tag) =	ssettag $0x0;
	lr =	simm.s32 $0x1  }
0x2: {  	[smem:$0x3F7E] =	sst lr;
	_ =	strace $0xD0000000  }
0x3: {  	_ = 	snop  }
0x4: {  	_ = 	snop  }
0x5: {  	_ = 	snop  }
0x6: {  	_ = 	snop  }
0x7: {  	_ = 	snop  }
__scs_overlays_trampoline_lowered:
0x8: {  	[smem:$0x3F8D] =	sst s0  }
0x9: {  	[smem:$0x3F8E] =	sst s1  }
0xa: {  	[smem:$0x3F8F] =	sst s2  }
0xb: {  	[smem:$0x3F90] =	sst s3  }
0xc: {  	[smem:$0x3F91] =	sst s4  }
0xd: {  	[smem:$0x3F92] =	sst s5  }
0xe: {  	[smem:$0x3F93] =	sst s6  }
0xf: {  	[smem:$0x3F94] =	sst s7  }
0x10: {  	[smem:$0x3F95] =	sst s8  }
0x11: {  	[smem:$0x3F96] =	sst s9;
	s0 =	simm.s32 @!p0 $0x0  }
0x12: {  	s1 =	sld [smem:$0x3F7C];
	s0 =	simm.s32 @p0 $0x1  }
0x13: {  	[smem:$0x3F97] =	sst s0;
	s0 =	simm.s32 @!p1 $0x0  }
0x14: {  	s2 =	sld [smem:$0x3F7B];
	s0 =	simm.s32 @p1 $0x1  }
0x15: {  	[smem:$0x3F98] =	sst s0;
	s0 =	simm.s32 @!p2 $0x0  }
0x16: {  	s3 =	sld [smem:$0x3FDB];
	s0 =	simm.s32 @p2 $0x1  }
0x17: {  	s4 =	simm.s32 $0x1BF5;
	[smem:$0x3F9A] =	sst s0  }
0x18: {  	s0 =	sld [smem:$0x3F7D];
	_ =	swait.ge [sflag:s4], $0x0  }
0x19: {  	s7 =	sld [smem:$0x3F7E]  }
0x1a: {  	s8 =	sadd.s32 $0xFFFFE003, lr  }
0x1b: {  	s9 =	sadd.s32 $0xFFFFFEF7, lr;
	s5 =	simm.s32 $0xFFFFFFFF;
	p2 =	slt.u32 s8, $0xFFFFF086  }
0x1c: {  	p1 =	slt.u32 s9, $0xF7A;
	s5 =	simm.s32 @!p2 $0x0  }
0x1d: {  	s5 =	simm.s32 @p1 $0x1;
	p0 =	seq.s32 s7, s2  }
0x1e: {  	s7 =	smul.u32 @!p0 $0xF7A, s2;
	p2 =	seq.s32 @!p0 s5, $0x0  }
0x1f: {  	s9 =	smul.u32 $0xF7A, s1;
	s8 =	simm.s32 @!p0 $0x1BF5;
	p2 =	por !p2, p0  }
0x20: {  	[sflag:s8] =	ssyncset.s32 @!p0 $0xFFFFF086;
	s6 =	sadd.s32 @!p0 s3, s7;
	s7 =	simm.s32 @!p0 $0x108  }
0x21: {  	s3 =	sadd.s32 s3, s9;
	s6 =	sadd.s32 @!p0 $0x88, s6;
	s7 =	simm.s32 @p2 $0x1082  }
0x22: {  	[simem:s7], [sflag:s8] =	dma.local @!p0 [hbm:s6], $0xF7A  }
0x23: {  	s9 =	sor.u32 $0xD0000000, s2;
	s6 =	simm.s32 $0x108;
	_ =	swait.ge @!p0 [sflag:s8], $0x0  }
0x24: {  	s3 =	sadd.s32 $0x88, s3;
	s6 =	simm.s32 @!p1 $0x1082;
	[sflag:s4] =	ssyncset.s32 $0xFFFFF086  }
0x25: {  	[simem:s6], [sflag:s4] =	dma.local [hbm:s3], $0xF7A  }
0x26: {  	[smem:$0x3F7E] =	sst s1;
	(tag) =	ssettag s2;
	_ =	strace s9  }
0x27: {  	s1 =	sld [smem:$0x3F8E]  }
0x28: {  	s2 =	sld [smem:$0x3F8F]  }
0x29: {  	s4 =	sld [smem:$0x3F91]  }
0x2a: {  	p0 =	seq.s32 s5, $0x0;
	s5 =	sld [smem:$0x3F92]  }
0x2b: {  	s6 =	sld [smem:$0x3F93]  }
0x2c: {  	s7 =	sld [smem:$0x3F94]  }
0x2d: {  	s3 =	simm.s32 $0x108;
	s8 =	sld [smem:$0x3F95]  }
0x2e: {  	s3 =	simm.s32 @!p0 $0x1082;
	s9 =	sld [smem:$0x3F96]  }
0x2f: {  	lr =	sadd.s32 s0, s3;
	s0 =	sld [smem:$0x3F8D]  }
0x30: {  	s3 =	sld [smem:$0x3F90]  }
0x31: {  	[smem:$0x3F99] =	sst s10  }
0x32: {  	s10 =	sld [smem:$0x3F97];
	_ =	sdelay $0x3  }
0x33: {  	p0 =	seq.s32 s10, $0x1;
	s10 =	sld [smem:$0x3F99];
	_ =	sdelay $0x3  }
0x34: {  	[smem:$0x3F99] =	sst s10  }
0x35: {  	s10 =	sld [smem:$0x3F98];
	_ =	sdelay $0x3  }
0x36: {  	p1 =	seq.s32 s10, $0x1;
	s10 =	sld [smem:$0x3F99];
	_ =	sdelay $0x3  }
0x37: {  	[smem:$0x3F99] =	sst s10  }
0x38: {  	s10 =	sld [smem:$0x3F9A]  }
0x39: {  	_ = 	snop;
	(pc) =	sbr.ind lr, $3  }
0x3a: {  	_ = 	snop  }
0x3b: {  	_ = 	snop  }
0x3c: {  	p2 =	seq.s32 s10, $0x1;
	s10 =	sld [smem:$0x3F99]  }
0x3d: {  	_ =	shalt  }
0x3e: {  	_ =	shalt  }
0x3f: {  	_ =	shalt  }
0x40: {  	_ =	shalt  }
0x41: {  	_ =	shalt  }
0x42: {  	_ =	shalt  }
0x43: {  	_ =	shalt  }
0x44: {  	_ =	shalt  }
0x45: {  	_ =	shalt  }
0x46: {  	_ =	shalt  }
0x47: {  	_ =	shalt  }
0x48: {  	_ =	shalt  }
0x49: {  	_ =	shalt  }
0x4a: {  	_ =	shalt  }
0x4b: {  	_ =	shalt  }
0x4c: {  	_ =	shalt  }
0x4d: {  	_ =	shalt  }
0x4e: {  	_ =	shalt  }
0x4f: {  	_ =	shalt  }
0x50: {  	_ =	shalt  }
0x51: {  	_ =	shalt  }
0x52: {  	_ =	shalt  }
0x53: {  	_ =	shalt  }
0x54: {  	_ =	shalt  }
0x55: {  	_ =	shalt  }
0x56: {  	_ =	shalt  }
0x57: {  	_ =	shalt  }
0x58: {  	_ =	shalt  }
0x59: {  	_ =	shalt  }
0x5a: {  	_ =	shalt  }
0x5b: {  	_ =	shalt  }
0x5c: {  	_ =	shalt  }
0x5d: {  	_ =	shalt  }
0x5e: {  	_ =	shalt  }
0x5f: {  	_ =	shalt  }
0x60: {  	_ =	shalt  }
0x61: {  	_ =	shalt  }
0x62: {  	_ =	shalt  }
0x63: {  	_ =	shalt  }
0x64: {  	_ =	shalt  }
0x65: {  	_ =	shalt  }
0x66: {  	_ =	shalt  }
0x67: {  	_ =	shalt  }
0x68: {  	_ =	shalt  }
0x69: {  	_ =	shalt  }
0x6a: {  	_ =	shalt  }
0x6b: {  	_ =	shalt  }
0x6c: {  	_ =	shalt  }
0x6d: {  	_ =	shalt  }
0x6e: {  	_ =	shalt  }
0x6f: {  	_ =	shalt  }
0x70: {  	_ =	shalt  }
0x71: {  	_ =	shalt  }
0x72: {  	_ =	shalt  }
0x73: {  	_ =	shalt  }
0x74: {  	_ =	shalt  }
0x75: {  	_ =	shalt  }
0x76: {  	_ =	shalt  }
0x77: {  	_ =	shalt  }
0x78: {  	_ =	shalt  }
0x79: {  	_ =	shalt  }
0x7a: {  	_ =	shalt  }
0x7b: {  	_ =	shalt  }
0x7c: {  	_ =	shalt  }
0x7d: {  	_ =	shalt  }
0x7e: {  	_ =	shalt  }
0x7f: {  	_ =	shalt  }
0x80: {  	_ =	shalt  }
0x81: {  	_ =	shalt  }
0x82: {  	_ =	shalt  }
0x83: {  	_ =	shalt  }
0x84: {  	_ =	shalt  }
0x85: {  	_ =	shalt  }
0x86: {  	_ =	shalt  }
0x87: {  	_ =	shalt  }
.Lfunc_end0:
.L_simem_size_0:
called_computation.3_lowered:
.L_overlay_start_0:
0x88: {  	s2 =	sld [smem:$0x3FD9]  }
0x89: {  	s3 =	sld [smem:$0x3FFE];
	_ =	sdelay $0x1  }
0x8a: {  	s1 =	srdreg.scid  }
0x8b: {  	s0 =	sand.u32 $0x1, s1  }
0x8c: {  	s17 =	sshll.u32 s0, $0xA;
	s2 =	sadd.s32 s3, s2  }
0x8d: {  	s2 =	sadd.s32 s2, s17  }
0x8e: {  	[smem:$0x3FA5] =	sst s2  }
0x8f: {  	_ = 	snop  }
0x90: {  	s2 =	sld [smem:$0x3FD0];
	(tm) =	ssettm $0x1  }
0x91: {  	s18 =	sld [smem:$0x3FFB];
	_ =	sdelay $0x3  }
0x92: {  	_ =	strace s18  }
0x93: {  	s3 =	sld [smem:$0x3FFC];
	_ =	sdelay $0x3  }
0x94: {  	_ =	strace s3  }
0x95: {  	s3 =	sld [smem:$0x3FFD];
	_ =	sdelay $0x3  }
0x96: {  	_ =	strace s3  }
0x97: {  	_ =	strace $0x8FFFFFFF  }
0x98: {  	s19 =	sld [smem:$0x3FDB];
	_ =	sdelay $0x1  }
0x99: {  	s4 =	simm.s32 $_scs_section_size  }
0x9a: {  	s5 =	simm.s32 $_size__tile_overlayer_lowered;
	s6 =	simm.s32 $_tile_overlayer_lowered  }
0x9b: {  	s22 =	simm.s32 $0x1BFF;
	s21 =	sshll.u32 s6, $0x1;
	s3 =	sadd.s32 s4, s19  }
0x9c: {  	s7 =	simm.s32 $0x0;
	s20 =	sshll.u32 s5, $0x1;
	s5 =	sadd.s32 s21, s3  }
0x9d: {  	[timem:s7], [sflag:s22] =	dma.local [hbm:s5], s20  }
0x9e: {  	_ =	swait.ge [sflag:s22], s20  }
0x9f: {  	s4 =	ssub.s32 $0x0, s20;
	[sflag:s22] =	ssyncset.done $0x0  }
0xa0: {  	[sflag:s22] =	ssyncadd.s32 s4;
	_ =	sdelay $0x1  }
0xa1: {  	s23 =	simm.s32 $0x1B8B  }
0xa2: {  	_ =	swait.ge [sflag:s23], $0x1  }
0xa3: {  	[sflag:s23] =	ssyncset.done $0x0  }
0xa4: {  	s25 =	simm.s32 $0x1B8E;
	s24 =	sld [smem:$0x3FFE];
	[sflag:s23] =	ssyncadd.s32 $0xFFFFFFFF  }
0xa5: {  	s26 =	simm.s32 $execute0_lowered;
	[smem:$0x3FD2] =	sst s25  }
0xa6: {  	s5 =	sshll.u32 s26, $0x1;
	_ =	strace $0x8000004F;
	[dreg:$0x1] =	wrdreg $0xFFFFFFFF  }
0xa7: {  	s28 =	simm.s32 $_size_execute0_lowered;
	s3 =	sadd.s32 s3, s5;
	[dreg:$0x0] =	wrdreg $0x0  }
0xa8: {  	s5 =	sshll.u32 s28, $0x1;
	[dreg:$0x2] =	wrdreg s3  }
0xa9: {  	[dreg:$0x3] =	wrdreg s5  }
0xaa: {  	[dreg:$0x4] =	wrdreg $0xC0  }
0xab: {  	_ =	task [dreg:s7], $0x5FFFF  }
0xac: {  	[dreg:$0x1] =	wrdreg $0xFFFFFFFF  }
0xad: {  	[dreg:$0x0] =	wrdreg $0x60  }
0xae: {  	[dreg:$0x2] =	wrdreg s24  }
0xaf: {  	[dreg:$0x3] =	wrdreg s2  }
0xb0: {  	[dreg:$0x4] =	wrdreg $0x9  }
0xb1: {  	_ =	task.clear_ibuf [dreg:s7], $0x5FFFF;
	_ =	strace $0x9000004F  }
0xb2: {  	s29 =	simm.s32 $0x9;
	_ =	strace $0x80000051  }
0xb3: {  	_ =	swait.ge [sflag:s29], $0x1  }
0xb4: {  	[sflag:s29] =	ssyncadd.s32 $0xFFFFFFFF  }
0xb5: {  	_ =	strace $0x90000051  }
0xb6: {  	_ =	sfence  }
0xb7: {  	s30 =	sld [smem:$0x0];
	_ =	sdelay $0x2  }
0xb8: {  	s31 =	sshll.u32 s1, $0xD;
	s1 =	sshrl.u32 s1, $0x2  }
0xb9: {  	s3 =	sand.u32 $0x4000, s31;
	s1 =	sadd.s32 s1, s30  }
0xba: {  	s0 =	sor.u32 s3, s0;
	s1 =	sshll.u32 s1, $0x11  }
0xbb: {  	s0 =	sor.u32 s1, s0  }
0xbc: {  	s0 =	sadd.s32 $0x8F2B, s0  }
0xbd: {  	[sflag:s0] =	ssyncadd.remote.s32 $0x1  }
0xbe: {  	_ =	sfence.sel $0xFFFF  }
0xbf: {  	[dreg:$0x0] =	wrdreg $0xFFFFFFFF;
	(pc) =	sbr.abs _section_cstart, $3  }
0xc0: {  	[dreg:$0x1] =	wrdreg $0xFFFFFFFF  }
0xc1: {  	_ =	task.clear_ibuf [dreg:s7], $0x2FFFF;
	_ =	strace $0x9FFFFFFF  }
0xc2: {  	(tm) =	ssettm $0x7FFFFFFF  }
0xc3: {  	_ =	shalt  }
tec
execute0_lowered:
.L_overlay_start_1:
0x0: {  	(tag) =	ssettag $0x1  }
0x1: {  	s1 =	srdreg.scid  }
0x2: {  	s0 =	stileid.u32;
	s1 =	sand.u32 $0x1, s1  }
0x3: {  	s4 =	rddreg [dreg:$0x0];
	s2 =	sshll.u32 s0, $0x5;
	s3 =	sshll.u32 s1, $0x4  }
0x4: {  	s5 =	sor.u32 s3, s2;
	s2 =	rddreg [dreg:$0x1];
	s3 =	simm.s32 $0x0  }
0x5: {  	s25 =	simm.s32 $0x880;
	[smem:$0x7FF] =	sst s3  }
0x6: {  	s26 =	simm.s32 $0x1080;
	_ =	strace $0x80000050;
	[dreg:$0x5] =	wrdreg s25  }
0x7: {  	s0 =	simm.s32 $0x1880;
	[dreg:$0x6] =	wrdreg s26  }
0x8: {  	s7 =	simm.s32 $0x3080;
	[dreg:$0x7] =	wrdreg s0  }
0x9: {  	s8 =	simm.s32 $0x3880;
	[dreg:$0xa] =	wrdreg s7  }
0xa: {  	s9 =	simm.s32 $0x4080;
	[dreg:$0xb] =	wrdreg s8  }
0xb: {  	s10 =	simm.s32 $0x4880;
	[dreg:$0xc] =	wrdreg s9  }
0xc: {  	s11 =	simm.s32 $0x5080;
	s12 =	simm.s32 $0x5880;
	[dreg:$0xd] =	wrdreg s10  }
0xd: {  	s13 =	simm.s32 $0x6080;
	s14 =	simm.s32 $0x6880;
	[dreg:$0xe] =	wrdreg s11  }
0xe: {  	s15 =	simm.s32 $0x7080;
	s16 =	simm.s32 $0x7880;
	[dreg:$0xf] =	wrdreg s12  }
0xf: {  	s17 =	simm.s32 $0x8080;
	s18 =	simm.s32 $0x8880;
	[dreg:$0x10] =	wrdreg s13  }
0x10: {  	s19 =	simm.s32 $0x9080;
	s21 =	simm.s32 $0x9880;
	[dreg:$0x11] =	wrdreg s14  }
0x11: {  	s22 =	simm.s32 $0xA080;
	s23 =	simm.s32 $0xA880;
	[dreg:$0x12] =	wrdreg s15  }
0x12: {  	s24 =	simm.s32 $0xB880;
	s28 =	simm.s32 $0x16080;
	[dreg:$0x13] =	wrdreg s16  }
0x13: {  	s29 =	simm.s32 $0x16880;
	s30 =	simm.s32 $0x17080;
	[dreg:$0x14] =	wrdreg s17  }
0x14: {  	s31 =	simm.s32 $0x17880;
	s1 =	ssub.s32 $0x2, s1;
	[dreg:$0x15] =	wrdreg s18  }
0x15: {  	s20 =	sshrl.u32 s1, $0x1;
	s6 =	sand.u32 $0xF0, s5;
	[dreg:$0x16] =	wrdreg s19  }
0x16: {  	s5 =	sadd.s32 s5, s4;
	s1 =	ssub.s32 s1, s20;
	[dreg:$0x17] =	wrdreg s21  }
0x17: {  	s20 =	simm.s32 $0x12880;
	s6 =	smul.u32 $0x300, s6;
	[dreg:$0x18] =	wrdreg s22  }
0x18: {  	s5 =	sadd.s32 $0x36E00, s5;
	[dreg:$0x19] =	wrdreg s23;
	s7 =	simm.s32 $0xB080  }
0x19: {  	[dreg:$0x1b] =	wrdreg s24;
	s25 =	simm.s32 $0xC080;
	s8 =	simm.s32 $0x80  }
0x1a: {  	s26 =	simm.s32 $0xC880;
	s10 =	simm.s32 $0xD880;
	s11 =	simm.s32 $0xE080  }
0x1b: {  	s12 =	simm.s32 $0xE880;
	s13 =	simm.s32 $0xF080;
	s14 =	simm.s32 $0xF880  }
0x1c: {  	s15 =	simm.s32 $0x10080;
	s16 =	simm.s32 $0x10880;
	s17 =	simm.s32 $0x11080  }
0x1d: {  	s18 =	simm.s32 $0x11880;
	s19 =	simm.s32 $0x12080;
	[dreg:$0x3] =	wrdreg s5  }
0x1e: {  	s21 =	simm.s32 $0x13080;
	s22 =	simm.s32 $0x13880;
	[dreg:$0x1a] =	wrdreg s7  }
0x1f: {  	s23 =	simm.s32 $0x14080;
	s24 =	simm.s32 $0x14880;
	[dreg:$0x1c] =	wrdreg s25  }
0x20: {  	s5 =	simm.s32 $0x2080;
	s7 =	simm.s32 $0x2;
	[dreg:$0x1d] =	wrdreg s26  }
0x21: {  	s25 =	simm.s32 $0x15080;
	s26 =	simm.s32 $0x15880;
	s4 =	sadd.s32 s6, s4  }
0x22: {  	v2 =	vlaneseq.u32;
	[dreg:$0x8] =	wrdreg s5;
	s6 =	simm.s32 $0x2880;
	s5 =	sadd.s32 $0x200, s2  }
0x23: {  	vm0 =	vmmov $0xffff;
	v1 =	vshrl.u32 v2, $0x3;
	s4 =	sadd.s32 $0x6E00, s4;
	[dreg:$0x9] =	wrdreg s6;
	s6 =	smax.u32 s1, $0x1  }
0x24: {  	v0 =	vand.u32 $0x7, v2;
	v2 =	vor.u32 $0x8, v2;
	v1 =	vmul.u32 $0x8, v1;
	s1 =	simm.s32 $0x1;
	[dreg:$0x4] =	wrdreg s4;
	s4 =	sadd.s32 $0x100, s2  }
.LBB2_1:
0x25: {  	s0 =	rddreg [dreg:$0x3]  }
0x26: {  	[tilespmem:s3], [sflag:$0x2] =	stream.linear.gather [hbm4b:s0+s3], $0x80, $0x38;
	[tilespmem:$0x18080] =	vst v63  }
0x27: {  	_ =	swait.ge [sflag:s7], $0x80  }
0x28: {  	[sflag:s7] =	ssyncset.done $0x0  }
0x29: {  	s9 =	rddreg [dreg:$0x4];
	[sflag:s7] =	ssyncadd.s32 $0xFFFFFF80  }
0x2a: {  	[tilespmem:s8], [sflag:$0x2] =	stream.linear.gather [hbm4b:s9+s3], $0x18000, $0x38;
	[tilespmem:$0x18080] =	vst v63  }
0x2b: {  	_ =	swait.ge [sflag:s7], $0x18000  }
0x2c: {  	[sflag:s7] =	ssyncset.done $0x0  }
0x2d: {  	[sflag:s7] =	ssyncadd.s32 $0xFFFE8000  }
0x2e: {  	v3 =	vld [tilespmem:$0x0];
	_ =	sdelay $0x4  }
0x2f: {  	v4 =	vshrl.u32 v3, $0x3  }
0x30: {  	v4 =	vmul.u32 $0x30, v4  }
0x31: {  	v3 =	vand.u32 $0x7, v3  }
0x32: {  	v3 =	vor.u32 v3, v4  }
0x33: {  	v4 =	vperm.xlane v3, v0;
	_ =	sdelay $0x1  }
0x34: {  	v4 =	vadd.s32 v1, v4;
	_ =	sdelay $0x3  }
0x35: {  	v3 =	vperm.xlane v3, v2  }
0x36: {  	[hbm4b:s2+s3] =	stream.indirect_vreg.scatter [tilespmem:s8], [sflag:$0x1], $0x80, v4, vm0, $0xb8;
	[tilespmem:$0x18080] =	vst v63  }
0x37: {  	s0 =	rddreg [dreg:$0x5];
	v3 =	vadd.s32 v1, v3  }
0x38: {  	[hbm4b:s4+s3] =	stream.indirect_vreg.scatter [tilespmem:s0], [sflag:$0x1], $0x80, v4, vm0, $0xb8;
	[tilespmem:$0x18080] =	vst v63  }
0x39: {  	s9 =	rddreg [dreg:$0x6]  }
0x3a: {  	[hbm4b:s5+s3] =	stream.indirect_vreg.scatter [tilespmem:s9], [sflag:$0x1], $0x80, v4, vm0, $0xb8;
	[tilespmem:$0x18080] =	vst v63  }
0x3b: {  	s0 =	rddreg [dreg:$0x7]  }
0x3c: {  	[hbm4b:s2+s3] =	stream.indirect_vreg.scatter [tilespmem:s0], [sflag:$0x1], $0x80, v3, vm0, $0xb8;
	[tilespmem:$0x18080] =	vst v63  }
0x3d: {  	s9 =	rddreg [dreg:$0x8]  }
0x3e: {  	[hbm4b:s4+s3] =	stream.indirect_vreg.scatter [tilespmem:s9], [sflag:$0x1], $0x80, v3, vm0, $0xb8;
	[tilespmem:$0x18080] =	vst v63  }
0x3f: {  	s0 =	rddreg [dreg:$0x9]  }
0x40: {  	[hbm4b:s5+s3] =	stream.indirect_vreg.scatter [tilespmem:s0], [sflag:$0x1], $0x80, v3, vm0, $0xb8;
	[tilespmem:$0x18080] =	vst v63  }
0x41: {  	v3 =	vld [tilespmem:$0x10];
	_ =	sdelay $0x4  }
0x42: {  	v57 =	vshrl.u32 v3, $0x3  }
0x43: {  	v4 =	vmul.u32 $0x30, v57  }
0x44: {  	v3 =	vand.u32 $0x7, v3  }
0x45: {  	v3 =	vor.u32 v3, v4  }
0x46: {  	v4 =	vperm.xlane v3, v0;
	_ =	sdelay $0x1  }
0x47: {  	v4 =	vadd.s32 v1, v4;
	_ =	sdelay $0x3  }
0x48: {  	s0 =	rddreg [dreg:$0xa];
	v3 =	vperm.xlane v3, v2  }
0x49: {  	[hbm4b:s2+s3] =	stream.indirect_vreg.scatter [tilespmem:s0], [sflag:$0x1], $0x80, v4, vm0, $0xb8;
	[tilespmem:$0x18080] =	vst v63  }
0x4a: {  	s9 =	rddreg [dreg:$0xb];
	v3 =	vadd.s32 v1, v3  }
0x4b: {  	[hbm4b:s4+s3] =	stream.indirect_vreg.scatter [tilespmem:s9], [sflag:$0x1], $0x80, v4, vm0, $0xb8;
	[tilespmem:$0x18080] =	vst v63  }
0x4c: {  	s0 =	rddreg [dreg:$0xc]  }
0x4d: {  	[hbm4b:s5+s3] =	stream.indirect_vreg.scatter [tilespmem:s0], [sflag:$0x1], $0x80, v4, vm0, $0xb8;
	[tilespmem:$0x18080] =	vst v63  }
0x4e: {  	s9 =	rddreg [dreg:$0xd]  }
0x4f: {  	[hbm4b:s2+s3] =	stream.indirect_vreg.scatter [tilespmem:s9], [sflag:$0x1], $0x80, v3, vm0, $0xb8;
	[tilespmem:$0x18080] =	vst v63  }
0x50: {  	s0 =	rddreg [dreg:$0xe]  }
0x51: {  	[hbm4b:s4+s3] =	stream.indirect_vreg.scatter [tilespmem:s0], [sflag:$0x1], $0x80, v3, vm0, $0xb8;
	[tilespmem:$0x18080] =	vst v63  }
0x52: {  	s9 =	rddreg [dreg:$0xf]  }
0x53: {  	[hbm4b:s5+s3] =	stream.indirect_vreg.scatter [tilespmem:s9], [sflag:$0x1], $0x80, v3, vm0, $0xb8;
	[tilespmem:$0x18080] =	vst v63  }
0x54: {  	v3 =	vld [tilespmem:$0x20];
	_ =	sdelay $0x4  }
0x55: {  	v58 =	vshrl.u32 v3, $0x3  }
0x56: {  	v4 =	vmul.u32 $0x30, v58  }
0x57: {  	v3 =	vand.u32 $0x7, v3  }
0x58: {  	v3 =	vor.u32 v3, v4  }
0x59: {  	v4 =	vperm.xlane v3, v0;
	_ =	sdelay $0x1  }
0x5a: {  	v4 =	vadd.s32 v1, v4;
	_ =	sdelay $0x3  }
0x5b: {  	s0 =	rddreg [dreg:$0x10];
	v3 =	vperm.xlane v3, v2  }
0x5c: {  	[hbm4b:s2+s3] =	stream.indirect_vreg.scatter [tilespmem:s0], [sflag:$0x1], $0x80, v4, vm0, $0xb8;
	[tilespmem:$0x18080] =	vst v63  }
0x5d: {  	s9 =	rddreg [dreg:$0x11];
	v3 =	vadd.s32 v1, v3  }
0x5e: {  	[hbm4b:s4+s3] =	stream.indirect_vreg.scatter [tilespmem:s9], [sflag:$0x1], $0x80, v4, vm0, $0xb8;
	[tilespmem:$0x18080] =	vst v63  }
0x5f: {  	s0 =	rddreg [dreg:$0x12]  }
0x60: {  	[hbm4b:s5+s3] =	stream.indirect_vreg.scatter [tilespmem:s0], [sflag:$0x1], $0x80, v4, vm0, $0xb8;
	[tilespmem:$0x18080] =	vst v63  }
0x61: {  	s9 =	rddreg [dreg:$0x13]  }
0x62: {  	[hbm4b:s2+s3] =	stream.indirect_vreg.scatter [tilespmem:s9], [sflag:$0x1], $0x80, v3, vm0, $0xb8;
	[tilespmem:$0x18080] =	vst v63  }
0x63: {  	s0 =	rddreg [dreg:$0x14]  }
0x64: {  	[hbm4b:s4+s3] =	stream.indirect_vreg.scatter [tilespmem:s0], [sflag:$0x1], $0x80, v3, vm0, $0xb8;
	[tilespmem:$0x18080] =	vst v63  }
0x65: {  	s9 =	rddreg [dreg:$0x15]  }
0x66: {  	[hbm4b:s5+s3] =	stream.indirect_vreg.scatter [tilespmem:s9], [sflag:$0x1], $0x80, v3, vm0, $0xb8;
	[tilespmem:$0x18080] =	vst v63  }
0x67: {  	v3 =	vld [tilespmem:$0x30];
	_ =	sdelay $0x4  }
0x68: {  	v59 =	vshrl.u32 v3, $0x3  }
0x69: {  	v4 =	vmul.u32 $0x30, v59  }
0x6a: {  	v3 =	vand.u32 $0x7, v3  }
0x6b: {  	v3 =	vor.u32 v3, v4  }
0x6c: {  	v4 =	vperm.xlane v3, v0;
	_ =	sdelay $0x1  }
0x6d: {  	v4 =	vadd.s32 v1, v4;
	_ =	sdelay $0x3  }
0x6e: {  	s0 =	rddreg [dreg:$0x16];
	v3 =	vperm.xlane v3, v2  }
0x6f: {  	[hbm4b:s2+s3] =	stream.indirect_vreg.scatter [tilespmem:s0], [sflag:$0x1], $0x80, v4, vm0, $0xb8;
	[tilespmem:$0x18080] =	vst v63  }
0x70: {  	s9 =	rddreg [dreg:$0x17];
	v3 =	vadd.s32 v1, v3  }
0x71: {  	[hbm4b:s4+s3] =	stream.indirect_vreg.scatter [tilespmem:s9], [sflag:$0x1], $0x80, v4, vm0, $0xb8;
	[tilespmem:$0x18080] =	vst v63  }
0x72: {  	s0 =	rddreg [dreg:$0x18]  }
0x73: {  	[hbm4b:s5+s3] =	stream.indirect_vreg.scatter [tilespmem:s0], [sflag:$0x1], $0x80, v4, vm0, $0xb8;
	[tilespmem:$0x18080] =	vst v63  }
0x74: {  	s9 =	rddreg [dreg:$0x19]  }
0x75: {  	[hbm4b:s2+s3] =	stream.indirect_vreg.scatter [tilespmem:s9], [sflag:$0x1], $0x80, v3, vm0, $0xb8;
	[tilespmem:$0x18080] =	vst v63  }
0x76: {  	s0 =	rddreg [dreg:$0x1a]  }
0x77: {  	[hbm4b:s4+s3] =	stream.indirect_vreg.scatter [tilespmem:s0], [sflag:$0x1], $0x80, v3, vm0, $0xb8;
	[tilespmem:$0x18080] =	vst v63  }
0x78: {  	s9 =	rddreg [dreg:$0x1b]  }
0x79: {  	[hbm4b:s5+s3] =	stream.indirect_vreg.scatter [tilespmem:s9], [sflag:$0x1], $0x80, v3, vm0, $0xb8;
	[tilespmem:$0x18080] =	vst v63  }
0x7a: {  	v3 =	vld [tilespmem:$0x40];
	_ =	sdelay $0x4  }
0x7b: {  	v60 =	vshrl.u32 v3, $0x3  }
0x7c: {  	v4 =	vmul.u32 $0x30, v60  }
0x7d: {  	v3 =	vand.u32 $0x7, v3  }
0x7e: {  	v3 =	vor.u32 v3, v4  }
0x7f: {  	v4 =	vperm.xlane v3, v0;
	_ =	sdelay $0x1  }
0x80: {  	v4 =	vadd.s32 v1, v4;
	_ =	sdelay $0x3  }
0x81: {  	s0 =	rddreg [dreg:$0x1c];
	v3 =	vperm.xlane v3, v2  }
0x82: {  	[hbm4b:s2+s3] =	stream.indirect_vreg.scatter [tilespmem:s0], [sflag:$0x1], $0x80, v4, vm0, $0xb8;
	[tilespmem:$0x18080] =	vst v63  }
0x83: {  	s9 =	rddreg [dreg:$0x1d];
	v3 =	vadd.s32 v1, v3  }
0x84: {  	[hbm4b:s4+s3] =	stream.indirect_vreg.scatter [tilespmem:s9], [sflag:$0x1], $0x80, v4, vm0, $0xb8;
	[tilespmem:$0x18080] =	vst v63  }
0x85: {  	s9 =	simm.s32 $0xD080  }
0x86: {  	[hbm4b:s5+s3] =	stream.indirect_vreg.scatter [tilespmem:s9], [sflag:$0x1], $0x80, v4, vm0, $0xb8;
	[tilespmem:$0x18080] =	vst v63  }
0x87: {  	_ = 	snop  }
0x88: {  	[hbm4b:s2+s3] =	stream.indirect_vreg.scatter [tilespmem:s10], [sflag:$0x1], $0x80, v3, vm0, $0xb8;
	[tilespmem:$0x18080] =	vst v63  }
0x89: {  	_ = 	snop  }
0x8a: {  	[hbm4b:s4+s3] =	stream.indirect_vreg.scatter [tilespmem:s11], [sflag:$0x1], $0x80, v3, vm0, $0xb8;
	[tilespmem:$0x18080] =	vst v63  }
0x8b: {  	_ = 	snop  }
0x8c: {  	[hbm4b:s5+s3] =	stream.indirect_vreg.scatter [tilespmem:s12], [sflag:$0x1], $0x80, v3, vm0, $0xb8;
	[tilespmem:$0x18080] =	vst v63  }
0x8d: {  	v3 =	vld [tilespmem:$0x50];
	_ =	sdelay $0x4  }
0x8e: {  	v61 =	vshrl.u32 v3, $0x3  }
0x8f: {  	v4 =	vmul.u32 $0x30, v61  }
0x90: {  	v3 =	vand.u32 $0x7, v3  }
0x91: {  	v3 =	vor.u32 v3, v4  }
0x92: {  	v4 =	vperm.xlane v3, v0;
	_ =	sdelay $0x1  }
0x93: {  	v4 =	vadd.s32 v1, v4;
	_ =	sdelay $0x3  }
0x94: {  	v3 =	vperm.xlane v3, v2  }
0x95: {  	[hbm4b:s2+s3] =	stream.indirect_vreg.scatter [tilespmem:s13], [sflag:$0x1], $0x80, v4, vm0, $0xb8;
	[tilespmem:$0x18080] =	vst v63  }
0x96: {  	v3 =	vadd.s32 v1, v3  }
0x97: {  	[hbm4b:s4+s3] =	stream.indirect_vreg.scatter [tilespmem:s14], [sflag:$0x1], $0x80, v4, vm0, $0xb8;
	[tilespmem:$0x18080] =	vst v63  }
0x98: {  	_ = 	snop  }
0x99: {  	[hbm4b:s5+s3] =	stream.indirect_vreg.scatter [tilespmem:s15], [sflag:$0x1], $0x80, v4, vm0, $0xb8;
	[tilespmem:$0x18080] =	vst v63  }
0x9a: {  	_ = 	snop  }
0x9b: {  	[hbm4b:s2+s3] =	stream.indirect_vreg.scatter [tilespmem:s16], [sflag:$0x1], $0x80, v3, vm0, $0xb8;
	[tilespmem:$0x18080] =	vst v63  }
0x9c: {  	_ = 	snop  }
0x9d: {  	[hbm4b:s4+s3] =	stream.indirect_vreg.scatter [tilespmem:s17], [sflag:$0x1], $0x80, v3, vm0, $0xb8;
	[tilespmem:$0x18080] =	vst v63  }
0x9e: {  	_ = 	snop  }
0x9f: {  	[hbm4b:s5+s3] =	stream.indirect_vreg.scatter [tilespmem:s18], [sflag:$0x1], $0x80, v3, vm0, $0xb8;
	[tilespmem:$0x18080] =	vst v63  }
0xa0: {  	v3 =	vld [tilespmem:$0x60];
	_ =	sdelay $0x4  }
0xa1: {  	v62 =	vshrl.u32 v3, $0x3  }
0xa2: {  	v4 =	vmul.u32 $0x30, v62  }
0xa3: {  	v3 =	vand.u32 $0x7, v3  }
0xa4: {  	v3 =	vor.u32 v3, v4  }
0xa5: {  	v4 =	vperm.xlane v3, v0;
	_ =	sdelay $0x1  }
0xa6: {  	v4 =	vadd.s32 v1, v4;
	_ =	sdelay $0x3  }
0xa7: {  	v3 =	vperm.xlane v3, v2  }
0xa8: {  	[hbm4b:s2+s3] =	stream.indirect_vreg.scatter [tilespmem:s19], [sflag:$0x1], $0x80, v4, vm0, $0xb8;
	[tilespmem:$0x18080] =	vst v63  }
0xa9: {  	v3 =	vadd.s32 v1, v3  }
0xaa: {  	[hbm4b:s4+s3] =	stream.indirect_vreg.scatter [tilespmem:s20], [sflag:$0x1], $0x80, v4, vm0, $0xb8;
	[tilespmem:$0x18080] =	vst v63  }
0xab: {  	_ = 	snop  }
0xac: {  	[hbm4b:s5+s3] =	stream.indirect_vreg.scatter [tilespmem:s21], [sflag:$0x1], $0x80, v4, vm0, $0xb8;
	[tilespmem:$0x18080] =	vst v63  }
0xad: {  	_ = 	snop  }
0xae: {  	[hbm4b:s2+s3] =	stream.indirect_vreg.scatter [tilespmem:s22], [sflag:$0x1], $0x80, v3, vm0, $0xb8;
	[tilespmem:$0x18080] =	vst v63  }
0xaf: {  	_ = 	snop  }
0xb0: {  	[hbm4b:s4+s3] =	stream.indirect_vreg.scatter [tilespmem:s23], [sflag:$0x1], $0x80, v3, vm0, $0xb8;
	[tilespmem:$0x18080] =	vst v63  }
0xb1: {  	_ = 	snop  }
0xb2: {  	[hbm4b:s5+s3] =	stream.indirect_vreg.scatter [tilespmem:s24], [sflag:$0x1], $0x80, v3, vm0, $0xb8;
	[tilespmem:$0x18080] =	vst v63  }
0xb3: {  	v3 =	vld [tilespmem:$0x70];
	_ =	sdelay $0x4  }
0xb4: {  	v63 =	vshrl.u32 v3, $0x3  }
0xb5: {  	v4 =	vmul.u32 $0x30, v63  }
0xb6: {  	v3 =	vand.u32 $0x7, v3  }
0xb7: {  	v3 =	vor.u32 v3, v4  }
0xb8: {  	v4 =	vperm.xlane v3, v0;
	_ =	sdelay $0x1  }
0xb9: {  	v4 =	vadd.s32 v1, v4;
	_ =	sdelay $0x3  }
0xba: {  	v3 =	vperm.xlane v3, v2  }
0xbb: {  	[hbm4b:s2+s3] =	stream.indirect_vreg.scatter [tilespmem:s25], [sflag:$0x1], $0x80, v4, vm0, $0xb8;
	[tilespmem:$0x18080] =	vst v63  }
0xbc: {  	v3 =	vadd.s32 v1, v3  }
0xbd: {  	[hbm4b:s4+s3] =	stream.indirect_vreg.scatter [tilespmem:s26], [sflag:$0x1], $0x80, v4, vm0, $0xb8;
	[tilespmem:$0x18080] =	vst v63  }
0xbe: {  	_ = 	snop  }
0xbf: {  	[hbm4b:s5+s3] =	stream.indirect_vreg.scatter [tilespmem:s28], [sflag:$0x1], $0x80, v4, vm0, $0xb8;
	[tilespmem:$0x18080] =	vst v63  }
0xc0: {  	_ = 	snop  }
0xc1: {  	[hbm4b:s2+s3] =	stream.indirect_vreg.scatter [tilespmem:s29], [sflag:$0x1], $0x80, v3, vm0, $0xb8;
	[tilespmem:$0x18080] =	vst v63  }
0xc2: {  	p0 =	sne.s32 s6, $0x1  }
0xc3: {  	[hbm4b:s4+s3] =	stream.indirect_vreg.scatter [tilespmem:s30], [sflag:$0x1], $0x80, v3, vm0, $0xb8;
	[tilespmem:$0x18080] =	vst v63  }
.Ltmp0:
0xc4: {  	_ = 	snop;
	(pc) =	sbr.rel @p0 .LBB2_1-.Ltmp0, $4  }
0xc5: {  	[hbm4b:s5+s3] =	stream.indirect_vreg.scatter [tilespmem:s31], [sflag:$0x1], $0x80, v3, vm0, $0xb8;
	[tilespmem:$0x18080] =	vst v63  }
0xc6: {  	_ =	swait.ge [sflag:s1], $0x18000  }
0xc7: {  	[sflag:s1] =	ssyncset.done $0x0  }
0xc8: {  	s6 =	sadd.s32 $0xFFFFFFFF, s6;
	[sflag:s1] =	ssyncadd.s32 $0xFFFE8000  }
0xc9: {  	_ =	sfence.sel $0x180000  }
0xca: {  	[bflag:$0x0] =	sbarrier.arrive $0xFFFF  }
0xcb: {  	_ =	strace $0x90000050  }
0xcc: {  	s0 =	stileid.u32;
	[bflag:$0x2] =	sbarrier.arrive $0xFFFF  }
0xcd: {  	p0 =	sne.s32 s0, $0x0;
	s0 =	rddreg [dreg:$0x2]  }
0xce: {  	s0 =	sadd.s32 @!p0 $0x100000, s0  }
0xcf: {  	[sflag:s0] =	ssyncadd.tile.s32 @!p0 $0x1;
	_ =	shalt  }
.Lfunc_end2:
_tile_overlayer_lowered:
.L_overlay_start_2:
0xd0: {  	(tag) =	ssettag $0x2  }
0xd1: {  	s0 =	rddreg [dreg:$0x0];
	s2 =	stileid.u32  }
0xd2: {  	s1 =	rddreg [dreg:$0x1];
	p0 =	sne.s32 s2, $0x0  }
0xd3: {  	s3 =	rddreg [dreg:$0x2];
	[bflag:$0x3] =	sbarrier.arrive $0xFFFF;
	s2 =	simm.s32 @!p0 $0x1C02  }
0xd4: {  	[timem:s3], [sflag:s2] =	dma.local @!p0 [hbm:s0], s1  }
0xd5: {  	s0 =	simm.s32 @!p0 $0x2  }
0xd6: {  	_ =	swait.ge @!p0 [sflag:s0], s1  }
0xd7: {  	s1 =	ssub.s32 @!p0 $0x0, s1;
	[sflag:s0] =	ssyncset.done @!p0 $0x0  }
0xd8: {  	[sflag:s0] =	ssyncadd.s32 @!p0 s1  }
0xd9: {  	[bflag:$0x3] =	sbarrier.arrive $0xFFFF  }
0xda: {  	_ =	shalt  }

// kernel: kernel.33.cloned.1.call-start
scs
__scs_entry_jumppad:
0x0: {  	(pc) =	sbr.rel $0x88, $3  }
0x1: {  	(tag) =	ssettag $0x0;
	lr =	simm.s32 $0x1  }
0x2: {  	[smem:$0x3F7E] =	sst lr;
	_ =	strace $0xD0000000  }
0x3: {  	_ = 	snop  }
0x4: {  	_ = 	snop  }
0x5: {  	_ = 	snop  }
0x6: {  	_ = 	snop  }
0x7: {  	_ = 	snop  }
__scs_overlays_trampoline_lowered:
0x8: {  	[smem:$0x3F8D] =	sst s0  }
0x9: {  	[smem:$0x3F8E] =	sst s1  }
0xa: {  	[smem:$0x3F8F] =	sst s2  }
0xb: {  	[smem:$0x3F90] =	sst s3  }
0xc: {  	[smem:$0x3F91] =	sst s4  }
0xd: {  	[smem:$0x3F92] =	sst s5  }
0xe: {  	[smem:$0x3F93] =	sst s6  }
0xf: {  	[smem:$0x3F94] =	sst s7  }
0x10: {  	[smem:$0x3F95] =	sst s8  }
0x11: {  	[smem:$0x3F96] =	sst s9;
	s0 =	simm.s32 @!p0 $0x0  }
0x12: {  	s1 =	sld [smem:$0x3F7C];
	s0 =	simm.s32 @p0 $0x1  }
0x13: {  	[smem:$0x3F97] =	sst s0;
	s0 =	simm.s32 @!p1 $0x0  }
0x14: {  	s2 =	sld [smem:$0x3F7B];
	s0 =	simm.s32 @p1 $0x1  }
0x15: {  	[smem:$0x3F98] =	sst s0;
	s0 =	simm.s32 @!p2 $0x0  }
0x16: {  	s3 =	sld [smem:$0x3FDB];
	s0 =	simm.s32 @p2 $0x1  }
0x17: {  	s4 =	simm.s32 $0x1BF5;
	[smem:$0x3F9A] =	sst s0  }
0x18: {  	s0 =	sld [smem:$0x3F7D];
	_ =	swait.ge [sflag:s4], $0x0  }
0x19: {  	s7 =	sld [smem:$0x3F7E]  }
0x1a: {  	s8 =	sadd.s32 $0xFFFFE003, lr  }
0x1b: {  	s9 =	sadd.s32 $0xFFFFFEF7, lr;
	s5 =	simm.s32 $0xFFFFFFFF;
	p2 =	slt.u32 s8, $0xFFFFF086  }
0x1c: {  	p1 =	slt.u32 s9, $0xF7A;
	s5 =	simm.s32 @!p2 $0x0  }
0x1d: {  	s5 =	simm.s32 @p1 $0x1;
	p0 =	seq.s32 s7, s2  }
0x1e: {  	s7 =	smul.u32 @!p0 $0xF7A, s2;
	p2 =	seq.s32 @!p0 s5, $0x0  }
0x1f: {  	s9 =	smul.u32 $0xF7A, s1;
	s8 =	simm.s32 @!p0 $0x1BF5;
	p2 =	por !p2, p0  }
0x20: {  	[sflag:s8] =	ssyncset.s32 @!p0 $0xFFFFF086;
	s6 =	sadd.s32 @!p0 s3, s7;
	s7 =	simm.s32 @!p0 $0x108  }
0x21: {  	s3 =	sadd.s32 s3, s9;
	s6 =	sadd.s32 @!p0 $0x88, s6;
	s7 =	simm.s32 @p2 $0x1082  }
0x22: {  	[simem:s7], [sflag:s8] =	dma.local @!p0 [hbm:s6], $0xF7A  }
0x23: {  	s9 =	sor.u32 $0xD0000000, s2;
	s6 =	simm.s32 $0x108;
	_ =	swait.ge @!p0 [sflag:s8], $0x0  }
0x24: {  	s3 =	sadd.s32 $0x88, s3;
	s6 =	simm.s32 @!p1 $0x1082;
	[sflag:s4] =	ssyncset.s32 $0xFFFFF086  }
0x25: {  	[simem:s6], [sflag:s4] =	dma.local [hbm:s3], $0xF7A  }
0x26: {  	[smem:$0x3F7E] =	sst s1;
	(tag) =	ssettag s2;
	_ =	strace s9  }
0x27: {  	s1 =	sld [smem:$0x3F8E]  }
0x28: {  	s2 =	sld [smem:$0x3F8F]  }
0x29: {  	s4 =	sld [smem:$0x3F91]  }
0x2a: {  	p0 =	seq.s32 s5, $0x0;
	s5 =	sld [smem:$0x3F92]  }
0x2b: {  	s6 =	sld [smem:$0x3F93]  }
0x2c: {  	s7 =	sld [smem:$0x3F94]  }
0x2d: {  	s3 =	simm.s32 $0x108;
	s8 =	sld [smem:$0x3F95]  }
0x2e: {  	s3 =	simm.s32 @!p0 $0x1082;
	s9 =	sld [smem:$0x3F96]  }
0x2f: {  	lr =	sadd.s32 s0, s3;
	s0 =	sld [smem:$0x3F8D]  }
0x30: {  	s3 =	sld [smem:$0x3F90]  }
0x31: {  	[smem:$0x3F99] =	sst s10  }
0x32: {  	s10 =	sld [smem:$0x3F97];
	_ =	sdelay $0x3  }
0x33: {  	p0 =	seq.s32 s10, $0x1;
	s10 =	sld [smem:$0x3F99];
	_ =	sdelay $0x3  }
0x34: {  	[smem:$0x3F99] =	sst s10  }
0x35: {  	s10 =	sld [smem:$0x3F98];
	_ =	sdelay $0x3  }
0x36: {  	p1 =	seq.s32 s10, $0x1;
	s10 =	sld [smem:$0x3F99];
	_ =	sdelay $0x3  }
0x37: {  	[smem:$0x3F99] =	sst s10  }
0x38: {  	s10 =	sld [smem:$0x3F9A]  }
0x39: {  	_ = 	snop;
	(pc) =	sbr.ind lr, $3  }
0x3a: {  	_ = 	snop  }
0x3b: {  	_ = 	snop  }
0x3c: {  	p2 =	seq.s32 s10, $0x1;
	s10 =	sld [smem:$0x3F99]  }
0x3d: {  	_ =	shalt  }
0x3e: {  	_ =	shalt  }
0x3f: {  	_ =	shalt  }
0x40: {  	_ =	shalt  }
0x41: {  	_ =	shalt  }
0x42: {  	_ =	shalt  }
0x43: {  	_ =	shalt  }
0x44: {  	_ =	shalt  }
0x45: {  	_ =	shalt  }
0x46: {  	_ =	shalt  }
0x47: {  	_ =	shalt  }
0x48: {  	_ =	shalt  }
0x49: {  	_ =	shalt  }
0x4a: {  	_ =	shalt  }
0x4b: {  	_ =	shalt  }
0x4c: {  	_ =	shalt  }
0x4d: {  	_ =	shalt  }
0x4e: {  	_ =	shalt  }
0x4f: {  	_ =	shalt  }
0x50: {  	_ =	shalt  }
0x51: {  	_ =	shalt  }
0x52: {  	_ =	shalt  }
0x53: {  	_ =	shalt  }
0x54: {  	_ =	shalt  }
0x55: {  	_ =	shalt  }
0x56: {  	_ =	shalt  }
0x57: {  	_ =	shalt  }
0x58: {  	_ =	shalt  }
0x59: {  	_ =	shalt  }
0x5a: {  	_ =	shalt  }
0x5b: {  	_ =	shalt  }
0x5c: {  	_ =	shalt  }
0x5d: {  	_ =	shalt  }
0x5e: {  	_ =	shalt  }
0x5f: {  	_ =	shalt  }
0x60: {  	_ =	shalt  }
0x61: {  	_ =	shalt  }
0x62: {  	_ =	shalt  }
0x63: {  	_ =	shalt  }
0x64: {  	_ =	shalt  }
0x65: {  	_ =	shalt  }
0x66: {  	_ =	shalt  }
0x67: {  	_ =	shalt  }
0x68: {  	_ =	shalt  }
0x69: {  	_ =	shalt  }
0x6a: {  	_ =	shalt  }
0x6b: {  	_ =	shalt  }
0x6c: {  	_ =	shalt  }
0x6d: {  	_ =	shalt  }
0x6e: {  	_ =	shalt  }
0x6f: {  	_ =	shalt  }
0x70: {  	_ =	shalt  }
0x71: {  	_ =	shalt  }
0x72: {  	_ =	shalt  }
0x73: {  	_ =	shalt  }
0x74: {  	_ =	shalt  }
0x75: {  	_ =	shalt  }
0x76: {  	_ =	shalt  }
0x77: {  	_ =	shalt  }
0x78: {  	_ =	shalt  }
0x79: {  	_ =	shalt  }
0x7a: {  	_ =	shalt  }
0x7b: {  	_ =	shalt  }
0x7c: {  	_ =	shalt  }
0x7d: {  	_ =	shalt  }
0x7e: {  	_ =	shalt  }
0x7f: {  	_ =	shalt  }
0x80: {  	_ =	shalt  }
0x81: {  	_ =	shalt  }
0x82: {  	_ =	shalt  }
0x83: {  	_ =	shalt  }
0x84: {  	_ =	shalt  }
0x85: {  	_ =	shalt  }
0x86: {  	_ =	shalt  }
0x87: {  	_ =	shalt  }
.Lfunc_end0:
.L_simem_size_0:
called_computation.4_lowered:
.L_overlay_start_0:
0x88: {  	s2 =	sld [smem:$0x3FD9]  }
0x89: {  	s3 =	sld [smem:$0x3FFE];
	_ =	sdelay $0x1  }
0x8a: {  	s1 =	srdreg.scid  }
0x8b: {  	s0 =	sand.u32 $0x1, s1  }
0x8c: {  	s17 =	sshll.u32 s0, $0xA;
	s2 =	sadd.s32 s3, s2  }
0x8d: {  	s2 =	sadd.s32 s2, s17  }
0x8e: {  	[smem:$0x3FA5] =	sst s2  }
0x8f: {  	_ = 	snop  }
0x90: {  	s2 =	sld [smem:$0x3FD0];
	(tm) =	ssettm $0x1  }
0x91: {  	s18 =	sld [smem:$0x3FFB];
	_ =	sdelay $0x3  }
0x92: {  	_ =	strace s18  }
0x93: {  	s3 =	sld [smem:$0x3FFC];
	_ =	sdelay $0x3  }
0x94: {  	_ =	strace s3  }
0x95: {  	s3 =	sld [smem:$0x3FFD];
	_ =	sdelay $0x3  }
0x96: {  	_ =	strace s3  }
0x97: {  	_ =	strace $0x8FFFFFFF  }
0x98: {  	s19 =	sld [smem:$0x3FDB];
	_ =	sdelay $0x1  }
0x99: {  	s4 =	simm.s32 $_scs_section_size  }
0x9a: {  	s5 =	simm.s32 $_size__tile_overlayer_lowered;
	s6 =	simm.s32 $_tile_overlayer_lowered  }
0x9b: {  	s22 =	simm.s32 $0x1BFF;
	s21 =	sshll.u32 s6, $0x1;
	s3 =	sadd.s32 s4, s19  }
0x9c: {  	s7 =	simm.s32 $0x0;
	s20 =	sshll.u32 s5, $0x1;
	s5 =	sadd.s32 s21, s3  }
0x9d: {  	[timem:s7], [sflag:s22] =	dma.local [hbm:s5], s20  }
0x9e: {  	_ =	swait.ge [sflag:s22], s20  }
0x9f: {  	s4 =	ssub.s32 $0x0, s20;
	[sflag:s22] =	ssyncset.done $0x0  }
0xa0: {  	[sflag:s22] =	ssyncadd.s32 s4;
	_ =	sdelay $0x1  }
0xa1: {  	s23 =	simm.s32 $0x1B8B  }
0xa2: {  	_ =	swait.ge [sflag:s23], $0x1  }
0xa3: {  	[sflag:s23] =	ssyncset.done $0x0  }
0xa4: {  	s25 =	simm.s32 $0x1B8E;
	s24 =	sld [smem:$0x3FFE];
	[sflag:s23] =	ssyncadd.s32 $0xFFFFFFFF  }
0xa5: {  	s26 =	simm.s32 $execute0_lowered;
	[smem:$0x3FD2] =	sst s25  }
0xa6: {  	s5 =	sshll.u32 s26, $0x1;
	_ =	strace $0x80000052;
	[dreg:$0x1] =	wrdreg $0xFFFFFFFF  }
0xa7: {  	s28 =	simm.s32 $_size_execute0_lowered;
	s3 =	sadd.s32 s3, s5;
	[dreg:$0x0] =	wrdreg $0x0  }
0xa8: {  	s5 =	sshll.u32 s28, $0x1;
	[dreg:$0x2] =	wrdreg s3  }
0xa9: {  	[dreg:$0x3] =	wrdreg s5  }
0xaa: {  	[dreg:$0x4] =	wrdreg $0xC0  }
0xab: {  	_ =	task [dreg:s7], $0x5FFFF  }
0xac: {  	[dreg:$0x1] =	wrdreg $0xFFFFFFFF  }
0xad: {  	[dreg:$0x0] =	wrdreg $0x60  }
0xae: {  	[dreg:$0x2] =	wrdreg s2  }
0xaf: {  	[dreg:$0x3] =	wrdreg s24  }
0xb0: {  	[dreg:$0x4] =	wrdreg $0x9  }
0xb1: {  	_ =	task.clear_ibuf [dreg:s7], $0x5FFFF;
	_ =	strace $0x90000052  }
0xb2: {  	s29 =	simm.s32 $0x9;
	_ =	strace $0x80000054  }
0xb3: {  	_ =	swait.ge [sflag:s29], $0x1  }
0xb4: {  	[sflag:s29] =	ssyncadd.s32 $0xFFFFFFFF  }
0xb5: {  	_ =	strace $0x90000054  }
0xb6: {  	_ =	sfence  }
0xb7: {  	s30 =	sld [smem:$0x0];
	_ =	sdelay $0x2  }
0xb8: {  	s31 =	sshll.u32 s1, $0xD;
	s1 =	sshrl.u32 s1, $0x2  }
0xb9: {  	s3 =	sand.u32 $0x4000, s31;
	s1 =	sadd.s32 s1, s30  }
0xba: {  	s0 =	sor.u32 s3, s0;
	s1 =	sshll.u32 s1, $0x11  }
0xbb: {  	s0 =	sor.u32 s1, s0  }
0xbc: {  	s0 =	sadd.s32 $0x8F2B, s0  }
0xbd: {  	[sflag:s0] =	ssyncadd.remote.s32 $0x1  }
0xbe: {  	_ =	sfence.sel $0xFFFF  }
0xbf: {  	[dreg:$0x0] =	wrdreg $0xFFFFFFFF;
	(pc) =	sbr.abs _section_cstart, $3  }
0xc0: {  	[dreg:$0x1] =	wrdreg $0xFFFFFFFF  }
0xc1: {  	_ =	task.clear_ibuf [dreg:s7], $0x2FFFF;
	_ =	strace $0x9FFFFFFF  }
0xc2: {  	(tm) =	ssettm $0x7FFFFFFF  }
0xc3: {  	_ =	shalt  }
tec
execute0_lowered:
.L_overlay_start_1:
0x0: {  	(tag) =	ssettag $0x1  }
0x1: {  	s1 =	srdreg.scid  }
0x2: {  	s0 =	stileid.u32;
	s1 =	sand.u32 $0x1, s1  }
0x3: {  	s2 =	rddreg [dreg:$0x0];
	s3 =	sshll.u32 s0, $0x5;
	s4 =	sshll.u32 s1, $0x4  }
0x4: {  	s5 =	rddreg [dreg:$0x1];
	s4 =	sor.u32 s4, s3;
	s3 =	simm.s32 $0x0  }
0x5: {  	s25 =	simm.s32 $0x880;
	[smem:$0x7FF] =	sst s3  }
0x6: {  	s26 =	simm.s32 $0x1080;
	_ =	strace $0x80000053;
	[dreg:$0x5] =	wrdreg s25  }
0x7: {  	s0 =	simm.s32 $0x1880;
	[dreg:$0x6] =	wrdreg s26  }
0x8: {  	s7 =	simm.s32 $0x3080;
	[dreg:$0x7] =	wrdreg s0  }
0x9: {  	s8 =	simm.s32 $0x3880;
	[dreg:$0xa] =	wrdreg s7  }
0xa: {  	s9 =	simm.s32 $0x4080;
	[dreg:$0xb] =	wrdreg s8  }
0xb: {  	s10 =	simm.s32 $0x4880;
	[dreg:$0xc] =	wrdreg s9  }
0xc: {  	s11 =	simm.s32 $0x5080;
	[dreg:$0xd] =	wrdreg s10  }
0xd: {  	s12 =	simm.s32 $0x5880;
	s13 =	simm.s32 $0x6080;
	[dreg:$0xe] =	wrdreg s11  }
0xe: {  	s14 =	simm.s32 $0x6880;
	s15 =	simm.s32 $0x7080;
	[dreg:$0xf] =	wrdreg s12  }
0xf: {  	s16 =	simm.s32 $0x7880;
	s17 =	simm.s32 $0x8080;
	[dreg:$0x10] =	wrdreg s13  }
0x10: {  	s18 =	simm.s32 $0x8880;
	s19 =	simm.s32 $0x9080;
	[dreg:$0x11] =	wrdreg s14  }
0x11: {  	s21 =	simm.s32 $0x9880;
	s22 =	simm.s32 $0xA080;
	[dreg:$0x12] =	wrdreg s15  }
0x12: {  	s23 =	simm.s32 $0xA880;
	s28 =	simm.s32 $0x16080;
	[dreg:$0x13] =	wrdreg s16  }
0x13: {  	s29 =	simm.s32 $0x16880;
	s30 =	simm.s32 $0x17080;
	[dreg:$0x14] =	wrdreg s17  }
0x14: {  	s31 =	simm.s32 $0x17880;
	s1 =	ssub.s32 $0x2, s1;
	[dreg:$0x15] =	wrdreg s18  }
0x15: {  	s20 =	sshrl.u32 s1, $0x1;
	s6 =	smul.u32 $0x300, s4;
	[dreg:$0x16] =	wrdreg s19  }
0x16: {  	s4 =	sadd.s32 s4, s5;
	s1 =	ssub.s32 s1, s20;
	[dreg:$0x17] =	wrdreg s21  }
0x17: {  	s20 =	simm.s32 $0x12880;
	s4 =	sadd.s32 $0x37000, s4;
	[dreg:$0x18] =	wrdreg s22  }
0x18: {  	[dreg:$0x19] =	wrdreg s23;
	s7 =	simm.s32 $0xB080;
	s25 =	simm.s32 $0xC080  }
0x19: {  	s8 =	simm.s32 $0x80;
	s26 =	simm.s32 $0xC880;
	s10 =	simm.s32 $0xD880  }
0x1a: {  	s11 =	simm.s32 $0xE080;
	s12 =	simm.s32 $0xE880;
	s13 =	simm.s32 $0xF080  }
0x1b: {  	s14 =	simm.s32 $0xF880;
	s15 =	simm.s32 $0x10080;
	s16 =	simm.s32 $0x10880  }
0x1c: {  	s17 =	simm.s32 $0x11080;
	s18 =	simm.s32 $0x11880;
	s19 =	simm.s32 $0x12080  }
0x1d: {  	s21 =	simm.s32 $0x13080;
	s22 =	simm.s32 $0x13880;
	[dreg:$0x3] =	wrdreg s4  }
0x1e: {  	s23 =	simm.s32 $0x14080;
	s5 =	sadd.s32 s6, s5;
	[dreg:$0x1a] =	wrdreg s7  }
0x1f: {  	s6 =	simm.s32 $0x2880;
	s4 =	sadd.s32 $0x100, s2;
	[dreg:$0x1c] =	wrdreg s25  }
0x20: {  	s7 =	simm.s32 $0x2;
	[dreg:$0x1d] =	wrdreg s26;
	s25 =	simm.s32 $0x15080  }
0x21: {  	s26 =	simm.s32 $0x15880;
	s24 =	sadd.s32 $0x37200, s5;
	[dreg:$0x9] =	wrdreg s6  }
0x22: {  	v2 =	vlaneseq.u32;
	s5 =	simm.s32 $0x2080;
	s6 =	smax.u32 s1, $0x1;
	[dreg:$0x4] =	wrdreg s24  }
0x23: {  	vm0 =	vmmov $0xffff;
	v1 =	vshrl.u32 v2, $0x3;
	s1 =	simm.s32 $0x1;
	[dreg:$0x8] =	wrdreg s5;
	s24 =	simm.s32 $0xB880  }
0x24: {  	v0 =	vand.u32 $0x7, v2;
	v2 =	vor.u32 $0x8, v2;
	v1 =	vmul.u32 $0x8, v1;
	s5 =	sadd.s32 $0x200, s2;
	[dreg:$0x1b] =	wrdreg s24;
	s24 =	simm.s32 $0x14880  }
.LBB2_1:
0x25: {  	s0 =	rddreg [dreg:$0x3]  }
0x26: {  	[tilespmem:s3], [sflag:$0x2] =	stream.linear.gather [hbm4b:s0+s3], $0x80, $0x38;
	[tilespmem:$0x18080] =	vst v63  }
0x27: {  	_ =	swait.ge [sflag:s7], $0x80  }
0x28: {  	[sflag:s7] =	ssyncset.done $0x0  }
0x29: {  	[sflag:s7] =	ssyncadd.s32 $0xFFFFFF80  }
0x2a: {  	v3 =	vld [tilespmem:$0x0];
	_ =	sdelay $0x4  }
0x2b: {  	v4 =	vshrl.u32 v3, $0x3  }
0x2c: {  	v4 =	vmul.u32 $0x30, v4  }
0x2d: {  	v3 =	vand.u32 $0x7, v3  }
0x2e: {  	v3 =	vor.u32 v3, v4  }
0x2f: {  	v4 =	vperm.xlane v3, v0;
	_ =	sdelay $0x1  }
0x30: {  	v4 =	vadd.s32 v1, v4;
	_ =	sdelay $0x3  }
0x31: {  	v3 =	vperm.xlane v3, v2  }
0x32: {  	[tilespmem:s8], [sflag:$0x1] =	stream.indirect_vreg.gather [hbm4b:s2+s3], $0x80, v4, vm0, $0xb8;
	[tilespmem:$0x18080] =	vst v63  }
0x33: {  	s0 =	rddreg [dreg:$0x5];
	v3 =	vadd.s32 v1, v3  }
0x34: {  	[tilespmem:s0], [sflag:$0x1] =	stream.indirect_vreg.gather [hbm4b:s4+s3], $0x80, v4, vm0, $0xb8;
	[tilespmem:$0x18080] =	vst v63  }
0x35: {  	s9 =	rddreg [dreg:$0x6]  }
0x36: {  	[tilespmem:s9], [sflag:$0x1] =	stream.indirect_vreg.gather [hbm4b:s5+s3], $0x80, v4, vm0, $0xb8;
	[tilespmem:$0x18080] =	vst v63  }
0x37: {  	s0 =	rddreg [dreg:$0x7]  }
0x38: {  	[tilespmem:s0], [sflag:$0x1] =	stream.indirect_vreg.gather [hbm4b:s2+s3], $0x80, v3, vm0, $0xb8;
	[tilespmem:$0x18080] =	vst v63  }
0x39: {  	s9 =	rddreg [dreg:$0x8]  }
0x3a: {  	[tilespmem:s9], [sflag:$0x1] =	stream.indirect_vreg.gather [hbm4b:s4+s3], $0x80, v3, vm0, $0xb8;
	[tilespmem:$0x18080] =	vst v63  }
0x3b: {  	s0 =	rddreg [dreg:$0x9]  }
0x3c: {  	[tilespmem:s0], [sflag:$0x1] =	stream.indirect_vreg.gather [hbm4b:s5+s3], $0x80, v3, vm0, $0xb8;
	[tilespmem:$0x18080] =	vst v63  }
0x3d: {  	v3 =	vld [tilespmem:$0x10];
	_ =	sdelay $0x4  }
0x3e: {  	v57 =	vshrl.u32 v3, $0x3  }
0x3f: {  	v4 =	vmul.u32 $0x30, v57  }
0x40: {  	v3 =	vand.u32 $0x7, v3  }
0x41: {  	v3 =	vor.u32 v3, v4  }
0x42: {  	v4 =	vperm.xlane v3, v0;
	_ =	sdelay $0x1  }
0x43: {  	v4 =	vadd.s32 v1, v4;
	_ =	sdelay $0x3  }
0x44: {  	s0 =	rddreg [dreg:$0xa];
	v3 =	vperm.xlane v3, v2  }
0x45: {  	[tilespmem:s0], [sflag:$0x1] =	stream.indirect_vreg.gather [hbm4b:s2+s3], $0x80, v4, vm0, $0xb8;
	[tilespmem:$0x18080] =	vst v63  }
0x46: {  	s9 =	rddreg [dreg:$0xb];
	v3 =	vadd.s32 v1, v3  }
0x47: {  	[tilespmem:s9], [sflag:$0x1] =	stream.indirect_vreg.gather [hbm4b:s4+s3], $0x80, v4, vm0, $0xb8;
	[tilespmem:$0x18080] =	vst v63  }
0x48: {  	s0 =	rddreg [dreg:$0xc]  }
0x49: {  	[tilespmem:s0], [sflag:$0x1] =	stream.indirect_vreg.gather [hbm4b:s5+s3], $0x80, v4, vm0, $0xb8;
	[tilespmem:$0x18080] =	vst v63  }
0x4a: {  	s9 =	rddreg [dreg:$0xd]  }
0x4b: {  	[tilespmem:s9], [sflag:$0x1] =	stream.indirect_vreg.gather [hbm4b:s2+s3], $0x80, v3, vm0, $0xb8;
	[tilespmem:$0x18080] =	vst v63  }
0x4c: {  	s0 =	rddreg [dreg:$0xe]  }
0x4d: {  	[tilespmem:s0], [sflag:$0x1] =	stream.indirect_vreg.gather [hbm4b:s4+s3], $0x80, v3, vm0, $0xb8;
	[tilespmem:$0x18080] =	vst v63  }
0x4e: {  	s9 =	rddreg [dreg:$0xf]  }
0x4f: {  	[tilespmem:s9], [sflag:$0x1] =	stream.indirect_vreg.gather [hbm4b:s5+s3], $0x80, v3, vm0, $0xb8;
	[tilespmem:$0x18080] =	vst v63  }
0x50: {  	v3 =	vld [tilespmem:$0x20];
	_ =	sdelay $0x4  }
0x51: {  	v58 =	vshrl.u32 v3, $0x3  }
0x52: {  	v4 =	vmul.u32 $0x30, v58  }
0x53: {  	v3 =	vand.u32 $0x7, v3  }
0x54: {  	v3 =	vor.u32 v3, v4  }
0x55: {  	v4 =	vperm.xlane v3, v0;
	_ =	sdelay $0x1  }
0x56: {  	v4 =	vadd.s32 v1, v4;
	_ =	sdelay $0x3  }
0x57: {  	s0 =	rddreg [dreg:$0x10];
	v3 =	vperm.xlane v3, v2  }
0x58: {  	[tilespmem:s0], [sflag:$0x1] =	stream.indirect_vreg.gather [hbm4b:s2+s3], $0x80, v4, vm0, $0xb8;
	[tilespmem:$0x18080] =	vst v63  }
0x59: {  	s9 =	rddreg [dreg:$0x11];
	v3 =	vadd.s32 v1, v3  }
0x5a: {  	[tilespmem:s9], [sflag:$0x1] =	stream.indirect_vreg.gather [hbm4b:s4+s3], $0x80, v4, vm0, $0xb8;
	[tilespmem:$0x18080] =	vst v63  }
0x5b: {  	s0 =	rddreg [dreg:$0x12]  }
0x5c: {  	[tilespmem:s0], [sflag:$0x1] =	stream.indirect_vreg.gather [hbm4b:s5+s3], $0x80, v4, vm0, $0xb8;
	[tilespmem:$0x18080] =	vst v63  }
0x5d: {  	s9 =	rddreg [dreg:$0x13]  }
0x5e: {  	[tilespmem:s9], [sflag:$0x1] =	stream.indirect_vreg.gather [hbm4b:s2+s3], $0x80, v3, vm0, $0xb8;
	[tilespmem:$0x18080] =	vst v63  }
0x5f: {  	s0 =	rddreg [dreg:$0x14]  }
0x60: {  	[tilespmem:s0], [sflag:$0x1] =	stream.indirect_vreg.gather [hbm4b:s4+s3], $0x80, v3, vm0, $0xb8;
	[tilespmem:$0x18080] =	vst v63  }
0x61: {  	s9 =	rddreg [dreg:$0x15]  }
0x62: {  	[tilespmem:s9], [sflag:$0x1] =	stream.indirect_vreg.gather [hbm4b:s5+s3], $0x80, v3, vm0, $0xb8;
	[tilespmem:$0x18080] =	vst v63  }
0x63: {  	v3 =	vld [tilespmem:$0x30];
	_ =	sdelay $0x4  }
0x64: {  	v59 =	vshrl.u32 v3, $0x3  }
0x65: {  	v4 =	vmul.u32 $0x30, v59  }
0x66: {  	v3 =	vand.u32 $0x7, v3  }
0x67: {  	v3 =	vor.u32 v3, v4  }
0x68: {  	v4 =	vperm.xlane v3, v0;
	_ =	sdelay $0x1  }
0x69: {  	v4 =	vadd.s32 v1, v4;
	_ =	sdelay $0x3  }
0x6a: {  	s0 =	rddreg [dreg:$0x16];
	v3 =	vperm.xlane v3, v2  }
0x6b: {  	[tilespmem:s0], [sflag:$0x1] =	stream.indirect_vreg.gather [hbm4b:s2+s3], $0x80, v4, vm0, $0xb8;
	[tilespmem:$0x18080] =	vst v63  }
0x6c: {  	s9 =	rddreg [dreg:$0x17];
	v3 =	vadd.s32 v1, v3  }
0x6d: {  	[tilespmem:s9], [sflag:$0x1] =	stream.indirect_vreg.gather [hbm4b:s4+s3], $0x80, v4, vm0, $0xb8;
	[tilespmem:$0x18080] =	vst v63  }
0x6e: {  	s0 =	rddreg [dreg:$0x18]  }
0x6f: {  	[tilespmem:s0], [sflag:$0x1] =	stream.indirect_vreg.gather [hbm4b:s5+s3], $0x80, v4, vm0, $0xb8;
	[tilespmem:$0x18080] =	vst v63  }
0x70: {  	s9 =	rddreg [dreg:$0x19]  }
0x71: {  	[tilespmem:s9], [sflag:$0x1] =	stream.indirect_vreg.gather [hbm4b:s2+s3], $0x80, v3, vm0, $0xb8;
	[tilespmem:$0x18080] =	vst v63  }
0x72: {  	s0 =	rddreg [dreg:$0x1a]  }
0x73: {  	[tilespmem:s0], [sflag:$0x1] =	stream.indirect_vreg.gather [hbm4b:s4+s3], $0x80, v3, vm0, $0xb8;
	[tilespmem:$0x18080] =	vst v63  }
0x74: {  	s9 =	rddreg [dreg:$0x1b]  }
0x75: {  	[tilespmem:s9], [sflag:$0x1] =	stream.indirect_vreg.gather [hbm4b:s5+s3], $0x80, v3, vm0, $0xb8;
	[tilespmem:$0x18080] =	vst v63  }
0x76: {  	v3 =	vld [tilespmem:$0x40];
	_ =	sdelay $0x4  }
0x77: {  	v60 =	vshrl.u32 v3, $0x3  }
0x78: {  	v4 =	vmul.u32 $0x30, v60  }
0x79: {  	v3 =	vand.u32 $0x7, v3  }
0x7a: {  	v3 =	vor.u32 v3, v4  }
0x7b: {  	v4 =	vperm.xlane v3, v0;
	_ =	sdelay $0x1  }
0x7c: {  	v4 =	vadd.s32 v1, v4;
	_ =	sdelay $0x3  }
0x7d: {  	s0 =	rddreg [dreg:$0x1c];
	v3 =	vperm.xlane v3, v2  }
0x7e: {  	[tilespmem:s0], [sflag:$0x1] =	stream.indirect_vreg.gather [hbm4b:s2+s3], $0x80, v4, vm0, $0xb8;
	[tilespmem:$0x18080] =	vst v63  }
0x7f: {  	s9 =	rddreg [dreg:$0x1d];
	v3 =	vadd.s32 v1, v3  }
0x80: {  	[tilespmem:s9], [sflag:$0x1] =	stream.indirect_vreg.gather [hbm4b:s4+s3], $0x80, v4, vm0, $0xb8;
	[tilespmem:$0x18080] =	vst v63  }
0x81: {  	s9 =	simm.s32 $0xD080  }
0x82: {  	[tilespmem:s9], [sflag:$0x1] =	stream.indirect_vreg.gather [hbm4b:s5+s3], $0x80, v4, vm0, $0xb8;
	[tilespmem:$0x18080] =	vst v63  }
0x83: {  	_ = 	snop  }
0x84: {  	[tilespmem:s10], [sflag:$0x1] =	stream.indirect_vreg.gather [hbm4b:s2+s3], $0x80, v3, vm0, $0xb8;
	[tilespmem:$0x18080] =	vst v63  }
0x85: {  	_ = 	snop  }
0x86: {  	[tilespmem:s11], [sflag:$0x1] =	stream.indirect_vreg.gather [hbm4b:s4+s3], $0x80, v3, vm0, $0xb8;
	[tilespmem:$0x18080] =	vst v63  }
0x87: {  	_ = 	snop  }
0x88: {  	[tilespmem:s12], [sflag:$0x1] =	stream.indirect_vreg.gather [hbm4b:s5+s3], $0x80, v3, vm0, $0xb8;
	[tilespmem:$0x18080] =	vst v63  }
0x89: {  	v3 =	vld [tilespmem:$0x50];
	_ =	sdelay $0x4  }
0x8a: {  	v61 =	vshrl.u32 v3, $0x3  }
0x8b: {  	v4 =	vmul.u32 $0x30, v61  }
0x8c: {  	v3 =	vand.u32 $0x7, v3  }
0x8d: {  	v3 =	vor.u32 v3, v4  }
0x8e: {  	v4 =	vperm.xlane v3, v0;
	_ =	sdelay $0x1  }
0x8f: {  	v4 =	vadd.s32 v1, v4;
	_ =	sdelay $0x3  }
0x90: {  	v3 =	vperm.xlane v3, v2  }
0x91: {  	[tilespmem:s13], [sflag:$0x1] =	stream.indirect_vreg.gather [hbm4b:s2+s3], $0x80, v4, vm0, $0xb8;
	[tilespmem:$0x18080] =	vst v63  }
0x92: {  	v3 =	vadd.s32 v1, v3  }
0x93: {  	[tilespmem:s14], [sflag:$0x1] =	stream.indirect_vreg.gather [hbm4b:s4+s3], $0x80, v4, vm0, $0xb8;
	[tilespmem:$0x18080] =	vst v63  }
0x94: {  	_ = 	snop  }
0x95: {  	[tilespmem:s15], [sflag:$0x1] =	stream.indirect_vreg.gather [hbm4b:s5+s3], $0x80, v4, vm0, $0xb8;
	[tilespmem:$0x18080] =	vst v63  }
0x96: {  	_ = 	snop  }
0x97: {  	[tilespmem:s16], [sflag:$0x1] =	stream.indirect_vreg.gather [hbm4b:s2+s3], $0x80, v3, vm0, $0xb8;
	[tilespmem:$0x18080] =	vst v63  }
0x98: {  	_ = 	snop  }
0x99: {  	[tilespmem:s17], [sflag:$0x1] =	stream.indirect_vreg.gather [hbm4b:s4+s3], $0x80, v3, vm0, $0xb8;
	[tilespmem:$0x18080] =	vst v63  }
0x9a: {  	_ = 	snop  }
0x9b: {  	[tilespmem:s18], [sflag:$0x1] =	stream.indirect_vreg.gather [hbm4b:s5+s3], $0x80, v3, vm0, $0xb8;
	[tilespmem:$0x18080] =	vst v63  }
0x9c: {  	v3 =	vld [tilespmem:$0x60];
	_ =	sdelay $0x4  }
0x9d: {  	v62 =	vshrl.u32 v3, $0x3  }
0x9e: {  	v4 =	vmul.u32 $0x30, v62  }
0x9f: {  	v3 =	vand.u32 $0x7, v3  }
0xa0: {  	v3 =	vor.u32 v3, v4  }
0xa1: {  	v4 =	vperm.xlane v3, v0;
	_ =	sdelay $0x1  }
0xa2: {  	v4 =	vadd.s32 v1, v4;
	_ =	sdelay $0x3  }
0xa3: {  	v3 =	vperm.xlane v3, v2  }
0xa4: {  	[tilespmem:s19], [sflag:$0x1] =	stream.indirect_vreg.gather [hbm4b:s2+s3], $0x80, v4, vm0, $0xb8;
	[tilespmem:$0x18080] =	vst v63  }
0xa5: {  	v3 =	vadd.s32 v1, v3  }
0xa6: {  	[tilespmem:s20], [sflag:$0x1] =	stream.indirect_vreg.gather [hbm4b:s4+s3], $0x80, v4, vm0, $0xb8;
	[tilespmem:$0x18080] =	vst v63  }
0xa7: {  	_ = 	snop  }
0xa8: {  	[tilespmem:s21], [sflag:$0x1] =	stream.indirect_vreg.gather [hbm4b:s5+s3], $0x80, v4, vm0, $0xb8;
	[tilespmem:$0x18080] =	vst v63  }
0xa9: {  	_ = 	snop  }
0xaa: {  	[tilespmem:s22], [sflag:$0x1] =	stream.indirect_vreg.gather [hbm4b:s2+s3], $0x80, v3, vm0, $0xb8;
	[tilespmem:$0x18080] =	vst v63  }
0xab: {  	_ = 	snop  }
0xac: {  	[tilespmem:s23], [sflag:$0x1] =	stream.indirect_vreg.gather [hbm4b:s4+s3], $0x80, v3, vm0, $0xb8;
	[tilespmem:$0x18080] =	vst v63  }
0xad: {  	_ = 	snop  }
0xae: {  	[tilespmem:s24], [sflag:$0x1] =	stream.indirect_vreg.gather [hbm4b:s5+s3], $0x80, v3, vm0, $0xb8;
	[tilespmem:$0x18080] =	vst v63  }
0xaf: {  	v3 =	vld [tilespmem:$0x70];
	_ =	sdelay $0x4  }
0xb0: {  	v63 =	vshrl.u32 v3, $0x3  }
0xb1: {  	v4 =	vmul.u32 $0x30, v63  }
0xb2: {  	v3 =	vand.u32 $0x7, v3  }
0xb3: {  	v3 =	vor.u32 v3, v4  }
0xb4: {  	v4 =	vperm.xlane v3, v0;
	_ =	sdelay $0x1  }
0xb5: {  	v4 =	vadd.s32 v1, v4;
	_ =	sdelay $0x3  }
0xb6: {  	v3 =	vperm.xlane v3, v2  }
0xb7: {  	[tilespmem:s25], [sflag:$0x1] =	stream.indirect_vreg.gather [hbm4b:s2+s3], $0x80, v4, vm0, $0xb8;
	[tilespmem:$0x18080] =	vst v63  }
0xb8: {  	v3 =	vadd.s32 v1, v3  }
0xb9: {  	[tilespmem:s26], [sflag:$0x1] =	stream.indirect_vreg.gather [hbm4b:s4+s3], $0x80, v4, vm0, $0xb8;
	[tilespmem:$0x18080] =	vst v63  }
0xba: {  	_ = 	snop  }
0xbb: {  	[tilespmem:s28], [sflag:$0x1] =	stream.indirect_vreg.gather [hbm4b:s5+s3], $0x80, v4, vm0, $0xb8;
	[tilespmem:$0x18080] =	vst v63  }
0xbc: {  	_ = 	snop  }
0xbd: {  	[tilespmem:s29], [sflag:$0x1] =	stream.indirect_vreg.gather [hbm4b:s2+s3], $0x80, v3, vm0, $0xb8;
	[tilespmem:$0x18080] =	vst v63  }
0xbe: {  	_ = 	snop  }
0xbf: {  	[tilespmem:s30], [sflag:$0x1] =	stream.indirect_vreg.gather [hbm4b:s4+s3], $0x80, v3, vm0, $0xb8;
	[tilespmem:$0x18080] =	vst v63  }
0xc0: {  	_ = 	snop  }
0xc1: {  	[tilespmem:s31], [sflag:$0x1] =	stream.indirect_vreg.gather [hbm4b:s5+s3], $0x80, v3, vm0, $0xb8;
	[tilespmem:$0x18080] =	vst v63  }
0xc2: {  	_ =	swait.ge [sflag:s1], $0x18000  }
0xc3: {  	p0 =	sne.s32 s6, $0x1;
	[sflag:s1] =	ssyncset.done $0x0  }
.Ltmp0:
0xc4: {  	s9 =	rddreg [dreg:$0x4];
	[sflag:s1] =	ssyncadd.s32 $0xFFFE8000;
	(pc) =	sbr.rel @p0 .LBB2_1-.Ltmp0, $4  }
0xc5: {  	[hbm4b:s9+s3] =	stream.linear.scatter [tilespmem:s8], [sflag:$0x2], $0x18000, $0x38;
	[tilespmem:$0x18080] =	vst v63  }
0xc6: {  	_ =	swait.ge [sflag:s7], $0x18000  }
0xc7: {  	[sflag:s7] =	ssyncset.done $0x0  }
0xc8: {  	s6 =	sadd.s32 $0xFFFFFFFF, s6;
	[sflag:s7] =	ssyncadd.s32 $0xFFFE8000  }
0xc9: {  	_ =	sfence.sel $0x180000  }
0xca: {  	[bflag:$0x0] =	sbarrier.arrive $0xFFFF  }
0xcb: {  	_ =	strace $0x90000053  }
0xcc: {  	s0 =	stileid.u32;
	[bflag:$0x2] =	sbarrier.arrive $0xFFFF  }
0xcd: {  	p0 =	sne.s32 s0, $0x0;
	s0 =	rddreg [dreg:$0x2]  }
0xce: {  	s0 =	sadd.s32 @!p0 $0x100000, s0  }
0xcf: {  	[sflag:s0] =	ssyncadd.tile.s32 @!p0 $0x1;
	_ =	shalt  }
.Lfunc_end2:
_tile_overlayer_lowered:
.L_overlay_start_2:
0xd0: {  	(tag) =	ssettag $0x2  }
0xd1: {  	s0 =	rddreg [dreg:$0x0];
	s2 =	stileid.u32  }
0xd2: {  	s1 =	rddreg [dreg:$0x1];
	p0 =	sne.s32 s2, $0x0  }
0xd3: {  	s3 =	rddreg [dreg:$0x2];
	[bflag:$0x3] =	sbarrier.arrive $0xFFFF;
	s2 =	simm.s32 @!p0 $0x1C02  }
0xd4: {  	[timem:s3], [sflag:s2] =	dma.local @!p0 [hbm:s0], s1  }
0xd5: {  	s0 =	simm.s32 @!p0 $0x2  }
0xd6: {  	_ =	swait.ge @!p0 [sflag:s0], s1  }
0xd7: {  	s1 =	ssub.s32 @!p0 $0x0, s1;
	[sflag:s0] =	ssyncset.done @!p0 $0x0  }
0xd8: {  	[sflag:s0] =	ssyncadd.s32 @!p0 s1  }
0xd9: {  	[bflag:$0x3] =	sbarrier.arrive $0xFFFF  }
0xda: {  	_ =	shalt  }

</sc_bundles>
